<compile_context>
chip_gen: v7x
topology: tpu7x:2x2x1
jax: 0.10.2.dev20260603
libtpu: 0.0.44.dev20260713+nightly
codegen_flags: <defaults>
</compile_context>

<pallas_src>
import functools

import jax
import jax.numpy as jnp
from jax import lax
from jax.experimental import pallas as pl
from jax.experimental.pallas import tpu as pltpu
from jax.experimental.pallas import tpu_sc as plsc

_VOCAB = 100000
_DIM = 64
_K = 4
_N = 16384

_NC = 2
_NS = 16
_NW = _NC * _NS
_BPW = _N // _NW
_LANE = 16

_XCH = 8
_XB = _BPW // _XCH
_FCH = 4
_FB = _BPW // _FCH

_MESH = plsc.VectorSubcoreMesh(core_axis_name="c", subcore_axis_name="s")
_PARAMS = pltpu.CompilerParams(use_tc_tiling_on_sc=True,
                               needs_layout_passes=False)


def _base():
    wid = lax.axis_index("s") * _NC + lax.axis_index("c")
    return wid * _BPW


@functools.partial(
    pl.kernel,
    mesh=_MESH,
    compiler_params=_PARAMS,
    out_type=jax.ShapeDtypeStruct((_N, _K * _DIM), jnp.float32),
    scratch_types=[
        pltpu.VMEM((_BPW,), jnp.int32),
        pltpu.VMEM((3, _XB, _K * _DIM), jnp.float32),
        pltpu.SemaphoreType.DMA,
        pltpu.SemaphoreType.DMA,
        pltpu.SemaphoreType.DMA,
        pltpu.SemaphoreType.DMA,
    ],
)
def _gather_x(ranks_hbm, mx_hbm, out_hbm, idx_v, x_v, s0, s1, s2, so):
    base = _base()
    pltpu.sync_copy(ranks_hbm.at[pl.ds(base, _BPW)], idx_v)
    sems = (s0, s1, s2)
    cp = [None] * _XCH
    ocp = [None] * _XCH
    for i in range(2):
        cp[i] = pltpu.async_copy(
            mx_hbm.at[idx_v.at[pl.ds(i * _XB, _XB)]], x_v.at[i], sems[i])
    for i in range(_XCH):
        cp[i].wait()
        if i + 2 < _XCH:
            if i >= 1:
                ocp[i - 1].wait()
            cp[i + 2] = pltpu.async_copy(
                mx_hbm.at[idx_v.at[pl.ds((i + 2) * _XB, _XB)]],
                x_v.at[(i + 2) % 3], sems[(i + 2) % 3])
        ocp[i] = pltpu.async_copy(
            x_v.at[i % 3], out_hbm.at[pl.ds(base + i * _XB, _XB)], so)
    for i in range(max(_XCH - 3, 0), _XCH):
        ocp[i].wait()


@functools.partial(
    pl.kernel,
    mesh=_MESH,
    compiler_params=_PARAMS,
    out_type=(
        jax.ShapeDtypeStruct((_DIM, _N), jnp.float32),
        jax.ShapeDtypeStruct((_K, _N), jnp.float32),
    ),
    scratch_types=[
        pltpu.VMEM((_BPW,), jnp.int32),
        pltpu.VMEM((2, _FB, 128), jnp.float32),
        pltpu.VMEM((_DIM, _FB), jnp.float32),
        pltpu.VMEM((_K, _FB), jnp.float32),
        pltpu.SemaphoreType.DMA,
        pltpu.SemaphoreType.DMA,
    ],
)
def _gather_fm(ranks_hbm, fm_hbm, out_f_hbm, out_m_hbm,
               idx_v, g_v, ft_v, mt_v, s0, s1):
    base = _base()
    pltpu.sync_copy(ranks_hbm.at[pl.ds(base, _BPW)], idx_v)
    sems = (s0, s1)
    cp = [None, None]
    cp[0] = pltpu.async_copy(
        fm_hbm.at[idx_v.at[pl.ds(0, _FB)]], g_v.at[0], sems[0])
    lanes = lax.iota(jnp.int32, _LANE)
    for i in range(_FCH):
        if i + 1 < _FCH:
            cp[(i + 1) % 2] = pltpu.async_copy(
                fm_hbm.at[idx_v.at[pl.ds((i + 1) * _FB, _FB)]],
                g_v.at[(i + 1) % 2], sems[(i + 1) % 2])
        cp[i % 2].wait()
        gbuf = g_v.at[i % 2]

        def _extf(k, _):
            rg = k // _DIM
            d = k % _DIM
            rows = lanes + rg * _LANE
            vals = plsc.load_gather(gbuf, [rows, lanes * 0 + d])
            plsc.store_scatter(ft_v, [lanes * 0 + d, rows], vals)
            return ()

        def _extm(k, _):
            rg = k // _K
            t = k % _K
            rows = lanes + rg * _LANE
            vals = plsc.load_gather(gbuf, [rows, lanes * 0 + (_DIM + t)])
            plsc.store_scatter(mt_v, [lanes * 0 + t, rows], vals)
            return ()

        lax.fori_loop(0, (_FB // _LANE) * _DIM, _extf, (), unroll=False)
        lax.fori_loop(0, (_FB // _LANE) * _K, _extm, (), unroll=False)
        pltpu.sync_copy(ft_v, out_f_hbm.at[:, pl.ds(base + i * _FB, _FB)])
        pltpu.sync_copy(mt_v, out_m_hbm.at[:, pl.ds(base + i * _FB, _FB)])


@jax.jit
def _fire_word(ranks, func_weight, measure_x, measure_m):
    mx_t = measure_x.transpose(1, 2, 0).reshape(_K * _DIM, _VOCAB)
    mx2 = mx_t.T
    fm_t = jnp.concatenate(
        [func_weight.T, measure_m.T,
         jnp.zeros((128 - _DIM - _K, _VOCAB), jnp.float32)], axis=0)
    fm = fm_t.T
    x_rows = _gather_x(ranks, mx2)
    f_t, m_t = _gather_fm(ranks, fm)
    return (f_t.T, x_rows.reshape(_N, _K, _DIM), m_t.T)


def kernel(ranks, func_weight, measure_x, measure_m):
    return _fire_word(ranks, func_weight, measure_x, measure_m)

# --- scband reference (transcript-rebuilt; emitter-appended) ---
"""Pipeline reference for scband-fire-word-56358560858768 (READ-ONLY COPY).

The authoritative reference and input builder live on the scoring server;
editing this copy changes nothing except your own understanding.
"""

import jax, jax.numpy as jnp
import numpy as np

VOCAB = 100000   # vocab_size (len(vocab))
DIM = 64         # FireWordConfig.dim
K = 4            # DiracMixture components per word
N = 16384        # batch of word ranks


def setup_inputs(seed: int = 0) -> dict:
    key = jax.random.key(seed)
    k1, k2, k3, k4 = jax.random.split(key, 4)
    # forward arg: ranks (n,) of word ranks, values in [0, vocab_size)
    ranks = jax.random.randint(k1, (N,), 0, VOCAB, dtype=jnp.int32)
    # learned parameters produced by restack(vocab_size):
    # funcs: per-word functional parameters (planar functional -> DIM params per word)
    func_weight = jax.random.normal(k2, (VOCAB, DIM), dtype=jnp.float32)
    # measures: per-word DiracMixture: component locations x (VOCAB, K, DIM) and masses m (VOCAB, K)
    measure_x = jax.random.normal(k3, (VOCAB, K, DIM), dtype=jnp.float32)
    measure_m = jax.random.uniform(k4, (VOCAB, K), dtype=jnp.float32)
    return {"ranks": ranks, "func_weight": func_weight, "measure_x": measure_x, "measure_m": measure_m}


def reference(ranks, func_weight, measure_x, measure_m):
    # FireEmbedding.forward: FireTensor(funcs=self.funcs[ranks], measures=self.measures[ranks])
    # StackingSlicing.__getitem__ slices the stacked per-word parameters along axis 0.
    funcs = jnp.take(func_weight, ranks, axis=0)          # (N, DIM)
    meas_x = jnp.take(measure_x, ranks, axis=0)           # (N, K, DIM)
    meas_m = jnp.take(measure_m, ranks, axis=0)           # (N, K)
    return funcs, meas_x, meas_m

if __name__ == "__main__":
    import jax
    _d = setup_inputs()
    print(jax.jit(kernel)(*tuple(_d.values())))

</pallas_src>

<mosaic_0001>
#map = affine_map<(d0, d1) -> (0)>
#map1 = affine_map<(d0, d1) -> (0, 0)>
module attributes {stable_mosaic.version = 14 : i64} {
  func.func @_gather_x(%arg0: i32, %arg1: i32, %arg2: memref<16384xi32, #tpu.memory_space<hbm>>, %arg3: memref<100000x256xf32, #tpu.memory_space<hbm>>, %arg4: memref<16384x256xf32, #tpu.memory_space<hbm>>, %arg5: memref<512xi32, #tpu.memory_space<vmem>>, %arg6: memref<3x64x256xf32, #tpu.memory_space<vmem>>, %arg7: memref<!tpu.dma_semaphore, #tpu.memory_space<semaphore_mem>>, %arg8: memref<!tpu.dma_semaphore, #tpu.memory_space<semaphore_mem>>, %arg9: memref<!tpu.dma_semaphore, #tpu.memory_space<semaphore_mem>>, %arg10: memref<!tpu.dma_semaphore, #tpu.memory_space<semaphore_mem>>) attributes {dimension_semantics = [#tpu.dimension_semantics<core_parallel>, #tpu.dimension_semantics<subcore_parallel>], iteration_bounds = array<i64: 2, 16>, scalar_prefetch = 0 : i64, scratch_operands = 6 : i64, tpu.core_type = #tpu.core_type<sc_vector_subcore>, window_params = [{transform_indices = #map}, {transform_indices = #map1}, {transform_indices = #map1}]} {
    %mul3A = arith.constant 2 : i32
    %mul3A_0 = arith.muli %arg1, %mul3A : i32
    %add3A = arith.addi %mul3A_0, %arg0 : i32
    %mul3A_1 = arith.constant 512 : i32
    %mul3A_2 = arith.muli %add3A, %mul3A_1 : i32
    "tpu.region"() ({
      %run_scoped3A = tpu.sem_alloc : memref<!tpu.dma_semaphore, #tpu.memory_space<semaphore_mem>>
      %dma_start3A_385 = tpu.memref_slice %arg2[%mul3A_2] : memref<16384xi32, #tpu.memory_space<hbm>> -> memref<512xi32, #tpu.memory_space<hbm>>
      %dma_start3A_386 = tpu.memref_slice %arg2[%mul3A_2] : memref<16384xi32, #tpu.memory_space<hbm>> -> memref<512xi32, #tpu.memory_space<hbm>>
      tpu.enqueue_dma source(%dma_start3A_386 : memref<512xi32, #tpu.memory_space<hbm>>) target(%arg5 : memref<512xi32, #tpu.memory_space<vmem>>) target_semaphore(%run_scoped3A : memref<!tpu.dma_semaphore, #tpu.memory_space<semaphore_mem>>)
      %dma_wait3A_387 = tpu.memref_slice %arg2[%mul3A_2] : memref<16384xi32, #tpu.memory_space<hbm>> -> memref<512xi32, #tpu.memory_space<hbm>>
      %dma_wait3A_388 = tpu.memref_slice %arg2[%mul3A_2] : memref<16384xi32, #tpu.memory_space<hbm>> -> memref<512xi32, #tpu.memory_space<hbm>>
      tpu.wait_dma2 semaphore(%run_scoped3A : memref<!tpu.dma_semaphore, #tpu.memory_space<semaphore_mem>>) src(%dma_wait3A_388 : memref<512xi32, #tpu.memory_space<hbm>>) dst(%arg5 : memref<512xi32, #tpu.memory_space<vmem>>)
      tpu.yield
    }) : () -> ()
    %dma_start3A = arith.constant 0 : i32
    %dma_start3A_3 = arith.constant 0 : i32
    %dma_start3A_4 = arith.constant 0 : i32
    %dma_start3A_5 = tpu.memref_slice %arg6[%dma_start3A, %dma_start3A_3, %dma_start3A_4] : memref<3x64x256xf32, #tpu.memory_space<vmem>> -> memref<1x64x256xf32, #tpu.memory_space<vmem>>
    %dma_start3A_6 = tpu.memref_squeeze %dma_start3A_5 : memref<1x64x256xf32, #tpu.memory_space<vmem>> -> memref<64x256xf32, #tpu.memory_space<vmem>>
    %dma_start3A_7 = arith.constant 0 : i32
    %dma_start3A_8 = tpu.memref_slice %arg5[%dma_start3A_7] : memref<512xi32, #tpu.memory_space<vmem>> -> memref<64xi32, #tpu.memory_space<vmem>>
    %dma_start3A_9 = arith.constant 0 : i32
    %dma_start3A_10 = arith.constant 0 : i32
    %dma_start3A_11 = tpu.memref_slice %arg3[%dma_start3A_9, %dma_start3A_10] : memref<100000x256xf32, #tpu.memory_space<hbm>> -> memref<100000x256xf32, #tpu.memory_space<hbm>>
    tpu.enqueue_indirect_dma source(%dma_start3A_11 : memref<100000x256xf32, #tpu.memory_space<hbm>>) target(%dma_start3A_6 : memref<64x256xf32, #tpu.memory_space<vmem>>) offsets(%dma_start3A_8 : memref<64xi32, #tpu.memory_space<vmem>>) semaphore(%arg7 : memref<!tpu.dma_semaphore, #tpu.memory_space<semaphore_mem>>)
    %dma_start3A_12 = arith.constant 1 : i32
    %dma_start3A_13 = arith.constant 0 : i32
    %dma_start3A_14 = arith.constant 0 : i32
    %dma_start3A_15 = tpu.memref_slice %arg6[%dma_start3A_12, %dma_start3A_13, %dma_start3A_14] : memref<3x64x256xf32, #tpu.memory_space<vmem>> -> memref<1x64x256xf32, #tpu.memory_space<vmem>>
    %dma_start3A_16 = tpu.memref_squeeze %dma_start3A_15 : memref<1x64x256xf32, #tpu.memory_space<vmem>> -> memref<64x256xf32, #tpu.memory_space<vmem>>
    %dma_start3A_17 = arith.constant 64 : i32
    %dma_start3A_18 = tpu.memref_slice %arg5[%dma_start3A_17] : memref<512xi32, #tpu.memory_space<vmem>> -> memref<64xi32, #tpu.memory_space<vmem>>
    %dma_start3A_19 = arith.constant 0 : i32
    %dma_start3A_20 = arith.constant 0 : i32
    %dma_start3A_21 = tpu.memref_slice %arg3[%dma_start3A_19, %dma_start3A_20] : memref<100000x256xf32, #tpu.memory_space<hbm>> -> memref<100000x256xf32, #tpu.memory_space<hbm>>
    tpu.enqueue_indirect_dma source(%dma_start3A_21 : memref<100000x256xf32, #tpu.memory_space<hbm>>) target(%dma_start3A_16 : memref<64x256xf32, #tpu.memory_space<vmem>>) offsets(%dma_start3A_18 : memref<64xi32, #tpu.memory_space<vmem>>) semaphore(%arg8 : memref<!tpu.dma_semaphore, #tpu.memory_space<semaphore_mem>>)
    %dma_wait3A = arith.constant 0 : i32
    %dma_wait3A_22 = arith.constant 0 : i32
    %dma_wait3A_23 = arith.constant 0 : i32
    %dma_wait3A_24 = tpu.memref_slice %arg6[%dma_wait3A, %dma_wait3A_22, %dma_wait3A_23] : memref<3x64x256xf32, #tpu.memory_space<vmem>> -> memref<1x64x256xf32, #tpu.memory_space<vmem>>
    %dma_wait3A_25 = tpu.memref_squeeze %dma_wait3A_24 : memref<1x64x256xf32, #tpu.memory_space<vmem>> -> memref<64x256xf32, #tpu.memory_space<vmem>>
    %dma_wait3A_26 = arith.constant 0 : i32
    %dma_wait3A_27 = tpu.memref_slice %arg5[%dma_wait3A_26] : memref<512xi32, #tpu.memory_space<vmem>> -> memref<64xi32, #tpu.memory_space<vmem>>
    %dma_wait3A_28 = arith.constant 0 : i32
    %dma_wait3A_29 = arith.constant 0 : i32
    %dma_wait3A_30 = tpu.memref_slice %arg3[%dma_wait3A_28, %dma_wait3A_29] : memref<100000x256xf32, #tpu.memory_space<hbm>> -> memref<100000x256xf32, #tpu.memory_space<hbm>>
    tpu.wait_indirect_dma semaphore(%arg7 : memref<!tpu.dma_semaphore, #tpu.memory_space<semaphore_mem>>) src(%dma_wait3A_30 : memref<100000x256xf32, #tpu.memory_space<hbm>>) dst(%dma_wait3A_25 : memref<64x256xf32, #tpu.memory_space<vmem>>)
    %dma_start3A_31 = arith.constant 2 : i32
    %dma_start3A_32 = arith.constant 0 : i32
    %dma_start3A_33 = arith.constant 0 : i32
    %dma_start3A_34 = tpu.memref_slice %arg6[%dma_start3A_31, %dma_start3A_32, %dma_start3A_33] : memref<3x64x256xf32, #tpu.memory_space<vmem>> -> memref<1x64x256xf32, #tpu.memory_space<vmem>>
    %dma_start3A_35 = tpu.memref_squeeze %dma_start3A_34 : memref<1x64x256xf32, #tpu.memory_space<vmem>> -> memref<64x256xf32, #tpu.memory_space<vmem>>
    %dma_start3A_36 = arith.constant 128 : i32
    %dma_start3A_37 = tpu.memref_slice %arg5[%dma_start3A_36] : memref<512xi32, #tpu.memory_space<vmem>> -> memref<64xi32, #tpu.memory_space<vmem>>
    %dma_start3A_38 = arith.constant 0 : i32
    %dma_start3A_39 = arith.constant 0 : i32
    %dma_start3A_40 = tpu.memref_slice %arg3[%dma_start3A_38, %dma_start3A_39] : memref<100000x256xf32, #tpu.memory_space<hbm>> -> memref<100000x256xf32, #tpu.memory_space<hbm>>
    tpu.enqueue_indirect_dma source(%dma_start3A_40 : memref<100000x256xf32, #tpu.memory_space<hbm>>) target(%dma_start3A_35 : memref<64x256xf32, #tpu.memory_space<vmem>>) offsets(%dma_start3A_37 : memref<64xi32, #tpu.memory_space<vmem>>) semaphore(%arg9 : memref<!tpu.dma_semaphore, #tpu.memory_space<semaphore_mem>>)
    %add3A_41 = arith.constant 0 : i32
    %add3A_42 = arith.addi %mul3A_2, %add3A_41 : i32
    %dma_start3A_43 = arith.constant 0 : i32
    %dma_start3A_44 = arith.constant 0 : i32
    %dma_start3A_45 = arith.constant 0 : i32
    %dma_start3A_46 = tpu.memref_slice %arg6[%dma_start3A_43, %dma_start3A_44, %dma_start3A_45] : memref<3x64x256xf32, #tpu.memory_space<vmem>> -> memref<1x64x256xf32, #tpu.memory_space<vmem>>
    %dma_start3A_47 = tpu.memref_squeeze %dma_start3A_46 : memref<1x64x256xf32, #tpu.memory_space<vmem>> -> memref<64x256xf32, #tpu.memory_space<vmem>>
    %dma_start3A_48 = arith.constant 0 : i32
    %dma_start3A_49 = tpu.memref_slice %arg4[%add3A_42, %dma_start3A_48] : memref<16384x256xf32, #tpu.memory_space<hbm>> -> memref<64x256xf32, #tpu.memory_space<hbm>>
    %dma_start3A_50 = arith.constant 0 : i32
    %dma_start3A_51 = tpu.memref_slice %arg4[%add3A_42, %dma_start3A_50] : memref<16384x256xf32, #tpu.memory_space<hbm>> -> memref<64x256xf32, #tpu.memory_space<hbm>>
    %dma_start3A_52 = arith.constant 0 : i32
    %dma_start3A_53 = arith.constant 0 : i32
    %dma_start3A_54 = tpu.memref_slice %arg6[%dma_start3A_43, %dma_start3A_52, %dma_start3A_53] : memref<3x64x256xf32, #tpu.memory_space<vmem>> -> memref<1x64x256xf32, #tpu.memory_space<vmem>>
    %dma_start3A_55 = tpu.memref_squeeze %dma_start3A_54 : memref<1x64x256xf32, #tpu.memory_space<vmem>> -> memref<64x256xf32, #tpu.memory_space<vmem>>
    tpu.enqueue_dma source(%dma_start3A_55 : memref<64x256xf32, #tpu.memory_space<vmem>>) target(%dma_start3A_51 : memref<64x256xf32, #tpu.memory_space<hbm>>) target_semaphore(%arg10 : memref<!tpu.dma_semaphore, #tpu.memory_space<semaphore_mem>>)
    %dma_wait3A_56 = arith.constant 1 : i32
    %dma_wait3A_57 = arith.constant 0 : i32
    %dma_wait3A_58 = arith.constant 0 : i32
    %dma_wait3A_59 = tpu.memref_slice %arg6[%dma_wait3A_56, %dma_wait3A_57, %dma_wait3A_58] : memref<3x64x256xf32, #tpu.memory_space<vmem>> -> memref<1x64x256xf32, #tpu.memory_space<vmem>>
    %dma_wait3A_60 = tpu.memref_squeeze %dma_wait3A_59 : memref<1x64x256xf32, #tpu.memory_space<vmem>> -> memref<64x256xf32, #tpu.memory_space<vmem>>
    %dma_wait3A_61 = arith.constant 64 : i32
    %dma_wait3A_62 = tpu.memref_slice %arg5[%dma_wait3A_61] : memref<512xi32, #tpu.memory_space<vmem>> -> memref<64xi32, #tpu.memory_space<vmem>>
    %dma_wait3A_63 = arith.constant 0 : i32
    %dma_wait3A_64 = arith.constant 0 : i32
    %dma_wait3A_65 = tpu.memref_slice %arg3[%dma_wait3A_63, %dma_wait3A_64] : memref<100000x256xf32, #tpu.memory_space<hbm>> -> memref<100000x256xf32, #tpu.memory_space<hbm>>
    tpu.wait_indirect_dma semaphore(%arg8 : memref<!tpu.dma_semaphore, #tpu.memory_space<semaphore_mem>>) src(%dma_wait3A_65 : memref<100000x256xf32, #tpu.memory_space<hbm>>) dst(%dma_wait3A_60 : memref<64x256xf32, #tpu.memory_space<vmem>>)
    %dma_wait3A_66 = arith.constant 0 : i32
    %dma_wait3A_67 = arith.constant 0 : i32
    %dma_wait3A_68 = arith.constant 0 : i32
    %dma_wait3A_69 = tpu.memref_slice %arg6[%dma_wait3A_66, %dma_wait3A_67, %dma_wait3A_68] : memref<3x64x256xf32, #tpu.memory_space<vmem>> -> memref<1x64x256xf32, #tpu.memory_space<vmem>>
    %dma_wait3A_70 = tpu.memref_squeeze %dma_wait3A_69 : memref<1x64x256xf32, #tpu.memory_space<vmem>> -> memref<64x256xf32, #tpu.memory_space<vmem>>
    %dma_wait3A_71 = arith.constant 0 : i32
    %dma_wait3A_72 = tpu.memref_slice %arg4[%add3A_42, %dma_wait3A_71] : memref<16384x256xf32, #tpu.memory_space<hbm>> -> memref<64x256xf32, #tpu.memory_space<hbm>>
    %dma_wait3A_73 = arith.constant 0 : i32
    %dma_wait3A_74 = tpu.memref_slice %arg4[%add3A_42, %dma_wait3A_73] : memref<16384x256xf32, #tpu.memory_space<hbm>> -> memref<64x256xf32, #tpu.memory_space<hbm>>
    %dma_wait3A_75 = arith.constant 0 : i32
    %dma_wait3A_76 = arith.constant 0 : i32
    %dma_wait3A_77 = tpu.memref_slice %arg6[%dma_wait3A_66, %dma_wait3A_75, %dma_wait3A_76] : memref<3x64x256xf32, #tpu.memory_space<vmem>> -> memref<1x64x256xf32, #tpu.memory_space<vmem>>
    %dma_wait3A_78 = tpu.memref_squeeze %dma_wait3A_77 : memref<1x64x256xf32, #tpu.memory_space<vmem>> -> memref<64x256xf32, #tpu.memory_space<vmem>>
    tpu.wait_dma2 semaphore(%arg10 : memref<!tpu.dma_semaphore, #tpu.memory_space<semaphore_mem>>) src(%dma_wait3A_78 : memref<64x256xf32, #tpu.memory_space<vmem>>) dst(%dma_wait3A_74 : memref<64x256xf32, #tpu.memory_space<hbm>>)
    %dma_start3A_79 = arith.constant 0 : i32
    %dma_start3A_80 = arith.constant 0 : i32
    %dma_start3A_81 = arith.constant 0 : i32
    %dma_start3A_82 = tpu.memref_slice %arg6[%dma_start3A_79, %dma_start3A_80, %dma_start3A_81] : memref<3x64x256xf32, #tpu.memory_space<vmem>> -> memref<1x64x256xf32, #tpu.memory_space<vmem>>
    %dma_start3A_83 = tpu.memref_squeeze %dma_start3A_82 : memref<1x64x256xf32, #tpu.memory_space<vmem>> -> memref<64x256xf32, #tpu.memory_space<vmem>>
    %dma_start3A_84 = arith.constant 192 : i32
    %dma_start3A_85 = tpu.memref_slice %arg5[%dma_start3A_84] : memref<512xi32, #tpu.memory_space<vmem>> -> memref<64xi32, #tpu.memory_space<vmem>>
    %dma_start3A_86 = arith.constant 0 : i32
    %dma_start3A_87 = arith.constant 0 : i32
    %dma_start3A_88 = tpu.memref_slice %arg3[%dma_start3A_86, %dma_start3A_87] : memref<100000x256xf32, #tpu.memory_space<hbm>> -> memref<100000x256xf32, #tpu.memory_space<hbm>>
    tpu.enqueue_indirect_dma source(%dma_start3A_88 : memref<100000x256xf32, #tpu.memory_space<hbm>>) target(%dma_start3A_83 : memref<64x256xf32, #tpu.memory_space<vmem>>) offsets(%dma_start3A_85 : memref<64xi32, #tpu.memory_space<vmem>>) semaphore(%arg7 : memref<!tpu.dma_semaphore, #tpu.memory_space<semaphore_mem>>)
    %add3A_89 = arith.constant 64 : i32
    %add3A_90 = arith.addi %mul3A_2, %add3A_89 : i32
    %dma_start3A_91 = arith.constant 1 : i32
    %dma_start3A_92 = arith.constant 0 : i32
    %dma_start3A_93 = arith.constant 0 : i32
    %dma_start3A_94 = tpu.memref_slice %arg6[%dma_start3A_91, %dma_start3A_92, %dma_start3A_93] : memref<3x64x256xf32, #tpu.memory_space<vmem>> -> memref<1x64x256xf32, #tpu.memory_space<vmem>>
    %dma_start3A_95 = tpu.memref_squeeze %dma_start3A_94 : memref<1x64x256xf32, #tpu.memory_space<vmem>> -> memref<64x256xf32, #tpu.memory_space<vmem>>
    %dma_start3A_96 = arith.constant 0 : i32
    %dma_start3A_97 = tpu.memref_slice %arg4[%add3A_90, %dma_start3A_96] : memref<16384x256xf32, #tpu.memory_space<hbm>> -> memref<64x256xf32, #tpu.memory_space<hbm>>
    %dma_start3A_98 = arith.constant 0 : i32
    %dma_start3A_99 = tpu.memref_slice %arg4[%add3A_90, %dma_start3A_98] : memref<16384x256xf32, #tpu.memory_space<hbm>> -> memref<64x256xf32, #tpu.memory_space<hbm>>
    %dma_start3A_100 = arith.constant 0 : i32
    %dma_start3A_101 = arith.constant 0 : i32
    %dma_start3A_102 = tpu.memref_slice %arg6[%dma_start3A_91, %dma_start3A_100, %dma_start3A_101] : memref<3x64x256xf32, #tpu.memory_space<vmem>> -> memref<1x64x256xf32, #tpu.memory_space<vmem>>
    %dma_start3A_103 = tpu.memref_squeeze %dma_start3A_102 : memref<1x64x256xf32, #tpu.memory_space<vmem>> -> memref<64x256xf32, #tpu.memory_space<vmem>>
    tpu.enqueue_dma source(%dma_start3A_103 : memref<64x256xf32, #tpu.memory_space<vmem>>) target(%dma_start3A_99 : memref<64x256xf32, #tpu.memory_space<hbm>>) target_semaphore(%arg10 : memref<!tpu.dma_semaphore, #tpu.memory_space<semaphore_mem>>)
    %dma_wait3A_104 = arith.constant 2 : i32
    %dma_wait3A_105 = arith.constant 0 : i32
    %dma_wait3A_106 = arith.constant 0 : i32
    %dma_wait3A_107 = tpu.memref_slice %arg6[%dma_wait3A_104, %dma_wait3A_105, %dma_wait3A_106] : memref<3x64x256xf32, #tpu.memory_space<vmem>> -> memref<1x64x256xf32, #tpu.memory_space<vmem>>
    %dma_wait3A_108 = tpu.memref_squeeze %dma_wait3A_107 : memref<1x64x256xf32, #tpu.memory_space<vmem>> -> memref<64x256xf32, #tpu.memory_space<vmem>>
    %dma_wait3A_109 = arith.constant 128 : i32
    %dma_wait3A_110 = tpu.memref_slice %arg5[%dma_wait3A_109] : memref<512xi32, #tpu.memory_space<vmem>> -> memref<64xi32, #tpu.memory_space<vmem>>
    %dma_wait3A_111 = arith.constant 0 : i32
    %dma_wait3A_112 = arith.constant 0 : i32
    %dma_wait3A_113 = tpu.memref_slice %arg3[%dma_wait3A_111, %dma_wait3A_112] : memref<100000x256xf32, #tpu.memory_space<hbm>> -> memref<100000x256xf32, #tpu.memory_space<hbm>>
    tpu.wait_indirect_dma semaphore(%arg9 : memref<!tpu.dma_semaphore, #tpu.memory_space<semaphore_mem>>) src(%dma_wait3A_113 : memref<100000x256xf32, #tpu.memory_space<hbm>>) dst(%dma_wait3A_108 : memref<64x256xf32, #tpu.memory_space<vmem>>)
    %dma_wait3A_114 = arith.constant 1 : i32
    %dma_wait3A_115 = arith.constant 0 : i32
    %dma_wait3A_116 = arith.constant 0 : i32
    %dma_wait3A_117 = tpu.memref_slice %arg6[%dma_wait3A_114, %dma_wait3A_115, %dma_wait3A_116] : memref<3x64x256xf32, #tpu.memory_space<vmem>> -> memref<1x64x256xf32, #tpu.memory_space<vmem>>
    %dma_wait3A_118 = tpu.memref_squeeze %dma_wait3A_117 : memref<1x64x256xf32, #tpu.memory_space<vmem>> -> memref<64x256xf32, #tpu.memory_space<vmem>>
    %dma_wait3A_119 = arith.constant 0 : i32
    %dma_wait3A_120 = tpu.memref_slice %arg4[%add3A_90, %dma_wait3A_119] : memref<16384x256xf32, #tpu.memory_space<hbm>> -> memref<64x256xf32, #tpu.memory_space<hbm>>
    %dma_wait3A_121 = arith.constant 0 : i32
    %dma_wait3A_122 = tpu.memref_slice %arg4[%add3A_90, %dma_wait3A_121] : memref<16384x256xf32, #tpu.memory_space<hbm>> -> memref<64x256xf32, #tpu.memory_space<hbm>>
    %dma_wait3A_123 = arith.constant 0 : i32
    %dma_wait3A_124 = arith.constant 0 : i32
    %dma_wait3A_125 = tpu.memref_slice %arg6[%dma_wait3A_114, %dma_wait3A_123, %dma_wait3A_124] : memref<3x64x256xf32, #tpu.memory_space<vmem>> -> memref<1x64x256xf32, #tpu.memory_space<vmem>>
    %dma_wait3A_126 = tpu.memref_squeeze %dma_wait3A_125 : memref<1x64x256xf32, #tpu.memory_space<vmem>> -> memref<64x256xf32, #tpu.memory_space<vmem>>
    tpu.wait_dma2 semaphore(%arg10 : memref<!tpu.dma_semaphore, #tpu.memory_space<semaphore_mem>>) src(%dma_wait3A_126 : memref<64x256xf32, #tpu.memory_space<vmem>>) dst(%dma_wait3A_122 : memref<64x256xf32, #tpu.memory_space<hbm>>)
    %dma_start3A_127 = arith.constant 1 : i32
    %dma_start3A_128 = arith.constant 0 : i32
    %dma_start3A_129 = arith.constant 0 : i32
    %dma_start3A_130 = tpu.memref_slice %arg6[%dma_start3A_127, %dma_start3A_128, %dma_start3A_129] : memref<3x64x256xf32, #tpu.memory_space<vmem>> -> memref<1x64x256xf32, #tpu.memory_space<vmem>>
    %dma_start3A_131 = tpu.memref_squeeze %dma_start3A_130 : memref<1x64x256xf32, #tpu.memory_space<vmem>> -> memref<64x256xf32, #tpu.memory_space<vmem>>
    %dma_start3A_132 = arith.constant 256 : i32
    %dma_start3A_133 = tpu.memref_slice %arg5[%dma_start3A_132] : memref<512xi32, #tpu.memory_space<vmem>> -> memref<64xi32, #tpu.memory_space<vmem>>
    %dma_start3A_134 = arith.constant 0 : i32
    %dma_start3A_135 = arith.constant 0 : i32
    %dma_start3A_136 = tpu.memref_slice %arg3[%dma_start3A_134, %dma_start3A_135] : memref<100000x256xf32, #tpu.memory_space<hbm>> -> memref<100000x256xf32, #tpu.memory_space<hbm>>
    tpu.enqueue_indirect_dma source(%dma_start3A_136 : memref<100000x256xf32, #tpu.memory_space<hbm>>) target(%dma_start3A_131 : memref<64x256xf32, #tpu.memory_space<vmem>>) offsets(%dma_start3A_133 : memref<64xi32, #tpu.memory_space<vmem>>) semaphore(%arg8 : memref<!tpu.dma_semaphore, #tpu.memory_space<semaphore_mem>>)
    %add3A_137 = arith.constant 128 : i32
    %add3A_138 = arith.addi %mul3A_2, %add3A_137 : i32
    %dma_start3A_139 = arith.constant 2 : i32
    %dma_start3A_140 = arith.constant 0 : i32
    %dma_start3A_141 = arith.constant 0 : i32
    %dma_start3A_142 = tpu.memref_slice %arg6[%dma_start3A_139, %dma_start3A_140, %dma_start3A_141] : memref<3x64x256xf32, #tpu.memory_space<vmem>> -> memref<1x64x256xf32, #tpu.memory_space<vmem>>
    %dma_start3A_143 = tpu.memref_squeeze %dma_start3A_142 : memref<1x64x256xf32, #tpu.memory_space<vmem>> -> memref<64x256xf32, #tpu.memory_space<vmem>>
    %dma_start3A_144 = arith.constant 0 : i32
    %dma_start3A_145 = tpu.memref_slice %arg4[%add3A_138, %dma_start3A_144] : memref<16384x256xf32, #tpu.memory_space<hbm>> -> memref<64x256xf32, #tpu.memory_space<hbm>>
    %dma_start3A_146 = arith.constant 0 : i32
    %dma_start3A_147 = tpu.memref_slice %arg4[%add3A_138, %dma_start3A_146] : memref<16384x256xf32, #tpu.memory_space<hbm>> -> memref<64x256xf32, #tpu.memory_space<hbm>>
    %dma_start3A_148 = arith.constant 0 : i32
    %dma_start3A_149 = arith.constant 0 : i32
    %dma_start3A_150 = tpu.memref_slice %arg6[%dma_start3A_139, %dma_start3A_148, %dma_start3A_149] : memref<3x64x256xf32, #tpu.memory_space<vmem>> -> memref<1x64x256xf32, #tpu.memory_space<vmem>>
    %dma_start3A_151 = tpu.memref_squeeze %dma_start3A_150 : memref<1x64x256xf32, #tpu.memory_space<vmem>> -> memref<64x256xf32, #tpu.memory_space<vmem>>
    tpu.enqueue_dma source(%dma_start3A_151 : memref<64x256xf32, #tpu.memory_space<vmem>>) target(%dma_start3A_147 : memref<64x256xf32, #tpu.memory_space<hbm>>) target_semaphore(%arg10 : memref<!tpu.dma_semaphore, #tpu.memory_space<semaphore_mem>>)
    %dma_wait3A_152 = arith.constant 0 : i32
    %dma_wait3A_153 = arith.constant 0 : i32
    %dma_wait3A_154 = arith.constant 0 : i32
    %dma_wait3A_155 = tpu.memref_slice %arg6[%dma_wait3A_152, %dma_wait3A_153, %dma_wait3A_154] : memref<3x64x256xf32, #tpu.memory_space<vmem>> -> memref<1x64x256xf32, #tpu.memory_space<vmem>>
    %dma_wait3A_156 = tpu.memref_squeeze %dma_wait3A_155 : memref<1x64x256xf32, #tpu.memory_space<vmem>> -> memref<64x256xf32, #tpu.memory_space<vmem>>
    %dma_wait3A_157 = arith.constant 192 : i32
    %dma_wait3A_158 = tpu.memref_slice %arg5[%dma_wait3A_157] : memref<512xi32, #tpu.memory_space<vmem>> -> memref<64xi32, #tpu.memory_space<vmem>>
    %dma_wait3A_159 = arith.constant 0 : i32
    %dma_wait3A_160 = arith.constant 0 : i32
    %dma_wait3A_161 = tpu.memref_slice %arg3[%dma_wait3A_159, %dma_wait3A_160] : memref<100000x256xf32, #tpu.memory_space<hbm>> -> memref<100000x256xf32, #tpu.memory_space<hbm>>
    tpu.wait_indirect_dma semaphore(%arg7 : memref<!tpu.dma_semaphore, #tpu.memory_space<semaphore_mem>>) src(%dma_wait3A_161 : memref<100000x256xf32, #tpu.memory_space<hbm>>) dst(%dma_wait3A_156 : memref<64x256xf32, #tpu.memory_space<vmem>>)
    %dma_wait3A_162 = arith.constant 2 : i32
    %dma_wait3A_163 = arith.constant 0 : i32
    %dma_wait3A_164 = arith.constant 0 : i32
    %dma_wait3A_165 = tpu.memref_slice %arg6[%dma_wait3A_162, %dma_wait3A_163, %dma_wait3A_164] : memref<3x64x256xf32, #tpu.memory_space<vmem>> -> memref<1x64x256xf32, #tpu.memory_space<vmem>>
    %dma_wait3A_166 = tpu.memref_squeeze %dma_wait3A_165 : memref<1x64x256xf32, #tpu.memory_space<vmem>> -> memref<64x256xf32, #tpu.memory_space<vmem>>
    %dma_wait3A_167 = arith.constant 0 : i32
    %dma_wait3A_168 = tpu.memref_slice %arg4[%add3A_138, %dma_wait3A_167] : memref<16384x256xf32, #tpu.memory_space<hbm>> -> memref<64x256xf32, #tpu.memory_space<hbm>>
    %dma_wait3A_169 = arith.constant 0 : i32
    %dma_wait3A_170 = tpu.memref_slice %arg4[%add3A_138, %dma_wait3A_169] : memref<16384x256xf32, #tpu.memory_space<hbm>> -> memref<64x256xf32, #tpu.memory_space<hbm>>
    %dma_wait3A_171 = arith.constant 0 : i32
    %dma_wait3A_172 = arith.constant 0 : i32
    %dma_wait3A_173 = tpu.memref_slice %arg6[%dma_wait3A_162, %dma_wait3A_171, %dma_wait3A_172] : memref<3x64x256xf32, #tpu.memory_space<vmem>> -> memref<1x64x256xf32, #tpu.memory_space<vmem>>
    %dma_wait3A_174 = tpu.memref_squeeze %dma_wait3A_173 : memref<1x64x256xf32, #tpu.memory_space<vmem>> -> memref<64x256xf32, #tpu.memory_space<vmem>>
    tpu.wait_dma2 semaphore(%arg10 : memref<!tpu.dma_semaphore, #tpu.memory_space<semaphore_mem>>) src(%dma_wait3A_174 : memref<64x256xf32, #tpu.memory_space<vmem>>) dst(%dma_wait3A_170 : memref<64x256xf32, #tpu.memory_space<hbm>>)
    %dma_start3A_175 = arith.constant 2 : i32
    %dma_start3A_176 = arith.constant 0 : i32
    %dma_start3A_177 = arith.constant 0 : i32
    %dma_start3A_178 = tpu.memref_slice %arg6[%dma_start3A_175, %dma_start3A_176, %dma_start3A_177] : memref<3x64x256xf32, #tpu.memory_space<vmem>> -> memref<1x64x256xf32, #tpu.memory_space<vmem>>
    %dma_start3A_179 = tpu.memref_squeeze %dma_start3A_178 : memref<1x64x256xf32, #tpu.memory_space<vmem>> -> memref<64x256xf32, #tpu.memory_space<vmem>>
    %dma_start3A_180 = arith.constant 320 : i32
    %dma_start3A_181 = tpu.memref_slice %arg5[%dma_start3A_180] : memref<512xi32, #tpu.memory_space<vmem>> -> memref<64xi32, #tpu.memory_space<vmem>>
    %dma_start3A_182 = arith.constant 0 : i32
    %dma_start3A_183 = arith.constant 0 : i32
    %dma_start3A_184 = tpu.memref_slice %arg3[%dma_start3A_182, %dma_start3A_183] : memref<100000x256xf32, #tpu.memory_space<hbm>> -> memref<100000x256xf32, #tpu.memory_space<hbm>>
    tpu.enqueue_indirect_dma source(%dma_start3A_184 : memref<100000x256xf32, #tpu.memory_space<hbm>>) target(%dma_start3A_179 : memref<64x256xf32, #tpu.memory_space<vmem>>) offsets(%dma_start3A_181 : memref<64xi32, #tpu.memory_space<vmem>>) semaphore(%arg9 : memref<!tpu.dma_semaphore, #tpu.memory_space<semaphore_mem>>)
    %add3A_185 = arith.constant 192 : i32
    %add3A_186 = arith.addi %mul3A_2, %add3A_185 : i32
    %dma_start3A_187 = arith.constant 0 : i32
    %dma_start3A_188 = arith.constant 0 : i32
    %dma_start3A_189 = arith.constant 0 : i32
    %dma_start3A_190 = tpu.memref_slice %arg6[%dma_start3A_187, %dma_start3A_188, %dma_start3A_189] : memref<3x64x256xf32, #tpu.memory_space<vmem>> -> memref<1x64x256xf32, #tpu.memory_space<vmem>>
    %dma_start3A_191 = tpu.memref_squeeze %dma_start3A_190 : memref<1x64x256xf32, #tpu.memory_space<vmem>> -> memref<64x256xf32, #tpu.memory_space<vmem>>
    %dma_start3A_192 = arith.constant 0 : i32
    %dma_start3A_193 = tpu.memref_slice %arg4[%add3A_186, %dma_start3A_192] : memref<16384x256xf32, #tpu.memory_space<hbm>> -> memref<64x256xf32, #tpu.memory_space<hbm>>
    %dma_start3A_194 = arith.constant 0 : i32
    %dma_start3A_195 = tpu.memref_slice %arg4[%add3A_186, %dma_start3A_194] : memref<16384x256xf32, #tpu.memory_space<hbm>> -> memref<64x256xf32, #tpu.memory_space<hbm>>
    %dma_start3A_196 = arith.constant 0 : i32
    %dma_start3A_197 = arith.constant 0 : i32
    %dma_start3A_198 = tpu.memref_slice %arg6[%dma_start3A_187, %dma_start3A_196, %dma_start3A_197] : memref<3x64x256xf32, #tpu.memory_space<vmem>> -> memref<1x64x256xf32, #tpu.memory_space<vmem>>
    %dma_start3A_199 = tpu.memref_squeeze %dma_start3A_198 : memref<1x64x256xf32, #tpu.memory_space<vmem>> -> memref<64x256xf32, #tpu.memory_space<vmem>>
    tpu.enqueue_dma source(%dma_start3A_199 : memref<64x256xf32, #tpu.memory_space<vmem>>) target(%dma_start3A_195 : memref<64x256xf32, #tpu.memory_space<hbm>>) target_semaphore(%arg10 : memref<!tpu.dma_semaphore, #tpu.memory_space<semaphore_mem>>)
    %dma_wait3A_200 = arith.constant 1 : i32
    %dma_wait3A_201 = arith.constant 0 : i32
    %dma_wait3A_202 = arith.constant 0 : i32
    %dma_wait3A_203 = tpu.memref_slice %arg6[%dma_wait3A_200, %dma_wait3A_201, %dma_wait3A_202] : memref<3x64x256xf32, #tpu.memory_space<vmem>> -> memref<1x64x256xf32, #tpu.memory_space<vmem>>
    %dma_wait3A_204 = tpu.memref_squeeze %dma_wait3A_203 : memref<1x64x256xf32, #tpu.memory_space<vmem>> -> memref<64x256xf32, #tpu.memory_space<vmem>>
    %dma_wait3A_205 = arith.constant 256 : i32
    %dma_wait3A_206 = tpu.memref_slice %arg5[%dma_wait3A_205] : memref<512xi32, #tpu.memory_space<vmem>> -> memref<64xi32, #tpu.memory_space<vmem>>
    %dma_wait3A_207 = arith.constant 0 : i32
    %dma_wait3A_208 = arith.constant 0 : i32
    %dma_wait3A_209 = tpu.memref_slice %arg3[%dma_wait3A_207, %dma_wait3A_208] : memref<100000x256xf32, #tpu.memory_space<hbm>> -> memref<100000x256xf32, #tpu.memory_space<hbm>>
    tpu.wait_indirect_dma semaphore(%arg8 : memref<!tpu.dma_semaphore, #tpu.memory_space<semaphore_mem>>) src(%dma_wait3A_209 : memref<100000x256xf32, #tpu.memory_space<hbm>>) dst(%dma_wait3A_204 : memref<64x256xf32, #tpu.memory_space<vmem>>)
    %dma_wait3A_210 = arith.constant 0 : i32
    %dma_wait3A_211 = arith.constant 0 : i32
    %dma_wait3A_212 = arith.constant 0 : i32
    %dma_wait3A_213 = tpu.memref_slice %arg6[%dma_wait3A_210, %dma_wait3A_211, %dma_wait3A_212] : memref<3x64x256xf32, #tpu.memory_space<vmem>> -> memref<1x64x256xf32, #tpu.memory_space<vmem>>
    %dma_wait3A_214 = tpu.memref_squeeze %dma_wait3A_213 : memref<1x64x256xf32, #tpu.memory_space<vmem>> -> memref<64x256xf32, #tpu.memory_space<vmem>>
    %dma_wait3A_215 = arith.constant 0 : i32
    %dma_wait3A_216 = tpu.memref_slice %arg4[%add3A_186, %dma_wait3A_215] : memref<16384x256xf32, #tpu.memory_space<hbm>> -> memref<64x256xf32, #tpu.memory_space<hbm>>
    %dma_wait3A_217 = arith.constant 0 : i32
    %dma_wait3A_218 = tpu.memref_slice %arg4[%add3A_186, %dma_wait3A_217] : memref<16384x256xf32, #tpu.memory_space<hbm>> -> memref<64x256xf32, #tpu.memory_space<hbm>>
    %dma_wait3A_219 = arith.constant 0 : i32
    %dma_wait3A_220 = arith.constant 0 : i32
    %dma_wait3A_221 = tpu.memref_slice %arg6[%dma_wait3A_210, %dma_wait3A_219, %dma_wait3A_220] : memref<3x64x256xf32, #tpu.memory_space<vmem>> -> memref<1x64x256xf32, #tpu.memory_space<vmem>>
    %dma_wait3A_222 = tpu.memref_squeeze %dma_wait3A_221 : memref<1x64x256xf32, #tpu.memory_space<vmem>> -> memref<64x256xf32, #tpu.memory_space<vmem>>
    tpu.wait_dma2 semaphore(%arg10 : memref<!tpu.dma_semaphore, #tpu.memory_space<semaphore_mem>>) src(%dma_wait3A_222 : memref<64x256xf32, #tpu.memory_space<vmem>>) dst(%dma_wait3A_218 : memref<64x256xf32, #tpu.memory_space<hbm>>)
    %dma_start3A_223 = arith.constant 0 : i32
    %dma_start3A_224 = arith.constant 0 : i32
    %dma_start3A_225 = arith.constant 0 : i32
    %dma_start3A_226 = tpu.memref_slice %arg6[%dma_start3A_223, %dma_start3A_224, %dma_start3A_225] : memref<3x64x256xf32, #tpu.memory_space<vmem>> -> memref<1x64x256xf32, #tpu.memory_space<vmem>>
    %dma_start3A_227 = tpu.memref_squeeze %dma_start3A_226 : memref<1x64x256xf32, #tpu.memory_space<vmem>> -> memref<64x256xf32, #tpu.memory_space<vmem>>
    %dma_start3A_228 = arith.constant 384 : i32
    %dma_start3A_229 = tpu.memref_slice %arg5[%dma_start3A_228] : memref<512xi32, #tpu.memory_space<vmem>> -> memref<64xi32, #tpu.memory_space<vmem>>
    %dma_start3A_230 = arith.constant 0 : i32
    %dma_start3A_231 = arith.constant 0 : i32
    %dma_start3A_232 = tpu.memref_slice %arg3[%dma_start3A_230, %dma_start3A_231] : memref<100000x256xf32, #tpu.memory_space<hbm>> -> memref<100000x256xf32, #tpu.memory_space<hbm>>
    tpu.enqueue_indirect_dma source(%dma_start3A_232 : memref<100000x256xf32, #tpu.memory_space<hbm>>) target(%dma_start3A_227 : memref<64x256xf32, #tpu.memory_space<vmem>>) offsets(%dma_start3A_229 : memref<64xi32, #tpu.memory_space<vmem>>) semaphore(%arg7 : memref<!tpu.dma_semaphore, #tpu.memory_space<semaphore_mem>>)
    %add3A_233 = arith.constant 256 : i32
    %add3A_234 = arith.addi %mul3A_2, %add3A_233 : i32
    %dma_start3A_235 = arith.constant 1 : i32
    %dma_start3A_236 = arith.constant 0 : i32
    %dma_start3A_237 = arith.constant 0 : i32
    %dma_start3A_238 = tpu.memref_slice %arg6[%dma_start3A_235, %dma_start3A_236, %dma_start3A_237] : memref<3x64x256xf32, #tpu.memory_space<vmem>> -> memref<1x64x256xf32, #tpu.memory_space<vmem>>
    %dma_start3A_239 = tpu.memref_squeeze %dma_start3A_238 : memref<1x64x256xf32, #tpu.memory_space<vmem>> -> memref<64x256xf32, #tpu.memory_space<vmem>>
    %dma_start3A_240 = arith.constant 0 : i32
    %dma_start3A_241 = tpu.memref_slice %arg4[%add3A_234, %dma_start3A_240] : memref<16384x256xf32, #tpu.memory_space<hbm>> -> memref<64x256xf32, #tpu.memory_space<hbm>>
    %dma_start3A_242 = arith.constant 0 : i32
    %dma_start3A_243 = tpu.memref_slice %arg4[%add3A_234, %dma_start3A_242] : memref<16384x256xf32, #tpu.memory_space<hbm>> -> memref<64x256xf32, #tpu.memory_space<hbm>>
    %dma_start3A_244 = arith.constant 0 : i32
    %dma_start3A_245 = arith.constant 0 : i32
    %dma_start3A_246 = tpu.memref_slice %arg6[%dma_start3A_235, %dma_start3A_244, %dma_start3A_245] : memref<3x64x256xf32, #tpu.memory_space<vmem>> -> memref<1x64x256xf32, #tpu.memory_space<vmem>>
    %dma_start3A_247 = tpu.memref_squeeze %dma_start3A_246 : memref<1x64x256xf32, #tpu.memory_space<vmem>> -> memref<64x256xf32, #tpu.memory_space<vmem>>
    tpu.enqueue_dma source(%dma_start3A_247 : memref<64x256xf32, #tpu.memory_space<vmem>>) target(%dma_start3A_243 : memref<64x256xf32, #tpu.memory_space<hbm>>) target_semaphore(%arg10 : memref<!tpu.dma_semaphore, #tpu.memory_space<semaphore_mem>>)
    %dma_wait3A_248 = arith.constant 2 : i32
    %dma_wait3A_249 = arith.constant 0 : i32
    %dma_wait3A_250 = arith.constant 0 : i32
    %dma_wait3A_251 = tpu.memref_slice %arg6[%dma_wait3A_248, %dma_wait3A_249, %dma_wait3A_250] : memref<3x64x256xf32, #tpu.memory_space<vmem>> -> memref<1x64x256xf32, #tpu.memory_space<vmem>>
    %dma_wait3A_252 = tpu.memref_squeeze %dma_wait3A_251 : memref<1x64x256xf32, #tpu.memory_space<vmem>> -> memref<64x256xf32, #tpu.memory_space<vmem>>
    %dma_wait3A_253 = arith.constant 320 : i32
    %dma_wait3A_254 = tpu.memref_slice %arg5[%dma_wait3A_253] : memref<512xi32, #tpu.memory_space<vmem>> -> memref<64xi32, #tpu.memory_space<vmem>>
    %dma_wait3A_255 = arith.constant 0 : i32
    %dma_wait3A_256 = arith.constant 0 : i32
    %dma_wait3A_257 = tpu.memref_slice %arg3[%dma_wait3A_255, %dma_wait3A_256] : memref<100000x256xf32, #tpu.memory_space<hbm>> -> memref<100000x256xf32, #tpu.memory_space<hbm>>
    tpu.wait_indirect_dma semaphore(%arg9 : memref<!tpu.dma_semaphore, #tpu.memory_space<semaphore_mem>>) src(%dma_wait3A_257 : memref<100000x256xf32, #tpu.memory_space<hbm>>) dst(%dma_wait3A_252 : memref<64x256xf32, #tpu.memory_space<vmem>>)
    %dma_wait3A_258 = arith.constant 1 : i32
    %dma_wait3A_259 = arith.constant 0 : i32
    %dma_wait3A_260 = arith.constant 0 : i32
    %dma_wait3A_261 = tpu.memref_slice %arg6[%dma_wait3A_258, %dma_wait3A_259, %dma_wait3A_260] : memref<3x64x256xf32, #tpu.memory_space<vmem>> -> memref<1x64x256xf32, #tpu.memory_space<vmem>>
    %dma_wait3A_262 = tpu.memref_squeeze %dma_wait3A_261 : memref<1x64x256xf32, #tpu.memory_space<vmem>> -> memref<64x256xf32, #tpu.memory_space<vmem>>
    %dma_wait3A_263 = arith.constant 0 : i32
    %dma_wait3A_264 = tpu.memref_slice %arg4[%add3A_234, %dma_wait3A_263] : memref<16384x256xf32, #tpu.memory_space<hbm>> -> memref<64x256xf32, #tpu.memory_space<hbm>>
    %dma_wait3A_265 = arith.constant 0 : i32
    %dma_wait3A_266 = tpu.memref_slice %arg4[%add3A_234, %dma_wait3A_265] : memref<16384x256xf32, #tpu.memory_space<hbm>> -> memref<64x256xf32, #tpu.memory_space<hbm>>
    %dma_wait3A_267 = arith.constant 0 : i32
    %dma_wait3A_268 = arith.constant 0 : i32
    %dma_wait3A_269 = tpu.memref_slice %arg6[%dma_wait3A_258, %dma_wait3A_267, %dma_wait3A_268] : memref<3x64x256xf32, #tpu.memory_space<vmem>> -> memref<1x64x256xf32, #tpu.memory_space<vmem>>
    %dma_wait3A_270 = tpu.memref_squeeze %dma_wait3A_269 : memref<1x64x256xf32, #tpu.memory_space<vmem>> -> memref<64x256xf32, #tpu.memory_space<vmem>>
    tpu.wait_dma2 semaphore(%arg10 : memref<!tpu.dma_semaphore, #tpu.memory_space<semaphore_mem>>) src(%dma_wait3A_270 : memref<64x256xf32, #tpu.memory_space<vmem>>) dst(%dma_wait3A_266 : memref<64x256xf32, #tpu.memory_space<hbm>>)
    %dma_start3A_271 = arith.constant 1 : i32
    %dma_start3A_272 = arith.constant 0 : i32
    %dma_start3A_273 = arith.constant 0 : i32
    %dma_start3A_274 = tpu.memref_slice %arg6[%dma_start3A_271, %dma_start3A_272, %dma_start3A_273] : memref<3x64x256xf32, #tpu.memory_space<vmem>> -> memref<1x64x256xf32, #tpu.memory_space<vmem>>
    %dma_start3A_275 = tpu.memref_squeeze %dma_start3A_274 : memref<1x64x256xf32, #tpu.memory_space<vmem>> -> memref<64x256xf32, #tpu.memory_space<vmem>>
    %dma_start3A_276 = arith.constant 448 : i32
    %dma_start3A_277 = tpu.memref_slice %arg5[%dma_start3A_276] : memref<512xi32, #tpu.memory_space<vmem>> -> memref<64xi32, #tpu.memory_space<vmem>>
    %dma_start3A_278 = arith.constant 0 : i32
    %dma_start3A_279 = arith.constant 0 : i32
    %dma_start3A_280 = tpu.memref_slice %arg3[%dma_start3A_278, %dma_start3A_279] : memref<100000x256xf32, #tpu.memory_space<hbm>> -> memref<100000x256xf32, #tpu.memory_space<hbm>>
    tpu.enqueue_indirect_dma source(%dma_start3A_280 : memref<100000x256xf32, #tpu.memory_space<hbm>>) target(%dma_start3A_275 : memref<64x256xf32, #tpu.memory_space<vmem>>) offsets(%dma_start3A_277 : memref<64xi32, #tpu.memory_space<vmem>>) semaphore(%arg8 : memref<!tpu.dma_semaphore, #tpu.memory_space<semaphore_mem>>)
    %add3A_281 = arith.constant 320 : i32
    %add3A_282 = arith.addi %mul3A_2, %add3A_281 : i32
    %dma_start3A_283 = arith.constant 2 : i32
    %dma_start3A_284 = arith.constant 0 : i32
    %dma_start3A_285 = arith.constant 0 : i32
    %dma_start3A_286 = tpu.memref_slice %arg6[%dma_start3A_283, %dma_start3A_284, %dma_start3A_285] : memref<3x64x256xf32, #tpu.memory_space<vmem>> -> memref<1x64x256xf32, #tpu.memory_space<vmem>>
    %dma_start3A_287 = tpu.memref_squeeze %dma_start3A_286 : memref<1x64x256xf32, #tpu.memory_space<vmem>> -> memref<64x256xf32, #tpu.memory_space<vmem>>
    %dma_start3A_288 = arith.constant 0 : i32
    %dma_start3A_289 = tpu.memref_slice %arg4[%add3A_282, %dma_start3A_288] : memref<16384x256xf32, #tpu.memory_space<hbm>> -> memref<64x256xf32, #tpu.memory_space<hbm>>
    %dma_start3A_290 = arith.constant 0 : i32
    %dma_start3A_291 = tpu.memref_slice %arg4[%add3A_282, %dma_start3A_290] : memref<16384x256xf32, #tpu.memory_space<hbm>> -> memref<64x256xf32, #tpu.memory_space<hbm>>
    %dma_start3A_292 = arith.constant 0 : i32
    %dma_start3A_293 = arith.constant 0 : i32
    %dma_start3A_294 = tpu.memref_slice %arg6[%dma_start3A_283, %dma_start3A_292, %dma_start3A_293] : memref<3x64x256xf32, #tpu.memory_space<vmem>> -> memref<1x64x256xf32, #tpu.memory_space<vmem>>
    %dma_start3A_295 = tpu.memref_squeeze %dma_start3A_294 : memref<1x64x256xf32, #tpu.memory_space<vmem>> -> memref<64x256xf32, #tpu.memory_space<vmem>>
    tpu.enqueue_dma source(%dma_start3A_295 : memref<64x256xf32, #tpu.memory_space<vmem>>) target(%dma_start3A_291 : memref<64x256xf32, #tpu.memory_space<hbm>>) target_semaphore(%arg10 : memref<!tpu.dma_semaphore, #tpu.memory_space<semaphore_mem>>)
    %dma_wait3A_296 = arith.constant 0 : i32
    %dma_wait3A_297 = arith.constant 0 : i32
    %dma_wait3A_298 = arith.constant 0 : i32
    %dma_wait3A_299 = tpu.memref_slice %arg6[%dma_wait3A_296, %dma_wait3A_297, %dma_wait3A_298] : memref<3x64x256xf32, #tpu.memory_space<vmem>> -> memref<1x64x256xf32, #tpu.memory_space<vmem>>
    %dma_wait3A_300 = tpu.memref_squeeze %dma_wait3A_299 : memref<1x64x256xf32, #tpu.memory_space<vmem>> -> memref<64x256xf32, #tpu.memory_space<vmem>>
    %dma_wait3A_301 = arith.constant 384 : i32
    %dma_wait3A_302 = tpu.memref_slice %arg5[%dma_wait3A_301] : memref<512xi32, #tpu.memory_space<vmem>> -> memref<64xi32, #tpu.memory_space<vmem>>
    %dma_wait3A_303 = arith.constant 0 : i32
    %dma_wait3A_304 = arith.constant 0 : i32
    %dma_wait3A_305 = tpu.memref_slice %arg3[%dma_wait3A_303, %dma_wait3A_304] : memref<100000x256xf32, #tpu.memory_space<hbm>> -> memref<100000x256xf32, #tpu.memory_space<hbm>>
    tpu.wait_indirect_dma semaphore(%arg7 : memref<!tpu.dma_semaphore, #tpu.memory_space<semaphore_mem>>) src(%dma_wait3A_305 : memref<100000x256xf32, #tpu.memory_space<hbm>>) dst(%dma_wait3A_300 : memref<64x256xf32, #tpu.memory_space<vmem>>)
    %add3A_306 = arith.constant 384 : i32
    %add3A_307 = arith.addi %mul3A_2, %add3A_306 : i32
    %dma_start3A_308 = arith.constant 0 : i32
    %dma_start3A_309 = arith.constant 0 : i32
    %dma_start3A_310 = arith.constant 0 : i32
    %dma_start3A_311 = tpu.memref_slice %arg6[%dma_start3A_308, %dma_start3A_309, %dma_start3A_310] : memref<3x64x256xf32, #tpu.memory_space<vmem>> -> memref<1x64x256xf32, #tpu.memory_space<vmem>>
    %dma_start3A_312 = tpu.memref_squeeze %dma_start3A_311 : memref<1x64x256xf32, #tpu.memory_space<vmem>> -> memref<64x256xf32, #tpu.memory_space<vmem>>
    %dma_start3A_313 = arith.constant 0 : i32
    %dma_start3A_314 = tpu.memref_slice %arg4[%add3A_307, %dma_start3A_313] : memref<16384x256xf32, #tpu.memory_space<hbm>> -> memref<64x256xf32, #tpu.memory_space<hbm>>
    %dma_start3A_315 = arith.constant 0 : i32
    %dma_start3A_316 = tpu.memref_slice %arg4[%add3A_307, %dma_start3A_315] : memref<16384x256xf32, #tpu.memory_space<hbm>> -> memref<64x256xf32, #tpu.memory_space<hbm>>
    %dma_start3A_317 = arith.constant 0 : i32
    %dma_start3A_318 = arith.constant 0 : i32
    %dma_start3A_319 = tpu.memref_slice %arg6[%dma_start3A_308, %dma_start3A_317, %dma_start3A_318] : memref<3x64x256xf32, #tpu.memory_space<vmem>> -> memref<1x64x256xf32, #tpu.memory_space<vmem>>
    %dma_start3A_320 = tpu.memref_squeeze %dma_start3A_319 : memref<1x64x256xf32, #tpu.memory_space<vmem>> -> memref<64x256xf32, #tpu.memory_space<vmem>>
    tpu.enqueue_dma source(%dma_start3A_320 : memref<64x256xf32, #tpu.memory_space<vmem>>) target(%dma_start3A_316 : memref<64x256xf32, #tpu.memory_space<hbm>>) target_semaphore(%arg10 : memref<!tpu.dma_semaphore, #tpu.memory_space<semaphore_mem>>)
    %dma_wait3A_321 = arith.constant 1 : i32
    %dma_wait3A_322 = arith.constant 0 : i32
    %dma_wait3A_323 = arith.constant 0 : i32
    %dma_wait3A_324 = tpu.memref_slice %arg6[%dma_wait3A_321, %dma_wait3A_322, %dma_wait3A_323] : memref<3x64x256xf32, #tpu.memory_space<vmem>> -> memref<1x64x256xf32, #tpu.memory_space<vmem>>
    %dma_wait3A_325 = tpu.memref_squeeze %dma_wait3A_324 : memref<1x64x256xf32, #tpu.memory_space<vmem>> -> memref<64x256xf32, #tpu.memory_space<vmem>>
    %dma_wait3A_326 = arith.constant 448 : i32
    %dma_wait3A_327 = tpu.memref_slice %arg5[%dma_wait3A_326] : memref<512xi32, #tpu.memory_space<vmem>> -> memref<64xi32, #tpu.memory_space<vmem>>
    %dma_wait3A_328 = arith.constant 0 : i32
    %dma_wait3A_329 = arith.constant 0 : i32
    %dma_wait3A_330 = tpu.memref_slice %arg3[%dma_wait3A_328, %dma_wait3A_329] : memref<100000x256xf32, #tpu.memory_space<hbm>> -> memref<100000x256xf32, #tpu.memory_space<hbm>>
    tpu.wait_indirect_dma semaphore(%arg8 : memref<!tpu.dma_semaphore, #tpu.memory_space<semaphore_mem>>) src(%dma_wait3A_330 : memref<100000x256xf32, #tpu.memory_space<hbm>>) dst(%dma_wait3A_325 : memref<64x256xf32, #tpu.memory_space<vmem>>)
    %add3A_331 = arith.constant 448 : i32
    %add3A_332 = arith.addi %mul3A_2, %add3A_331 : i32
    %dma_start3A_333 = arith.constant 1 : i32
    %dma_start3A_334 = arith.constant 0 : i32
    %dma_start3A_335 = arith.constant 0 : i32
    %dma_start3A_336 = tpu.memref_slice %arg6[%dma_start3A_333, %dma_start3A_334, %dma_start3A_335] : memref<3x64x256xf32, #tpu.memory_space<vmem>> -> memref<1x64x256xf32, #tpu.memory_space<vmem>>
    %dma_start3A_337 = tpu.memref_squeeze %dma_start3A_336 : memref<1x64x256xf32, #tpu.memory_space<vmem>> -> memref<64x256xf32, #tpu.memory_space<vmem>>
    %dma_start3A_338 = arith.constant 0 : i32
    %dma_start3A_339 = tpu.memref_slice %arg4[%add3A_332, %dma_start3A_338] : memref<16384x256xf32, #tpu.memory_space<hbm>> -> memref<64x256xf32, #tpu.memory_space<hbm>>
    %dma_start3A_340 = arith.constant 0 : i32
    %dma_start3A_341 = tpu.memref_slice %arg4[%add3A_332, %dma_start3A_340] : memref<16384x256xf32, #tpu.memory_space<hbm>> -> memref<64x256xf32, #tpu.memory_space<hbm>>
    %dma_start3A_342 = arith.constant 0 : i32
    %dma_start3A_343 = arith.constant 0 : i32
    %dma_start3A_344 = tpu.memref_slice %arg6[%dma_start3A_333, %dma_start3A_342, %dma_start3A_343] : memref<3x64x256xf32, #tpu.memory_space<vmem>> -> memref<1x64x256xf32, #tpu.memory_space<vmem>>
    %dma_start3A_345 = tpu.memref_squeeze %dma_start3A_344 : memref<1x64x256xf32, #tpu.memory_space<vmem>> -> memref<64x256xf32, #tpu.memory_space<vmem>>
    tpu.enqueue_dma source(%dma_start3A_345 : memref<64x256xf32, #tpu.memory_space<vmem>>) target(%dma_start3A_341 : memref<64x256xf32, #tpu.memory_space<hbm>>) target_semaphore(%arg10 : memref<!tpu.dma_semaphore, #tpu.memory_space<semaphore_mem>>)
    %dma_wait3A_346 = arith.constant 2 : i32
    %dma_wait3A_347 = arith.constant 0 : i32
    %dma_wait3A_348 = arith.constant 0 : i32
    %dma_wait3A_349 = tpu.memref_slice %arg6[%dma_wait3A_346, %dma_wait3A_347, %dma_wait3A_348] : memref<3x64x256xf32, #tpu.memory_space<vmem>> -> memref<1x64x256xf32, #tpu.memory_space<vmem>>
    %dma_wait3A_350 = tpu.memref_squeeze %dma_wait3A_349 : memref<1x64x256xf32, #tpu.memory_space<vmem>> -> memref<64x256xf32, #tpu.memory_space<vmem>>
    %dma_wait3A_351 = arith.constant 0 : i32
    %dma_wait3A_352 = tpu.memref_slice %arg4[%add3A_282, %dma_wait3A_351] : memref<16384x256xf32, #tpu.memory_space<hbm>> -> memref<64x256xf32, #tpu.memory_space<hbm>>
    %dma_wait3A_353 = arith.constant 0 : i32
    %dma_wait3A_354 = tpu.memref_slice %arg4[%add3A_282, %dma_wait3A_353] : memref<16384x256xf32, #tpu.memory_space<hbm>> -> memref<64x256xf32, #tpu.memory_space<hbm>>
    %dma_wait3A_355 = arith.constant 0 : i32
    %dma_wait3A_356 = arith.constant 0 : i32
    %dma_wait3A_357 = tpu.memref_slice %arg6[%dma_wait3A_346, %dma_wait3A_355, %dma_wait3A_356] : memref<3x64x256xf32, #tpu.memory_space<vmem>> -> memref<1x64x256xf32, #tpu.memory_space<vmem>>
    %dma_wait3A_358 = tpu.memref_squeeze %dma_wait3A_357 : memref<1x64x256xf32, #tpu.memory_space<vmem>> -> memref<64x256xf32, #tpu.memory_space<vmem>>
    tpu.wait_dma2 semaphore(%arg10 : memref<!tpu.dma_semaphore, #tpu.memory_space<semaphore_mem>>) src(%dma_wait3A_358 : memref<64x256xf32, #tpu.memory_space<vmem>>) dst(%dma_wait3A_354 : memref<64x256xf32, #tpu.memory_space<hbm>>)
    %dma_wait3A_359 = arith.constant 0 : i32
    %dma_wait3A_360 = arith.constant 0 : i32
    %dma_wait3A_361 = arith.constant 0 : i32
    %dma_wait3A_362 = tpu.memref_slice %arg6[%dma_wait3A_359, %dma_wait3A_360, %dma_wait3A_361] : memref<3x64x256xf32, #tpu.memory_space<vmem>> -> memref<1x64x256xf32, #tpu.memory_space<vmem>>
    %dma_wait3A_363 = tpu.memref_squeeze %dma_wait3A_362 : memref<1x64x256xf32, #tpu.memory_space<vmem>> -> memref<64x256xf32, #tpu.memory_space<vmem>>
    %dma_wait3A_364 = arith.constant 0 : i32
    %dma_wait3A_365 = tpu.memref_slice %arg4[%add3A_307, %dma_wait3A_364] : memref<16384x256xf32, #tpu.memory_space<hbm>> -> memref<64x256xf32, #tpu.memory_space<hbm>>
    %dma_wait3A_366 = arith.constant 0 : i32
    %dma_wait3A_367 = tpu.memref_slice %arg4[%add3A_307, %dma_wait3A_366] : memref<16384x256xf32, #tpu.memory_space<hbm>> -> memref<64x256xf32, #tpu.memory_space<hbm>>
    %dma_wait3A_368 = arith.constant 0 : i32
    %dma_wait3A_369 = arith.constant 0 : i32
    %dma_wait3A_370 = tpu.memref_slice %arg6[%dma_wait3A_359, %dma_wait3A_368, %dma_wait3A_369] : memref<3x64x256xf32, #tpu.memory_space<vmem>> -> memref<1x64x256xf32, #tpu.memory_space<vmem>>
    %dma_wait3A_371 = tpu.memref_squeeze %dma_wait3A_370 : memref<1x64x256xf32, #tpu.memory_space<vmem>> -> memref<64x256xf32, #tpu.memory_space<vmem>>
    tpu.wait_dma2 semaphore(%arg10 : memref<!tpu.dma_semaphore, #tpu.memory_space<semaphore_mem>>) src(%dma_wait3A_371 : memref<64x256xf32, #tpu.memory_space<vmem>>) dst(%dma_wait3A_367 : memref<64x256xf32, #tpu.memory_space<hbm>>)
    %dma_wait3A_372 = arith.constant 1 : i32
    %dma_wait3A_373 = arith.constant 0 : i32
    %dma_wait3A_374 = arith.constant 0 : i32
    %dma_wait3A_375 = tpu.memref_slice %arg6[%dma_wait3A_372, %dma_wait3A_373, %dma_wait3A_374] : memref<3x64x256xf32, #tpu.memory_space<vmem>> -> memref<1x64x256xf32, #tpu.memory_space<vmem>>
    %dma_wait3A_376 = tpu.memref_squeeze %dma_wait3A_375 : memref<1x64x256xf32, #tpu.memory_space<vmem>> -> memref<64x256xf32, #tpu.memory_space<vmem>>
    %dma_wait3A_377 = arith.constant 0 : i32
    %dma_wait3A_378 = tpu.memref_slice %arg4[%add3A_332, %dma_wait3A_377] : memref<16384x256xf32, #tpu.memory_space<hbm>> -> memref<64x256xf32, #tpu.memory_space<hbm>>
    %dma_wait3A_379 = arith.constant 0 : i32
    %dma_wait3A_380 = tpu.memref_slice %arg4[%add3A_332, %dma_wait3A_379] : memref<16384x256xf32, #tpu.memory_space<hbm>> -> memref<64x256xf32, #tpu.memory_space<hbm>>
    %dma_wait3A_381 = arith.constant 0 : i32
    %dma_wait3A_382 = arith.constant 0 : i32
    %dma_wait3A_383 = tpu.memref_slice %arg6[%dma_wait3A_372, %dma_wait3A_381, %dma_wait3A_382] : memref<3x64x256xf32, #tpu.memory_space<vmem>> -> memref<1x64x256xf32, #tpu.memory_space<vmem>>
    %dma_wait3A_384 = tpu.memref_squeeze %dma_wait3A_383 : memref<1x64x256xf32, #tpu.memory_space<vmem>> -> memref<64x256xf32, #tpu.memory_space<vmem>>
    tpu.wait_dma2 semaphore(%arg10 : memref<!tpu.dma_semaphore, #tpu.memory_space<semaphore_mem>>) src(%dma_wait3A_384 : memref<64x256xf32, #tpu.memory_space<vmem>>) dst(%dma_wait3A_380 : memref<64x256xf32, #tpu.memory_space<hbm>>)
    return
  }
}

#map = affine_map<(d0, d1) -> (0)>
#map1 = affine_map<(d0, d1) -> (0, 0)>
module attributes {stable_mosaic.version = 14 : i64} {
  func.func @_gather_fm(%arg0: i32, %arg1: i32, %arg2: memref<16384xi32, #tpu.memory_space<hbm>>, %arg3: memref<100000x128xf32, #tpu.memory_space<hbm>>, %arg4: memref<64x16384xf32, #tpu.memory_space<hbm>>, %arg5: memref<4x16384xf32, #tpu.memory_space<hbm>>, %arg6: memref<512xi32, #tpu.memory_space<vmem>>, %arg7: memref<2x128x128xf32, #tpu.memory_space<vmem>>, %arg8: memref<64x128xf32, #tpu.memory_space<vmem>>, %arg9: memref<4x128xf32, #tpu.memory_space<vmem>>, %arg10: memref<!tpu.dma_semaphore, #tpu.memory_space<semaphore_mem>>, %arg11: memref<!tpu.dma_semaphore, #tpu.memory_space<semaphore_mem>>) attributes {dimension_semantics = [#tpu.dimension_semantics<core_parallel>, #tpu.dimension_semantics<subcore_parallel>], iteration_bounds = array<i64: 2, 16>, scalar_prefetch = 0 : i64, scratch_operands = 6 : i64, tpu.core_type = #tpu.core_type<sc_vector_subcore>, window_params = [{transform_indices = #map}, {transform_indices = #map1}, {transform_indices = #map1}, {transform_indices = #map1}]} {
    %mul3A = arith.constant 2 : i32
    %mul3A_0 = arith.muli %arg1, %mul3A : i32
    %add3A = arith.addi %mul3A_0, %arg0 : i32
    %mul3A_1 = arith.constant 512 : i32
    %mul3A_2 = arith.muli %add3A, %mul3A_1 : i32
    "tpu.region"() ({
      %run_scoped3A = tpu.sem_alloc : memref<!tpu.dma_semaphore, #tpu.memory_space<semaphore_mem>>
      %dma_start3A_144 = tpu.memref_slice %arg2[%mul3A_2] : memref<16384xi32, #tpu.memory_space<hbm>> -> memref<512xi32, #tpu.memory_space<hbm>>
      %dma_start3A_145 = tpu.memref_slice %arg2[%mul3A_2] : memref<16384xi32, #tpu.memory_space<hbm>> -> memref<512xi32, #tpu.memory_space<hbm>>
      tpu.enqueue_dma source(%dma_start3A_145 : memref<512xi32, #tpu.memory_space<hbm>>) target(%arg6 : memref<512xi32, #tpu.memory_space<vmem>>) target_semaphore(%run_scoped3A : memref<!tpu.dma_semaphore, #tpu.memory_space<semaphore_mem>>)
      %dma_wait3A_146 = tpu.memref_slice %arg2[%mul3A_2] : memref<16384xi32, #tpu.memory_space<hbm>> -> memref<512xi32, #tpu.memory_space<hbm>>
      %dma_wait3A_147 = tpu.memref_slice %arg2[%mul3A_2] : memref<16384xi32, #tpu.memory_space<hbm>> -> memref<512xi32, #tpu.memory_space<hbm>>
      tpu.wait_dma2 semaphore(%run_scoped3A : memref<!tpu.dma_semaphore, #tpu.memory_space<semaphore_mem>>) src(%dma_wait3A_147 : memref<512xi32, #tpu.memory_space<hbm>>) dst(%arg6 : memref<512xi32, #tpu.memory_space<vmem>>)
      tpu.yield
    }) : () -> ()
    %dma_start3A = arith.constant 0 : i32
    %dma_start3A_3 = arith.constant 0 : i32
    %dma_start3A_4 = arith.constant 0 : i32
    %dma_start3A_5 = tpu.memref_slice %arg7[%dma_start3A, %dma_start3A_3, %dma_start3A_4] : memref<2x128x128xf32, #tpu.memory_space<vmem>> -> memref<1x128x128xf32, #tpu.memory_space<vmem>>
    %dma_start3A_6 = tpu.memref_squeeze %dma_start3A_5 : memref<1x128x128xf32, #tpu.memory_space<vmem>> -> memref<128x128xf32, #tpu.memory_space<vmem>>
    %dma_start3A_7 = arith.constant 0 : i32
    %dma_start3A_8 = tpu.memref_slice %arg6[%dma_start3A_7] : memref<512xi32, #tpu.memory_space<vmem>> -> memref<128xi32, #tpu.memory_space<vmem>>
    %dma_start3A_9 = arith.constant 0 : i32
    %dma_start3A_10 = arith.constant 0 : i32
    %dma_start3A_11 = tpu.memref_slice %arg3[%dma_start3A_9, %dma_start3A_10] : memref<100000x128xf32, #tpu.memory_space<hbm>> -> memref<100000x128xf32, #tpu.memory_space<hbm>>
    tpu.enqueue_indirect_dma source(%dma_start3A_11 : memref<100000x128xf32, #tpu.memory_space<hbm>>) target(%dma_start3A_6 : memref<128x128xf32, #tpu.memory_space<vmem>>) offsets(%dma_start3A_8 : memref<128xi32, #tpu.memory_space<vmem>>) semaphore(%arg10 : memref<!tpu.dma_semaphore, #tpu.memory_space<semaphore_mem>>)
    %iota3A = tpu.iota {dimensions = array<i32: 0>} : vector<16xi32>
    %dma_start3A_12 = arith.constant 1 : i32
    %dma_start3A_13 = arith.constant 0 : i32
    %dma_start3A_14 = arith.constant 0 : i32
    %dma_start3A_15 = tpu.memref_slice %arg7[%dma_start3A_12, %dma_start3A_13, %dma_start3A_14] : memref<2x128x128xf32, #tpu.memory_space<vmem>> -> memref<1x128x128xf32, #tpu.memory_space<vmem>>
    %dma_start3A_16 = tpu.memref_squeeze %dma_start3A_15 : memref<1x128x128xf32, #tpu.memory_space<vmem>> -> memref<128x128xf32, #tpu.memory_space<vmem>>
    %dma_start3A_17 = arith.constant 128 : i32
    %dma_start3A_18 = tpu.memref_slice %arg6[%dma_start3A_17] : memref<512xi32, #tpu.memory_space<vmem>> -> memref<128xi32, #tpu.memory_space<vmem>>
    %dma_start3A_19 = arith.constant 0 : i32
    %dma_start3A_20 = arith.constant 0 : i32
    %dma_start3A_21 = tpu.memref_slice %arg3[%dma_start3A_19, %dma_start3A_20] : memref<100000x128xf32, #tpu.memory_space<hbm>> -> memref<100000x128xf32, #tpu.memory_space<hbm>>
    tpu.enqueue_indirect_dma source(%dma_start3A_21 : memref<100000x128xf32, #tpu.memory_space<hbm>>) target(%dma_start3A_16 : memref<128x128xf32, #tpu.memory_space<vmem>>) offsets(%dma_start3A_18 : memref<128xi32, #tpu.memory_space<vmem>>) semaphore(%arg11 : memref<!tpu.dma_semaphore, #tpu.memory_space<semaphore_mem>>)
    %dma_wait3A = arith.constant 0 : i32
    %dma_wait3A_22 = arith.constant 0 : i32
    %dma_wait3A_23 = arith.constant 0 : i32
    %dma_wait3A_24 = tpu.memref_slice %arg7[%dma_wait3A, %dma_wait3A_22, %dma_wait3A_23] : memref<2x128x128xf32, #tpu.memory_space<vmem>> -> memref<1x128x128xf32, #tpu.memory_space<vmem>>
    %dma_wait3A_25 = tpu.memref_squeeze %dma_wait3A_24 : memref<1x128x128xf32, #tpu.memory_space<vmem>> -> memref<128x128xf32, #tpu.memory_space<vmem>>
    %dma_wait3A_26 = arith.constant 0 : i32
    %dma_wait3A_27 = tpu.memref_slice %arg6[%dma_wait3A_26] : memref<512xi32, #tpu.memory_space<vmem>> -> memref<128xi32, #tpu.memory_space<vmem>>
    %dma_wait3A_28 = arith.constant 0 : i32
    %dma_wait3A_29 = arith.constant 0 : i32
    %dma_wait3A_30 = tpu.memref_slice %arg3[%dma_wait3A_28, %dma_wait3A_29] : memref<100000x128xf32, #tpu.memory_space<hbm>> -> memref<100000x128xf32, #tpu.memory_space<hbm>>
    tpu.wait_indirect_dma semaphore(%arg10 : memref<!tpu.dma_semaphore, #tpu.memory_space<semaphore_mem>>) src(%dma_wait3A_30 : memref<100000x128xf32, #tpu.memory_space<hbm>>) dst(%dma_wait3A_25 : memref<128x128xf32, #tpu.memory_space<vmem>>)
    %scan3A = arith.constant 0 : i32
    %scan3A_31 = arith.constant 0 : i32
    %scan3A_32 = arith.constant 512 : i32
    %scan3A_33 = arith.addi %scan3A_31, %scan3A_32 : i32
    %scan3A_34 = arith.constant 1 : i32
    scf.for %scan3A_144 = %scan3A_31 to %scan3A_33 step %scan3A_34  : i32 {
      %jit3A = arith.constant 64 : i32
      %div3A = arith.divsi %scan3A_144, %jit3A : i32
      %sign3A = arith.constant 0 : i32
      %sign3A_145 = arith.cmpi sgt, %scan3A_144, %sign3A : i32
      %sign3A_146 = arith.extui %sign3A_145 : i1 to i32
      %sign3A_147 = arith.constant 0 : i32
      %sign3A_148 = arith.cmpi slt, %scan3A_144, %sign3A_147 : i32
      %sign3A_149 = arith.extui %sign3A_148 : i1 to i32
      %sign3A_150 = arith.subi %sign3A_146, %sign3A_149 : i32
      %sign3A_151 = arith.constant 0 : i32
      %sign3A_152 = arith.cmpi sgt, %jit3A, %sign3A_151 : i32
      %sign3A_153 = arith.extui %sign3A_152 : i1 to i32
      %sign3A_154 = arith.constant 0 : i32
      %sign3A_155 = arith.cmpi slt, %jit3A, %sign3A_154 : i32
      %sign3A_156 = arith.extui %sign3A_155 : i1 to i32
      %sign3A_157 = arith.subi %sign3A_153, %sign3A_156 : i32
      %ne3A = arith.cmpi ne, %sign3A_150, %sign3A_157 : i32
      %rem3A = arith.remsi %scan3A_144, %jit3A : i32
      %ne3A_158 = arith.constant 0 : i32
      %ne3A_159 = arith.cmpi ne, %rem3A, %ne3A_158 : i32
      %and3A = arith.andi %ne3A, %ne3A_159 : i1
      %sub3A = arith.constant 1 : i32
      %sub3A_160 = arith.subi %div3A, %sub3A : i32
      %select_n3A = arith.select %and3A, %sub3A_160, %div3A : i32
      %jit3A_161 = arith.constant 64 : i32
      %eq3A = arith.constant 0 : i32
      %eq3A_162 = arith.cmpi eq, %jit3A_161, %eq3A : i32
      %jit3A_163 = arith.constant 1 : i32
      %select_n3A_164 = arith.select %eq3A_162, %jit3A_163, %jit3A_161 : i32
      %rem3A_165 = arith.remsi %scan3A_144, %select_n3A_164 : i32
      %ne3A_166 = arith.constant 0 : i32
      %ne3A_167 = arith.cmpi ne, %rem3A_165, %ne3A_166 : i32
      %lt3A = arith.constant 0 : i32
      %lt3A_168 = arith.cmpi slt, %rem3A_165, %lt3A : i32
      %lt3A_169 = arith.constant 0 : i32
      %lt3A_170 = arith.cmpi slt, %select_n3A_164, %lt3A_169 : i32
      %ne3A_171 = arith.xori %lt3A_168, %lt3A_170 : i1
      %and3A_172 = arith.andi %ne3A_171, %ne3A_167 : i1
      %add3A_173 = arith.addi %rem3A_165, %select_n3A_164 : i32
      %select_n3A_174 = arith.select %and3A_172, %add3A_173, %rem3A_165 : i32
      %mul3A_175 = arith.constant 16 : i32
      %mul3A_176 = arith.muli %select_n3A, %mul3A_175 : i32
      %add3A_177 = vector.broadcast %mul3A_176 : i32 to vector<16xi32>
      %add3A_178 = arith.addi %iota3A, %add3A_177 : vector<16xi32>
      %mul3A_179 = arith.constant 0 : i32
      %mul3A_180 = vector.broadcast %mul3A_179 : i32 to vector<16xi32>
      %mul3A_181 = arith.muli %iota3A, %mul3A_180 : vector<16xi32>
      %add3A_182 = vector.broadcast %select_n3A_174 : i32 to vector<16xi32>
      %add3A_183 = arith.addi %mul3A_181, %add3A_182 : vector<16xi32>
      %gather3A = arith.constant 0 : i32
      %gather3A_184 = arith.constant 0 : i32
      %gather3A_185 = tpu.memref_slice %arg7[%scan3A, %gather3A, %gather3A_184] : memref<2x128x128xf32, #tpu.memory_space<vmem>> -> memref<1x128x128xf32, #tpu.memory_space<vmem>>
      %gather3A_186 = tpu.memref_squeeze %gather3A_185 : memref<1x128x128xf32, #tpu.memory_space<vmem>> -> memref<128x128xf32, #tpu.memory_space<vmem>>
      %gather3A_187 = tpu.vector_load_idx %gather3A_186[%add3A_178, %add3A_183] : memref<128x128xf32, #tpu.memory_space<vmem>>[vector<16xi32>, vector<16xi32>], vector<16xf32>,
      %mul3A_188 = arith.constant 0 : i32
      %mul3A_189 = vector.broadcast %mul3A_188 : i32 to vector<16xi32>
      %mul3A_190 = arith.muli %iota3A, %mul3A_189 : vector<16xi32>
      %add3A_191 = vector.broadcast %select_n3A_174 : i32 to vector<16xi32>
      %add3A_192 = arith.addi %mul3A_190, %add3A_191 : vector<16xi32>
      tpu.vector_store_idx %arg8[%add3A_192, %add3A_178], %gather3A_187 : memref<64x128xf32, #tpu.memory_space<vmem>>[vector<16xi32>, vector<16xi32>], vector<16xf32>,
    }
    %scan3A_35 = arith.constant 512 : i32
    %scan3A_36 = arith.constant 0 : i32
    %scan3A_37 = arith.constant 0 : i32
    %scan3A_38 = arith.constant 32 : i32
    %scan3A_39 = arith.addi %scan3A_37, %scan3A_38 : i32
    %scan3A_40 = arith.constant 1 : i32
    scf.for %scan3A_144 = %scan3A_37 to %scan3A_39 step %scan3A_40  : i32 {
      %jit3A = arith.constant 4 : i32
      %div3A = arith.divsi %scan3A_144, %jit3A : i32
      %sign3A = arith.constant 0 : i32
      %sign3A_145 = arith.cmpi sgt, %scan3A_144, %sign3A : i32
      %sign3A_146 = arith.extui %sign3A_145 : i1 to i32
      %sign3A_147 = arith.constant 0 : i32
      %sign3A_148 = arith.cmpi slt, %scan3A_144, %sign3A_147 : i32
      %sign3A_149 = arith.extui %sign3A_148 : i1 to i32
      %sign3A_150 = arith.subi %sign3A_146, %sign3A_149 : i32
      %sign3A_151 = arith.constant 0 : i32
      %sign3A_152 = arith.cmpi sgt, %jit3A, %sign3A_151 : i32
      %sign3A_153 = arith.extui %sign3A_152 : i1 to i32
      %sign3A_154 = arith.constant 0 : i32
      %sign3A_155 = arith.cmpi slt, %jit3A, %sign3A_154 : i32
      %sign3A_156 = arith.extui %sign3A_155 : i1 to i32
      %sign3A_157 = arith.subi %sign3A_153, %sign3A_156 : i32
      %ne3A = arith.cmpi ne, %sign3A_150, %sign3A_157 : i32
      %rem3A = arith.remsi %scan3A_144, %jit3A : i32
      %ne3A_158 = arith.constant 0 : i32
      %ne3A_159 = arith.cmpi ne, %rem3A, %ne3A_158 : i32
      %and3A = arith.andi %ne3A, %ne3A_159 : i1
      %sub3A = arith.constant 1 : i32
      %sub3A_160 = arith.subi %div3A, %sub3A : i32
      %select_n3A = arith.select %and3A, %sub3A_160, %div3A : i32
      %jit3A_161 = arith.constant 4 : i32
      %eq3A = arith.constant 0 : i32
      %eq3A_162 = arith.cmpi eq, %jit3A_161, %eq3A : i32
      %jit3A_163 = arith.constant 1 : i32
      %select_n3A_164 = arith.select %eq3A_162, %jit3A_163, %jit3A_161 : i32
      %rem3A_165 = arith.remsi %scan3A_144, %select_n3A_164 : i32
      %ne3A_166 = arith.constant 0 : i32
      %ne3A_167 = arith.cmpi ne, %rem3A_165, %ne3A_166 : i32
      %lt3A = arith.constant 0 : i32
      %lt3A_168 = arith.cmpi slt, %rem3A_165, %lt3A : i32
      %lt3A_169 = arith.constant 0 : i32
      %lt3A_170 = arith.cmpi slt, %select_n3A_164, %lt3A_169 : i32
      %ne3A_171 = arith.xori %lt3A_168, %lt3A_170 : i1
      %and3A_172 = arith.andi %ne3A_171, %ne3A_167 : i1
      %add3A_173 = arith.addi %rem3A_165, %select_n3A_164 : i32
      %select_n3A_174 = arith.select %and3A_172, %add3A_173, %rem3A_165 : i32
      %mul3A_175 = arith.constant 16 : i32
      %mul3A_176 = arith.muli %select_n3A, %mul3A_175 : i32
      %add3A_177 = vector.broadcast %mul3A_176 : i32 to vector<16xi32>
      %add3A_178 = arith.addi %iota3A, %add3A_177 : vector<16xi32>
      %mul3A_179 = arith.constant 0 : i32
      %mul3A_180 = vector.broadcast %mul3A_179 : i32 to vector<16xi32>
      %mul3A_181 = arith.muli %iota3A, %mul3A_180 : vector<16xi32>
      %add3A_182 = arith.constant 64 : i32
      %add3A_183 = arith.addi %add3A_182, %select_n3A_174 : i32
      %add3A_184 = vector.broadcast %add3A_183 : i32 to vector<16xi32>
      %add3A_185 = arith.addi %mul3A_181, %add3A_184 : vector<16xi32>
      %gather3A = arith.constant 0 : i32
      %gather3A_186 = arith.constant 0 : i32
      %gather3A_187 = tpu.memref_slice %arg7[%scan3A_36, %gather3A, %gather3A_186] : memref<2x128x128xf32, #tpu.memory_space<vmem>> -> memref<1x128x128xf32, #tpu.memory_space<vmem>>
      %gather3A_188 = tpu.memref_squeeze %gather3A_187 : memref<1x128x128xf32, #tpu.memory_space<vmem>> -> memref<128x128xf32, #tpu.memory_space<vmem>>
      %gather3A_189 = tpu.vector_load_idx %gather3A_188[%add3A_178, %add3A_185] : memref<128x128xf32, #tpu.memory_space<vmem>>[vector<16xi32>, vector<16xi32>], vector<16xf32>,
      %mul3A_190 = arith.constant 0 : i32
      %mul3A_191 = vector.broadcast %mul3A_190 : i32 to vector<16xi32>
      %mul3A_192 = arith.muli %iota3A, %mul3A_191 : vector<16xi32>
      %add3A_193 = vector.broadcast %select_n3A_174 : i32 to vector<16xi32>
      %add3A_194 = arith.addi %mul3A_192, %add3A_193 : vector<16xi32>
      tpu.vector_store_idx %arg9[%add3A_194, %add3A_178], %gather3A_189 : memref<4x128xf32, #tpu.memory_space<vmem>>[vector<16xi32>, vector<16xi32>], vector<16xf32>,
    }
    %scan3A_41 = arith.constant 32 : i32
    %add3A_42 = arith.constant 0 : i32
    %add3A_43 = arith.addi %mul3A_2, %add3A_42 : i32
    "tpu.region"() ({
      %run_scoped3A = tpu.sem_alloc : memref<!tpu.dma_semaphore, #tpu.memory_space<semaphore_mem>>
      %dma_start3A_144 = arith.constant 0 : i32
      %dma_start3A_145 = tpu.memref_slice %arg4[%dma_start3A_144, %add3A_43] : memref<64x16384xf32, #tpu.memory_space<hbm>> -> memref<64x128xf32, #tpu.memory_space<hbm>>
      %dma_start3A_146 = arith.constant 0 : i32
      %dma_start3A_147 = tpu.memref_slice %arg4[%dma_start3A_146, %add3A_43] : memref<64x16384xf32, #tpu.memory_space<hbm>> -> memref<64x128xf32, #tpu.memory_space<hbm>>
      tpu.enqueue_dma source(%arg8 : memref<64x128xf32, #tpu.memory_space<vmem>>) target(%dma_start3A_147 : memref<64x128xf32, #tpu.memory_space<hbm>>) target_semaphore(%run_scoped3A : memref<!tpu.dma_semaphore, #tpu.memory_space<semaphore_mem>>)
      %dma_wait3A_148 = arith.constant 0 : i32
      %dma_wait3A_149 = tpu.memref_slice %arg4[%dma_wait3A_148, %add3A_43] : memref<64x16384xf32, #tpu.memory_space<hbm>> -> memref<64x128xf32, #tpu.memory_space<hbm>>
      %dma_wait3A_150 = arith.constant 0 : i32
      %dma_wait3A_151 = tpu.memref_slice %arg4[%dma_wait3A_150, %add3A_43] : memref<64x16384xf32, #tpu.memory_space<hbm>> -> memref<64x128xf32, #tpu.memory_space<hbm>>
      tpu.wait_dma2 semaphore(%run_scoped3A : memref<!tpu.dma_semaphore, #tpu.memory_space<semaphore_mem>>) src(%arg8 : memref<64x128xf32, #tpu.memory_space<vmem>>) dst(%dma_wait3A_151 : memref<64x128xf32, #tpu.memory_space<hbm>>)
      tpu.yield
    }) : () -> ()
    %add3A_44 = arith.constant 0 : i32
    %add3A_45 = arith.addi %mul3A_2, %add3A_44 : i32
    "tpu.region"() ({
      %run_scoped3A = tpu.sem_alloc : memref<!tpu.dma_semaphore, #tpu.memory_space<semaphore_mem>>
      %dma_start3A_144 = arith.constant 0 : i32
      %dma_start3A_145 = tpu.memref_slice %arg5[%dma_start3A_144, %add3A_45] : memref<4x16384xf32, #tpu.memory_space<hbm>> -> memref<4x128xf32, #tpu.memory_space<hbm>>
      %dma_start3A_146 = arith.constant 0 : i32
      %dma_start3A_147 = tpu.memref_slice %arg5[%dma_start3A_146, %add3A_45] : memref<4x16384xf32, #tpu.memory_space<hbm>> -> memref<4x128xf32, #tpu.memory_space<hbm>>
      tpu.enqueue_dma source(%arg9 : memref<4x128xf32, #tpu.memory_space<vmem>>) target(%dma_start3A_147 : memref<4x128xf32, #tpu.memory_space<hbm>>) target_semaphore(%run_scoped3A : memref<!tpu.dma_semaphore, #tpu.memory_space<semaphore_mem>>)
      %dma_wait3A_148 = arith.constant 0 : i32
      %dma_wait3A_149 = tpu.memref_slice %arg5[%dma_wait3A_148, %add3A_45] : memref<4x16384xf32, #tpu.memory_space<hbm>> -> memref<4x128xf32, #tpu.memory_space<hbm>>
      %dma_wait3A_150 = arith.constant 0 : i32
      %dma_wait3A_151 = tpu.memref_slice %arg5[%dma_wait3A_150, %add3A_45] : memref<4x16384xf32, #tpu.memory_space<hbm>> -> memref<4x128xf32, #tpu.memory_space<hbm>>
      tpu.wait_dma2 semaphore(%run_scoped3A : memref<!tpu.dma_semaphore, #tpu.memory_space<semaphore_mem>>) src(%arg9 : memref<4x128xf32, #tpu.memory_space<vmem>>) dst(%dma_wait3A_151 : memref<4x128xf32, #tpu.memory_space<hbm>>)
      tpu.yield
    }) : () -> ()
    %dma_start3A_46 = arith.constant 0 : i32
    %dma_start3A_47 = arith.constant 0 : i32
    %dma_start3A_48 = arith.constant 0 : i32
    %dma_start3A_49 = tpu.memref_slice %arg7[%dma_start3A_46, %dma_start3A_47, %dma_start3A_48] : memref<2x128x128xf32, #tpu.memory_space<vmem>> -> memref<1x128x128xf32, #tpu.memory_space<vmem>>
    %dma_start3A_50 = tpu.memref_squeeze %dma_start3A_49 : memref<1x128x128xf32, #tpu.memory_space<vmem>> -> memref<128x128xf32, #tpu.memory_space<vmem>>
    %dma_start3A_51 = arith.constant 256 : i32
    %dma_start3A_52 = tpu.memref_slice %arg6[%dma_start3A_51] : memref<512xi32, #tpu.memory_space<vmem>> -> memref<128xi32, #tpu.memory_space<vmem>>
    %dma_start3A_53 = arith.constant 0 : i32
    %dma_start3A_54 = arith.constant 0 : i32
    %dma_start3A_55 = tpu.memref_slice %arg3[%dma_start3A_53, %dma_start3A_54] : memref<100000x128xf32, #tpu.memory_space<hbm>> -> memref<100000x128xf32, #tpu.memory_space<hbm>>
    tpu.enqueue_indirect_dma source(%dma_start3A_55 : memref<100000x128xf32, #tpu.memory_space<hbm>>) target(%dma_start3A_50 : memref<128x128xf32, #tpu.memory_space<vmem>>) offsets(%dma_start3A_52 : memref<128xi32, #tpu.memory_space<vmem>>) semaphore(%arg10 : memref<!tpu.dma_semaphore, #tpu.memory_space<semaphore_mem>>)
    %dma_wait3A_56 = arith.constant 1 : i32
    %dma_wait3A_57 = arith.constant 0 : i32
    %dma_wait3A_58 = arith.constant 0 : i32
    %dma_wait3A_59 = tpu.memref_slice %arg7[%dma_wait3A_56, %dma_wait3A_57, %dma_wait3A_58] : memref<2x128x128xf32, #tpu.memory_space<vmem>> -> memref<1x128x128xf32, #tpu.memory_space<vmem>>
    %dma_wait3A_60 = tpu.memref_squeeze %dma_wait3A_59 : memref<1x128x128xf32, #tpu.memory_space<vmem>> -> memref<128x128xf32, #tpu.memory_space<vmem>>
    %dma_wait3A_61 = arith.constant 128 : i32
    %dma_wait3A_62 = tpu.memref_slice %arg6[%dma_wait3A_61] : memref<512xi32, #tpu.memory_space<vmem>> -> memref<128xi32, #tpu.memory_space<vmem>>
    %dma_wait3A_63 = arith.constant 0 : i32
    %dma_wait3A_64 = arith.constant 0 : i32
    %dma_wait3A_65 = tpu.memref_slice %arg3[%dma_wait3A_63, %dma_wait3A_64] : memref<100000x128xf32, #tpu.memory_space<hbm>> -> memref<100000x128xf32, #tpu.memory_space<hbm>>
    tpu.wait_indirect_dma semaphore(%arg11 : memref<!tpu.dma_semaphore, #tpu.memory_space<semaphore_mem>>) src(%dma_wait3A_65 : memref<100000x128xf32, #tpu.memory_space<hbm>>) dst(%dma_wait3A_60 : memref<128x128xf32, #tpu.memory_space<vmem>>)
    %scan3A_66 = arith.constant 1 : i32
    %scan3A_67 = arith.constant 0 : i32
    %scan3A_68 = arith.constant 512 : i32
    %scan3A_69 = arith.addi %scan3A_67, %scan3A_68 : i32
    %scan3A_70 = arith.constant 1 : i32
    scf.for %scan3A_144 = %scan3A_67 to %scan3A_69 step %scan3A_70  : i32 {
      %jit3A = arith.constant 64 : i32
      %div3A = arith.divsi %scan3A_144, %jit3A : i32
      %sign3A = arith.constant 0 : i32
      %sign3A_145 = arith.cmpi sgt, %scan3A_144, %sign3A : i32
      %sign3A_146 = arith.extui %sign3A_145 : i1 to i32
      %sign3A_147 = arith.constant 0 : i32
      %sign3A_148 = arith.cmpi slt, %scan3A_144, %sign3A_147 : i32
      %sign3A_149 = arith.extui %sign3A_148 : i1 to i32
      %sign3A_150 = arith.subi %sign3A_146, %sign3A_149 : i32
      %sign3A_151 = arith.constant 0 : i32
      %sign3A_152 = arith.cmpi sgt, %jit3A, %sign3A_151 : i32
      %sign3A_153 = arith.extui %sign3A_152 : i1 to i32
      %sign3A_154 = arith.constant 0 : i32
      %sign3A_155 = arith.cmpi slt, %jit3A, %sign3A_154 : i32
      %sign3A_156 = arith.extui %sign3A_155 : i1 to i32
      %sign3A_157 = arith.subi %sign3A_153, %sign3A_156 : i32
      %ne3A = arith.cmpi ne, %sign3A_150, %sign3A_157 : i32
      %rem3A = arith.remsi %scan3A_144, %jit3A : i32
      %ne3A_158 = arith.constant 0 : i32
      %ne3A_159 = arith.cmpi ne, %rem3A, %ne3A_158 : i32
      %and3A = arith.andi %ne3A, %ne3A_159 : i1
      %sub3A = arith.constant 1 : i32
      %sub3A_160 = arith.subi %div3A, %sub3A : i32
      %select_n3A = arith.select %and3A, %sub3A_160, %div3A : i32
      %jit3A_161 = arith.constant 64 : i32
      %eq3A = arith.constant 0 : i32
      %eq3A_162 = arith.cmpi eq, %jit3A_161, %eq3A : i32
      %jit3A_163 = arith.constant 1 : i32
      %select_n3A_164 = arith.select %eq3A_162, %jit3A_163, %jit3A_161 : i32
      %rem3A_165 = arith.remsi %scan3A_144, %select_n3A_164 : i32
      %ne3A_166 = arith.constant 0 : i32
      %ne3A_167 = arith.cmpi ne, %rem3A_165, %ne3A_166 : i32
      %lt3A = arith.constant 0 : i32
      %lt3A_168 = arith.cmpi slt, %rem3A_165, %lt3A : i32
      %lt3A_169 = arith.constant 0 : i32
      %lt3A_170 = arith.cmpi slt, %select_n3A_164, %lt3A_169 : i32
      %ne3A_171 = arith.xori %lt3A_168, %lt3A_170 : i1
      %and3A_172 = arith.andi %ne3A_171, %ne3A_167 : i1
      %add3A_173 = arith.addi %rem3A_165, %select_n3A_164 : i32
      %select_n3A_174 = arith.select %and3A_172, %add3A_173, %rem3A_165 : i32
      %mul3A_175 = arith.constant 16 : i32
      %mul3A_176 = arith.muli %select_n3A, %mul3A_175 : i32
      %add3A_177 = vector.broadcast %mul3A_176 : i32 to vector<16xi32>
      %add3A_178 = arith.addi %iota3A, %add3A_177 : vector<16xi32>
      %mul3A_179 = arith.constant 0 : i32
      %mul3A_180 = vector.broadcast %mul3A_179 : i32 to vector<16xi32>
      %mul3A_181 = arith.muli %iota3A, %mul3A_180 : vector<16xi32>
      %add3A_182 = vector.broadcast %select_n3A_174 : i32 to vector<16xi32>
      %add3A_183 = arith.addi %mul3A_181, %add3A_182 : vector<16xi32>
      %gather3A = arith.constant 0 : i32
      %gather3A_184 = arith.constant 0 : i32
      %gather3A_185 = tpu.memref_slice %arg7[%scan3A_66, %gather3A, %gather3A_184] : memref<2x128x128xf32, #tpu.memory_space<vmem>> -> memref<1x128x128xf32, #tpu.memory_space<vmem>>
      %gather3A_186 = tpu.memref_squeeze %gather3A_185 : memref<1x128x128xf32, #tpu.memory_space<vmem>> -> memref<128x128xf32, #tpu.memory_space<vmem>>
      %gather3A_187 = tpu.vector_load_idx %gather3A_186[%add3A_178, %add3A_183] : memref<128x128xf32, #tpu.memory_space<vmem>>[vector<16xi32>, vector<16xi32>], vector<16xf32>,
      %mul3A_188 = arith.constant 0 : i32
      %mul3A_189 = vector.broadcast %mul3A_188 : i32 to vector<16xi32>
      %mul3A_190 = arith.muli %iota3A, %mul3A_189 : vector<16xi32>
      %add3A_191 = vector.broadcast %select_n3A_174 : i32 to vector<16xi32>
      %add3A_192 = arith.addi %mul3A_190, %add3A_191 : vector<16xi32>
      tpu.vector_store_idx %arg8[%add3A_192, %add3A_178], %gather3A_187 : memref<64x128xf32, #tpu.memory_space<vmem>>[vector<16xi32>, vector<16xi32>], vector<16xf32>,
    }
    %scan3A_71 = arith.constant 512 : i32
    %scan3A_72 = arith.constant 1 : i32
    %scan3A_73 = arith.constant 0 : i32
    %scan3A_74 = arith.constant 32 : i32
    %scan3A_75 = arith.addi %scan3A_73, %scan3A_74 : i32
    %scan3A_76 = arith.constant 1 : i32
    scf.for %scan3A_144 = %scan3A_73 to %scan3A_75 step %scan3A_76  : i32 {
      %jit3A = arith.constant 4 : i32
      %div3A = arith.divsi %scan3A_144, %jit3A : i32
      %sign3A = arith.constant 0 : i32
      %sign3A_145 = arith.cmpi sgt, %scan3A_144, %sign3A : i32
      %sign3A_146 = arith.extui %sign3A_145 : i1 to i32
      %sign3A_147 = arith.constant 0 : i32
      %sign3A_148 = arith.cmpi slt, %scan3A_144, %sign3A_147 : i32
      %sign3A_149 = arith.extui %sign3A_148 : i1 to i32
      %sign3A_150 = arith.subi %sign3A_146, %sign3A_149 : i32
      %sign3A_151 = arith.constant 0 : i32
      %sign3A_152 = arith.cmpi sgt, %jit3A, %sign3A_151 : i32
      %sign3A_153 = arith.extui %sign3A_152 : i1 to i32
      %sign3A_154 = arith.constant 0 : i32
      %sign3A_155 = arith.cmpi slt, %jit3A, %sign3A_154 : i32
      %sign3A_156 = arith.extui %sign3A_155 : i1 to i32
      %sign3A_157 = arith.subi %sign3A_153, %sign3A_156 : i32
      %ne3A = arith.cmpi ne, %sign3A_150, %sign3A_157 : i32
      %rem3A = arith.remsi %scan3A_144, %jit3A : i32
      %ne3A_158 = arith.constant 0 : i32
      %ne3A_159 = arith.cmpi ne, %rem3A, %ne3A_158 : i32
      %and3A = arith.andi %ne3A, %ne3A_159 : i1
      %sub3A = arith.constant 1 : i32
      %sub3A_160 = arith.subi %div3A, %sub3A : i32
      %select_n3A = arith.select %and3A, %sub3A_160, %div3A : i32
      %jit3A_161 = arith.constant 4 : i32
      %eq3A = arith.constant 0 : i32
      %eq3A_162 = arith.cmpi eq, %jit3A_161, %eq3A : i32
      %jit3A_163 = arith.constant 1 : i32
      %select_n3A_164 = arith.select %eq3A_162, %jit3A_163, %jit3A_161 : i32
      %rem3A_165 = arith.remsi %scan3A_144, %select_n3A_164 : i32
      %ne3A_166 = arith.constant 0 : i32
      %ne3A_167 = arith.cmpi ne, %rem3A_165, %ne3A_166 : i32
      %lt3A = arith.constant 0 : i32
      %lt3A_168 = arith.cmpi slt, %rem3A_165, %lt3A : i32
      %lt3A_169 = arith.constant 0 : i32
      %lt3A_170 = arith.cmpi slt, %select_n3A_164, %lt3A_169 : i32
      %ne3A_171 = arith.xori %lt3A_168, %lt3A_170 : i1
      %and3A_172 = arith.andi %ne3A_171, %ne3A_167 : i1
      %add3A_173 = arith.addi %rem3A_165, %select_n3A_164 : i32
      %select_n3A_174 = arith.select %and3A_172, %add3A_173, %rem3A_165 : i32
      %mul3A_175 = arith.constant 16 : i32
      %mul3A_176 = arith.muli %select_n3A, %mul3A_175 : i32
      %add3A_177 = vector.broadcast %mul3A_176 : i32 to vector<16xi32>
      %add3A_178 = arith.addi %iota3A, %add3A_177 : vector<16xi32>
      %mul3A_179 = arith.constant 0 : i32
      %mul3A_180 = vector.broadcast %mul3A_179 : i32 to vector<16xi32>
      %mul3A_181 = arith.muli %iota3A, %mul3A_180 : vector<16xi32>
      %add3A_182 = arith.constant 64 : i32
      %add3A_183 = arith.addi %add3A_182, %select_n3A_174 : i32
      %add3A_184 = vector.broadcast %add3A_183 : i32 to vector<16xi32>
      %add3A_185 = arith.addi %mul3A_181, %add3A_184 : vector<16xi32>
      %gather3A = arith.constant 0 : i32
      %gather3A_186 = arith.constant 0 : i32
      %gather3A_187 = tpu.memref_slice %arg7[%scan3A_72, %gather3A, %gather3A_186] : memref<2x128x128xf32, #tpu.memory_space<vmem>> -> memref<1x128x128xf32, #tpu.memory_space<vmem>>
      %gather3A_188 = tpu.memref_squeeze %gather3A_187 : memref<1x128x128xf32, #tpu.memory_space<vmem>> -> memref<128x128xf32, #tpu.memory_space<vmem>>
      %gather3A_189 = tpu.vector_load_idx %gather3A_188[%add3A_178, %add3A_185] : memref<128x128xf32, #tpu.memory_space<vmem>>[vector<16xi32>, vector<16xi32>], vector<16xf32>,
      %mul3A_190 = arith.constant 0 : i32
      %mul3A_191 = vector.broadcast %mul3A_190 : i32 to vector<16xi32>
      %mul3A_192 = arith.muli %iota3A, %mul3A_191 : vector<16xi32>
      %add3A_193 = vector.broadcast %select_n3A_174 : i32 to vector<16xi32>
      %add3A_194 = arith.addi %mul3A_192, %add3A_193 : vector<16xi32>
      tpu.vector_store_idx %arg9[%add3A_194, %add3A_178], %gather3A_189 : memref<4x128xf32, #tpu.memory_space<vmem>>[vector<16xi32>, vector<16xi32>], vector<16xf32>,
    }
    %scan3A_77 = arith.constant 32 : i32
    %add3A_78 = arith.constant 128 : i32
    %add3A_79 = arith.addi %mul3A_2, %add3A_78 : i32
    "tpu.region"() ({
      %run_scoped3A = tpu.sem_alloc : memref<!tpu.dma_semaphore, #tpu.memory_space<semaphore_mem>>
      %dma_start3A_144 = arith.constant 0 : i32
      %dma_start3A_145 = tpu.memref_slice %arg4[%dma_start3A_144, %add3A_79] : memref<64x16384xf32, #tpu.memory_space<hbm>> -> memref<64x128xf32, #tpu.memory_space<hbm>>
      %dma_start3A_146 = arith.constant 0 : i32
      %dma_start3A_147 = tpu.memref_slice %arg4[%dma_start3A_146, %add3A_79] : memref<64x16384xf32, #tpu.memory_space<hbm>> -> memref<64x128xf32, #tpu.memory_space<hbm>>
      tpu.enqueue_dma source(%arg8 : memref<64x128xf32, #tpu.memory_space<vmem>>) target(%dma_start3A_147 : memref<64x128xf32, #tpu.memory_space<hbm>>) target_semaphore(%run_scoped3A : memref<!tpu.dma_semaphore, #tpu.memory_space<semaphore_mem>>)
      %dma_wait3A_148 = arith.constant 0 : i32
      %dma_wait3A_149 = tpu.memref_slice %arg4[%dma_wait3A_148, %add3A_79] : memref<64x16384xf32, #tpu.memory_space<hbm>> -> memref<64x128xf32, #tpu.memory_space<hbm>>
      %dma_wait3A_150 = arith.constant 0 : i32
      %dma_wait3A_151 = tpu.memref_slice %arg4[%dma_wait3A_150, %add3A_79] : memref<64x16384xf32, #tpu.memory_space<hbm>> -> memref<64x128xf32, #tpu.memory_space<hbm>>
      tpu.wait_dma2 semaphore(%run_scoped3A : memref<!tpu.dma_semaphore, #tpu.memory_space<semaphore_mem>>) src(%arg8 : memref<64x128xf32, #tpu.memory_space<vmem>>) dst(%dma_wait3A_151 : memref<64x128xf32, #tpu.memory_space<hbm>>)
      tpu.yield
    }) : () -> ()
    %add3A_80 = arith.constant 128 : i32
    %add3A_81 = arith.addi %mul3A_2, %add3A_80 : i32
    "tpu.region"() ({
      %run_scoped3A = tpu.sem_alloc : memref<!tpu.dma_semaphore, #tpu.memory_space<semaphore_mem>>
      %dma_start3A_144 = arith.constant 0 : i32
      %dma_start3A_145 = tpu.memref_slice %arg5[%dma_start3A_144, %add3A_81] : memref<4x16384xf32, #tpu.memory_space<hbm>> -> memref<4x128xf32, #tpu.memory_space<hbm>>
      %dma_start3A_146 = arith.constant 0 : i32
      %dma_start3A_147 = tpu.memref_slice %arg5[%dma_start3A_146, %add3A_81] : memref<4x16384xf32, #tpu.memory_space<hbm>> -> memref<4x128xf32, #tpu.memory_space<hbm>>
      tpu.enqueue_dma source(%arg9 : memref<4x128xf32, #tpu.memory_space<vmem>>) target(%dma_start3A_147 : memref<4x128xf32, #tpu.memory_space<hbm>>) target_semaphore(%run_scoped3A : memref<!tpu.dma_semaphore, #tpu.memory_space<semaphore_mem>>)
      %dma_wait3A_148 = arith.constant 0 : i32
      %dma_wait3A_149 = tpu.memref_slice %arg5[%dma_wait3A_148, %add3A_81] : memref<4x16384xf32, #tpu.memory_space<hbm>> -> memref<4x128xf32, #tpu.memory_space<hbm>>
      %dma_wait3A_150 = arith.constant 0 : i32
      %dma_wait3A_151 = tpu.memref_slice %arg5[%dma_wait3A_150, %add3A_81] : memref<4x16384xf32, #tpu.memory_space<hbm>> -> memref<4x128xf32, #tpu.memory_space<hbm>>
      tpu.wait_dma2 semaphore(%run_scoped3A : memref<!tpu.dma_semaphore, #tpu.memory_space<semaphore_mem>>) src(%arg9 : memref<4x128xf32, #tpu.memory_space<vmem>>) dst(%dma_wait3A_151 : memref<4x128xf32, #tpu.memory_space<hbm>>)
      tpu.yield
    }) : () -> ()
    %dma_start3A_82 = arith.constant 1 : i32
    %dma_start3A_83 = arith.constant 0 : i32
    %dma_start3A_84 = arith.constant 0 : i32
    %dma_start3A_85 = tpu.memref_slice %arg7[%dma_start3A_82, %dma_start3A_83, %dma_start3A_84] : memref<2x128x128xf32, #tpu.memory_space<vmem>> -> memref<1x128x128xf32, #tpu.memory_space<vmem>>
    %dma_start3A_86 = tpu.memref_squeeze %dma_start3A_85 : memref<1x128x128xf32, #tpu.memory_space<vmem>> -> memref<128x128xf32, #tpu.memory_space<vmem>>
    %dma_start3A_87 = arith.constant 384 : i32
    %dma_start3A_88 = tpu.memref_slice %arg6[%dma_start3A_87] : memref<512xi32, #tpu.memory_space<vmem>> -> memref<128xi32, #tpu.memory_space<vmem>>
    %dma_start3A_89 = arith.constant 0 : i32
    %dma_start3A_90 = arith.constant 0 : i32
    %dma_start3A_91 = tpu.memref_slice %arg3[%dma_start3A_89, %dma_start3A_90] : memref<100000x128xf32, #tpu.memory_space<hbm>> -> memref<100000x128xf32, #tpu.memory_space<hbm>>
    tpu.enqueue_indirect_dma source(%dma_start3A_91 : memref<100000x128xf32, #tpu.memory_space<hbm>>) target(%dma_start3A_86 : memref<128x128xf32, #tpu.memory_space<vmem>>) offsets(%dma_start3A_88 : memref<128xi32, #tpu.memory_space<vmem>>) semaphore(%arg11 : memref<!tpu.dma_semaphore, #tpu.memory_space<semaphore_mem>>)
    %dma_wait3A_92 = arith.constant 0 : i32
    %dma_wait3A_93 = arith.constant 0 : i32
    %dma_wait3A_94 = arith.constant 0 : i32
    %dma_wait3A_95 = tpu.memref_slice %arg7[%dma_wait3A_92, %dma_wait3A_93, %dma_wait3A_94] : memref<2x128x128xf32, #tpu.memory_space<vmem>> -> memref<1x128x128xf32, #tpu.memory_space<vmem>>
    %dma_wait3A_96 = tpu.memref_squeeze %dma_wait3A_95 : memref<1x128x128xf32, #tpu.memory_space<vmem>> -> memref<128x128xf32, #tpu.memory_space<vmem>>
    %dma_wait3A_97 = arith.constant 256 : i32
    %dma_wait3A_98 = tpu.memref_slice %arg6[%dma_wait3A_97] : memref<512xi32, #tpu.memory_space<vmem>> -> memref<128xi32, #tpu.memory_space<vmem>>
    %dma_wait3A_99 = arith.constant 0 : i32
    %dma_wait3A_100 = arith.constant 0 : i32
    %dma_wait3A_101 = tpu.memref_slice %arg3[%dma_wait3A_99, %dma_wait3A_100] : memref<100000x128xf32, #tpu.memory_space<hbm>> -> memref<100000x128xf32, #tpu.memory_space<hbm>>
    tpu.wait_indirect_dma semaphore(%arg10 : memref<!tpu.dma_semaphore, #tpu.memory_space<semaphore_mem>>) src(%dma_wait3A_101 : memref<100000x128xf32, #tpu.memory_space<hbm>>) dst(%dma_wait3A_96 : memref<128x128xf32, #tpu.memory_space<vmem>>)
    %scan3A_102 = arith.constant 0 : i32
    %scan3A_103 = arith.constant 0 : i32
    %scan3A_104 = arith.constant 512 : i32
    %scan3A_105 = arith.addi %scan3A_103, %scan3A_104 : i32
    %scan3A_106 = arith.constant 1 : i32
    scf.for %scan3A_144 = %scan3A_103 to %scan3A_105 step %scan3A_106  : i32 {
      %jit3A = arith.constant 64 : i32
      %div3A = arith.divsi %scan3A_144, %jit3A : i32
      %sign3A = arith.constant 0 : i32
      %sign3A_145 = arith.cmpi sgt, %scan3A_144, %sign3A : i32
      %sign3A_146 = arith.extui %sign3A_145 : i1 to i32
      %sign3A_147 = arith.constant 0 : i32
      %sign3A_148 = arith.cmpi slt, %scan3A_144, %sign3A_147 : i32
      %sign3A_149 = arith.extui %sign3A_148 : i1 to i32
      %sign3A_150 = arith.subi %sign3A_146, %sign3A_149 : i32
      %sign3A_151 = arith.constant 0 : i32
      %sign3A_152 = arith.cmpi sgt, %jit3A, %sign3A_151 : i32
      %sign3A_153 = arith.extui %sign3A_152 : i1 to i32
      %sign3A_154 = arith.constant 0 : i32
      %sign3A_155 = arith.cmpi slt, %jit3A, %sign3A_154 : i32
      %sign3A_156 = arith.extui %sign3A_155 : i1 to i32
      %sign3A_157 = arith.subi %sign3A_153, %sign3A_156 : i32
      %ne3A = arith.cmpi ne, %sign3A_150, %sign3A_157 : i32
      %rem3A = arith.remsi %scan3A_144, %jit3A : i32
      %ne3A_158 = arith.constant 0 : i32
      %ne3A_159 = arith.cmpi ne, %rem3A, %ne3A_158 : i32
      %and3A = arith.andi %ne3A, %ne3A_159 : i1
      %sub3A = arith.constant 1 : i32
      %sub3A_160 = arith.subi %div3A, %sub3A : i32
      %select_n3A = arith.select %and3A, %sub3A_160, %div3A : i32
      %jit3A_161 = arith.constant 64 : i32
      %eq3A = arith.constant 0 : i32
      %eq3A_162 = arith.cmpi eq, %jit3A_161, %eq3A : i32
      %jit3A_163 = arith.constant 1 : i32
      %select_n3A_164 = arith.select %eq3A_162, %jit3A_163, %jit3A_161 : i32
      %rem3A_165 = arith.remsi %scan3A_144, %select_n3A_164 : i32
      %ne3A_166 = arith.constant 0 : i32
      %ne3A_167 = arith.cmpi ne, %rem3A_165, %ne3A_166 : i32
      %lt3A = arith.constant 0 : i32
      %lt3A_168 = arith.cmpi slt, %rem3A_165, %lt3A : i32
      %lt3A_169 = arith.constant 0 : i32
      %lt3A_170 = arith.cmpi slt, %select_n3A_164, %lt3A_169 : i32
      %ne3A_171 = arith.xori %lt3A_168, %lt3A_170 : i1
      %and3A_172 = arith.andi %ne3A_171, %ne3A_167 : i1
      %add3A_173 = arith.addi %rem3A_165, %select_n3A_164 : i32
      %select_n3A_174 = arith.select %and3A_172, %add3A_173, %rem3A_165 : i32
      %mul3A_175 = arith.constant 16 : i32
      %mul3A_176 = arith.muli %select_n3A, %mul3A_175 : i32
      %add3A_177 = vector.broadcast %mul3A_176 : i32 to vector<16xi32>
      %add3A_178 = arith.addi %iota3A, %add3A_177 : vector<16xi32>
      %mul3A_179 = arith.constant 0 : i32
      %mul3A_180 = vector.broadcast %mul3A_179 : i32 to vector<16xi32>
      %mul3A_181 = arith.muli %iota3A, %mul3A_180 : vector<16xi32>
      %add3A_182 = vector.broadcast %select_n3A_174 : i32 to vector<16xi32>
      %add3A_183 = arith.addi %mul3A_181, %add3A_182 : vector<16xi32>
      %gather3A = arith.constant 0 : i32
      %gather3A_184 = arith.constant 0 : i32
      %gather3A_185 = tpu.memref_slice %arg7[%scan3A_102, %gather3A, %gather3A_184] : memref<2x128x128xf32, #tpu.memory_space<vmem>> -> memref<1x128x128xf32, #tpu.memory_space<vmem>>
      %gather3A_186 = tpu.memref_squeeze %gather3A_185 : memref<1x128x128xf32, #tpu.memory_space<vmem>> -> memref<128x128xf32, #tpu.memory_space<vmem>>
      %gather3A_187 = tpu.vector_load_idx %gather3A_186[%add3A_178, %add3A_183] : memref<128x128xf32, #tpu.memory_space<vmem>>[vector<16xi32>, vector<16xi32>], vector<16xf32>,
      %mul3A_188 = arith.constant 0 : i32
      %mul3A_189 = vector.broadcast %mul3A_188 : i32 to vector<16xi32>
      %mul3A_190 = arith.muli %iota3A, %mul3A_189 : vector<16xi32>
      %add3A_191 = vector.broadcast %select_n3A_174 : i32 to vector<16xi32>
      %add3A_192 = arith.addi %mul3A_190, %add3A_191 : vector<16xi32>
      tpu.vector_store_idx %arg8[%add3A_192, %add3A_178], %gather3A_187 : memref<64x128xf32, #tpu.memory_space<vmem>>[vector<16xi32>, vector<16xi32>], vector<16xf32>,
    }
    %scan3A_107 = arith.constant 512 : i32
    %scan3A_108 = arith.constant 0 : i32
    %scan3A_109 = arith.constant 0 : i32
    %scan3A_110 = arith.constant 32 : i32
    %scan3A_111 = arith.addi %scan3A_109, %scan3A_110 : i32
    %scan3A_112 = arith.constant 1 : i32
    scf.for %scan3A_144 = %scan3A_109 to %scan3A_111 step %scan3A_112  : i32 {
      %jit3A = arith.constant 4 : i32
      %div3A = arith.divsi %scan3A_144, %jit3A : i32
      %sign3A = arith.constant 0 : i32
      %sign3A_145 = arith.cmpi sgt, %scan3A_144, %sign3A : i32
      %sign3A_146 = arith.extui %sign3A_145 : i1 to i32
      %sign3A_147 = arith.constant 0 : i32
      %sign3A_148 = arith.cmpi slt, %scan3A_144, %sign3A_147 : i32
      %sign3A_149 = arith.extui %sign3A_148 : i1 to i32
      %sign3A_150 = arith.subi %sign3A_146, %sign3A_149 : i32
      %sign3A_151 = arith.constant 0 : i32
      %sign3A_152 = arith.cmpi sgt, %jit3A, %sign3A_151 : i32
      %sign3A_153 = arith.extui %sign3A_152 : i1 to i32
      %sign3A_154 = arith.constant 0 : i32
      %sign3A_155 = arith.cmpi slt, %jit3A, %sign3A_154 : i32
      %sign3A_156 = arith.extui %sign3A_155 : i1 to i32
      %sign3A_157 = arith.subi %sign3A_153, %sign3A_156 : i32
      %ne3A = arith.cmpi ne, %sign3A_150, %sign3A_157 : i32
      %rem3A = arith.remsi %scan3A_144, %jit3A : i32
      %ne3A_158 = arith.constant 0 : i32
      %ne3A_159 = arith.cmpi ne, %rem3A, %ne3A_158 : i32
      %and3A = arith.andi %ne3A, %ne3A_159 : i1
      %sub3A = arith.constant 1 : i32
      %sub3A_160 = arith.subi %div3A, %sub3A : i32
      %select_n3A = arith.select %and3A, %sub3A_160, %div3A : i32
      %jit3A_161 = arith.constant 4 : i32
      %eq3A = arith.constant 0 : i32
      %eq3A_162 = arith.cmpi eq, %jit3A_161, %eq3A : i32
      %jit3A_163 = arith.constant 1 : i32
      %select_n3A_164 = arith.select %eq3A_162, %jit3A_163, %jit3A_161 : i32
      %rem3A_165 = arith.remsi %scan3A_144, %select_n3A_164 : i32
      %ne3A_166 = arith.constant 0 : i32
      %ne3A_167 = arith.cmpi ne, %rem3A_165, %ne3A_166 : i32
      %lt3A = arith.constant 0 : i32
      %lt3A_168 = arith.cmpi slt, %rem3A_165, %lt3A : i32
      %lt3A_169 = arith.constant 0 : i32
      %lt3A_170 = arith.cmpi slt, %select_n3A_164, %lt3A_169 : i32
      %ne3A_171 = arith.xori %lt3A_168, %lt3A_170 : i1
      %and3A_172 = arith.andi %ne3A_171, %ne3A_167 : i1
      %add3A_173 = arith.addi %rem3A_165, %select_n3A_164 : i32
      %select_n3A_174 = arith.select %and3A_172, %add3A_173, %rem3A_165 : i32
      %mul3A_175 = arith.constant 16 : i32
      %mul3A_176 = arith.muli %select_n3A, %mul3A_175 : i32
      %add3A_177 = vector.broadcast %mul3A_176 : i32 to vector<16xi32>
      %add3A_178 = arith.addi %iota3A, %add3A_177 : vector<16xi32>
      %mul3A_179 = arith.constant 0 : i32
      %mul3A_180 = vector.broadcast %mul3A_179 : i32 to vector<16xi32>
      %mul3A_181 = arith.muli %iota3A, %mul3A_180 : vector<16xi32>
      %add3A_182 = arith.constant 64 : i32
      %add3A_183 = arith.addi %add3A_182, %select_n3A_174 : i32
      %add3A_184 = vector.broadcast %add3A_183 : i32 to vector<16xi32>
      %add3A_185 = arith.addi %mul3A_181, %add3A_184 : vector<16xi32>
      %gather3A = arith.constant 0 : i32
      %gather3A_186 = arith.constant 0 : i32
      %gather3A_187 = tpu.memref_slice %arg7[%scan3A_108, %gather3A, %gather3A_186] : memref<2x128x128xf32, #tpu.memory_space<vmem>> -> memref<1x128x128xf32, #tpu.memory_space<vmem>>
      %gather3A_188 = tpu.memref_squeeze %gather3A_187 : memref<1x128x128xf32, #tpu.memory_space<vmem>> -> memref<128x128xf32, #tpu.memory_space<vmem>>
      %gather3A_189 = tpu.vector_load_idx %gather3A_188[%add3A_178, %add3A_185] : memref<128x128xf32, #tpu.memory_space<vmem>>[vector<16xi32>, vector<16xi32>], vector<16xf32>,
      %mul3A_190 = arith.constant 0 : i32
      %mul3A_191 = vector.broadcast %mul3A_190 : i32 to vector<16xi32>
      %mul3A_192 = arith.muli %iota3A, %mul3A_191 : vector<16xi32>
      %add3A_193 = vector.broadcast %select_n3A_174 : i32 to vector<16xi32>
      %add3A_194 = arith.addi %mul3A_192, %add3A_193 : vector<16xi32>
      tpu.vector_store_idx %arg9[%add3A_194, %add3A_178], %gather3A_189 : memref<4x128xf32, #tpu.memory_space<vmem>>[vector<16xi32>, vector<16xi32>], vector<16xf32>,
    }
    %scan3A_113 = arith.constant 32 : i32
    %add3A_114 = arith.constant 256 : i32
    %add3A_115 = arith.addi %mul3A_2, %add3A_114 : i32
    "tpu.region"() ({
      %run_scoped3A = tpu.sem_alloc : memref<!tpu.dma_semaphore, #tpu.memory_space<semaphore_mem>>
      %dma_start3A_144 = arith.constant 0 : i32
      %dma_start3A_145 = tpu.memref_slice %arg4[%dma_start3A_144, %add3A_115] : memref<64x16384xf32, #tpu.memory_space<hbm>> -> memref<64x128xf32, #tpu.memory_space<hbm>>
      %dma_start3A_146 = arith.constant 0 : i32
      %dma_start3A_147 = tpu.memref_slice %arg4[%dma_start3A_146, %add3A_115] : memref<64x16384xf32, #tpu.memory_space<hbm>> -> memref<64x128xf32, #tpu.memory_space<hbm>>
      tpu.enqueue_dma source(%arg8 : memref<64x128xf32, #tpu.memory_space<vmem>>) target(%dma_start3A_147 : memref<64x128xf32, #tpu.memory_space<hbm>>) target_semaphore(%run_scoped3A : memref<!tpu.dma_semaphore, #tpu.memory_space<semaphore_mem>>)
      %dma_wait3A_148 = arith.constant 0 : i32
      %dma_wait3A_149 = tpu.memref_slice %arg4[%dma_wait3A_148, %add3A_115] : memref<64x16384xf32, #tpu.memory_space<hbm>> -> memref<64x128xf32, #tpu.memory_space<hbm>>
      %dma_wait3A_150 = arith.constant 0 : i32
      %dma_wait3A_151 = tpu.memref_slice %arg4[%dma_wait3A_150, %add3A_115] : memref<64x16384xf32, #tpu.memory_space<hbm>> -> memref<64x128xf32, #tpu.memory_space<hbm>>
      tpu.wait_dma2 semaphore(%run_scoped3A : memref<!tpu.dma_semaphore, #tpu.memory_space<semaphore_mem>>) src(%arg8 : memref<64x128xf32, #tpu.memory_space<vmem>>) dst(%dma_wait3A_151 : memref<64x128xf32, #tpu.memory_space<hbm>>)
      tpu.yield
    }) : () -> ()
    %add3A_116 = arith.constant 256 : i32
    %add3A_117 = arith.addi %mul3A_2, %add3A_116 : i32
    "tpu.region"() ({
      %run_scoped3A = tpu.sem_alloc : memref<!tpu.dma_semaphore, #tpu.memory_space<semaphore_mem>>
      %dma_start3A_144 = arith.constant 0 : i32
      %dma_start3A_145 = tpu.memref_slice %arg5[%dma_start3A_144, %add3A_117] : memref<4x16384xf32, #tpu.memory_space<hbm>> -> memref<4x128xf32, #tpu.memory_space<hbm>>
      %dma_start3A_146 = arith.constant 0 : i32
      %dma_start3A_147 = tpu.memref_slice %arg5[%dma_start3A_146, %add3A_117] : memref<4x16384xf32, #tpu.memory_space<hbm>> -> memref<4x128xf32, #tpu.memory_space<hbm>>
      tpu.enqueue_dma source(%arg9 : memref<4x128xf32, #tpu.memory_space<vmem>>) target(%dma_start3A_147 : memref<4x128xf32, #tpu.memory_space<hbm>>) target_semaphore(%run_scoped3A : memref<!tpu.dma_semaphore, #tpu.memory_space<semaphore_mem>>)
      %dma_wait3A_148 = arith.constant 0 : i32
      %dma_wait3A_149 = tpu.memref_slice %arg5[%dma_wait3A_148, %add3A_117] : memref<4x16384xf32, #tpu.memory_space<hbm>> -> memref<4x128xf32, #tpu.memory_space<hbm>>
      %dma_wait3A_150 = arith.constant 0 : i32
      %dma_wait3A_151 = tpu.memref_slice %arg5[%dma_wait3A_150, %add3A_117] : memref<4x16384xf32, #tpu.memory_space<hbm>> -> memref<4x128xf32, #tpu.memory_space<hbm>>
      tpu.wait_dma2 semaphore(%run_scoped3A : memref<!tpu.dma_semaphore, #tpu.memory_space<semaphore_mem>>) src(%arg9 : memref<4x128xf32, #tpu.memory_space<vmem>>) dst(%dma_wait3A_151 : memref<4x128xf32, #tpu.memory_space<hbm>>)
      tpu.yield
    }) : () -> ()
    %dma_wait3A_118 = arith.constant 1 : i32
    %dma_wait3A_119 = arith.constant 0 : i32
    %dma_wait3A_120 = arith.constant 0 : i32
    %dma_wait3A_121 = tpu.memref_slice %arg7[%dma_wait3A_118, %dma_wait3A_119, %dma_wait3A_120] : memref<2x128x128xf32, #tpu.memory_space<vmem>> -> memref<1x128x128xf32, #tpu.memory_space<vmem>>
    %dma_wait3A_122 = tpu.memref_squeeze %dma_wait3A_121 : memref<1x128x128xf32, #tpu.memory_space<vmem>> -> memref<128x128xf32, #tpu.memory_space<vmem>>
    %dma_wait3A_123 = arith.constant 384 : i32
    %dma_wait3A_124 = tpu.memref_slice %arg6[%dma_wait3A_123] : memref<512xi32, #tpu.memory_space<vmem>> -> memref<128xi32, #tpu.memory_space<vmem>>
    %dma_wait3A_125 = arith.constant 0 : i32
    %dma_wait3A_126 = arith.constant 0 : i32
    %dma_wait3A_127 = tpu.memref_slice %arg3[%dma_wait3A_125, %dma_wait3A_126] : memref<100000x128xf32, #tpu.memory_space<hbm>> -> memref<100000x128xf32, #tpu.memory_space<hbm>>
    tpu.wait_indirect_dma semaphore(%arg11 : memref<!tpu.dma_semaphore, #tpu.memory_space<semaphore_mem>>) src(%dma_wait3A_127 : memref<100000x128xf32, #tpu.memory_space<hbm>>) dst(%dma_wait3A_122 : memref<128x128xf32, #tpu.memory_space<vmem>>)
    %scan3A_128 = arith.constant 1 : i32
    %scan3A_129 = arith.constant 0 : i32
    %scan3A_130 = arith.constant 512 : i32
    %scan3A_131 = arith.addi %scan3A_129, %scan3A_130 : i32
    %scan3A_132 = arith.constant 1 : i32
    scf.for %scan3A_144 = %scan3A_129 to %scan3A_131 step %scan3A_132  : i32 {
      %jit3A = arith.constant 64 : i32
      %div3A = arith.divsi %scan3A_144, %jit3A : i32
      %sign3A = arith.constant 0 : i32
      %sign3A_145 = arith.cmpi sgt, %scan3A_144, %sign3A : i32
      %sign3A_146 = arith.extui %sign3A_145 : i1 to i32
      %sign3A_147 = arith.constant 0 : i32
      %sign3A_148 = arith.cmpi slt, %scan3A_144, %sign3A_147 : i32
      %sign3A_149 = arith.extui %sign3A_148 : i1 to i32
      %sign3A_150 = arith.subi %sign3A_146, %sign3A_149 : i32
      %sign3A_151 = arith.constant 0 : i32
      %sign3A_152 = arith.cmpi sgt, %jit3A, %sign3A_151 : i32
      %sign3A_153 = arith.extui %sign3A_152 : i1 to i32
      %sign3A_154 = arith.constant 0 : i32
      %sign3A_155 = arith.cmpi slt, %jit3A, %sign3A_154 : i32
      %sign3A_156 = arith.extui %sign3A_155 : i1 to i32
      %sign3A_157 = arith.subi %sign3A_153, %sign3A_156 : i32
      %ne3A = arith.cmpi ne, %sign3A_150, %sign3A_157 : i32
      %rem3A = arith.remsi %scan3A_144, %jit3A : i32
      %ne3A_158 = arith.constant 0 : i32
      %ne3A_159 = arith.cmpi ne, %rem3A, %ne3A_158 : i32
      %and3A = arith.andi %ne3A, %ne3A_159 : i1
      %sub3A = arith.constant 1 : i32
      %sub3A_160 = arith.subi %div3A, %sub3A : i32
      %select_n3A = arith.select %and3A, %sub3A_160, %div3A : i32
      %jit3A_161 = arith.constant 64 : i32
      %eq3A = arith.constant 0 : i32
      %eq3A_162 = arith.cmpi eq, %jit3A_161, %eq3A : i32
      %jit3A_163 = arith.constant 1 : i32
      %select_n3A_164 = arith.select %eq3A_162, %jit3A_163, %jit3A_161 : i32
      %rem3A_165 = arith.remsi %scan3A_144, %select_n3A_164 : i32
      %ne3A_166 = arith.constant 0 : i32
      %ne3A_167 = arith.cmpi ne, %rem3A_165, %ne3A_166 : i32
      %lt3A = arith.constant 0 : i32
      %lt3A_168 = arith.cmpi slt, %rem3A_165, %lt3A : i32
      %lt3A_169 = arith.constant 0 : i32
      %lt3A_170 = arith.cmpi slt, %select_n3A_164, %lt3A_169 : i32
      %ne3A_171 = arith.xori %lt3A_168, %lt3A_170 : i1
      %and3A_172 = arith.andi %ne3A_171, %ne3A_167 : i1
      %add3A_173 = arith.addi %rem3A_165, %select_n3A_164 : i32
      %select_n3A_174 = arith.select %and3A_172, %add3A_173, %rem3A_165 : i32
      %mul3A_175 = arith.constant 16 : i32
      %mul3A_176 = arith.muli %select_n3A, %mul3A_175 : i32
      %add3A_177 = vector.broadcast %mul3A_176 : i32 to vector<16xi32>
      %add3A_178 = arith.addi %iota3A, %add3A_177 : vector<16xi32>
      %mul3A_179 = arith.constant 0 : i32
      %mul3A_180 = vector.broadcast %mul3A_179 : i32 to vector<16xi32>
      %mul3A_181 = arith.muli %iota3A, %mul3A_180 : vector<16xi32>
      %add3A_182 = vector.broadcast %select_n3A_174 : i32 to vector<16xi32>
      %add3A_183 = arith.addi %mul3A_181, %add3A_182 : vector<16xi32>
      %gather3A = arith.constant 0 : i32
      %gather3A_184 = arith.constant 0 : i32
      %gather3A_185 = tpu.memref_slice %arg7[%scan3A_128, %gather3A, %gather3A_184] : memref<2x128x128xf32, #tpu.memory_space<vmem>> -> memref<1x128x128xf32, #tpu.memory_space<vmem>>
      %gather3A_186 = tpu.memref_squeeze %gather3A_185 : memref<1x128x128xf32, #tpu.memory_space<vmem>> -> memref<128x128xf32, #tpu.memory_space<vmem>>
      %gather3A_187 = tpu.vector_load_idx %gather3A_186[%add3A_178, %add3A_183] : memref<128x128xf32, #tpu.memory_space<vmem>>[vector<16xi32>, vector<16xi32>], vector<16xf32>,
      %mul3A_188 = arith.constant 0 : i32
      %mul3A_189 = vector.broadcast %mul3A_188 : i32 to vector<16xi32>
      %mul3A_190 = arith.muli %iota3A, %mul3A_189 : vector<16xi32>
      %add3A_191 = vector.broadcast %select_n3A_174 : i32 to vector<16xi32>
      %add3A_192 = arith.addi %mul3A_190, %add3A_191 : vector<16xi32>
      tpu.vector_store_idx %arg8[%add3A_192, %add3A_178], %gather3A_187 : memref<64x128xf32, #tpu.memory_space<vmem>>[vector<16xi32>, vector<16xi32>], vector<16xf32>,
    }
    %scan3A_133 = arith.constant 512 : i32
    %scan3A_134 = arith.constant 1 : i32
    %scan3A_135 = arith.constant 0 : i32
    %scan3A_136 = arith.constant 32 : i32
    %scan3A_137 = arith.addi %scan3A_135, %scan3A_136 : i32
    %scan3A_138 = arith.constant 1 : i32
    scf.for %scan3A_144 = %scan3A_135 to %scan3A_137 step %scan3A_138  : i32 {
      %jit3A = arith.constant 4 : i32
      %div3A = arith.divsi %scan3A_144, %jit3A : i32
      %sign3A = arith.constant 0 : i32
      %sign3A_145 = arith.cmpi sgt, %scan3A_144, %sign3A : i32
      %sign3A_146 = arith.extui %sign3A_145 : i1 to i32
      %sign3A_147 = arith.constant 0 : i32
      %sign3A_148 = arith.cmpi slt, %scan3A_144, %sign3A_147 : i32
      %sign3A_149 = arith.extui %sign3A_148 : i1 to i32
      %sign3A_150 = arith.subi %sign3A_146, %sign3A_149 : i32
      %sign3A_151 = arith.constant 0 : i32
      %sign3A_152 = arith.cmpi sgt, %jit3A, %sign3A_151 : i32
      %sign3A_153 = arith.extui %sign3A_152 : i1 to i32
      %sign3A_154 = arith.constant 0 : i32
      %sign3A_155 = arith.cmpi slt, %jit3A, %sign3A_154 : i32
      %sign3A_156 = arith.extui %sign3A_155 : i1 to i32
      %sign3A_157 = arith.subi %sign3A_153, %sign3A_156 : i32
      %ne3A = arith.cmpi ne, %sign3A_150, %sign3A_157 : i32
      %rem3A = arith.remsi %scan3A_144, %jit3A : i32
      %ne3A_158 = arith.constant 0 : i32
      %ne3A_159 = arith.cmpi ne, %rem3A, %ne3A_158 : i32
      %and3A = arith.andi %ne3A, %ne3A_159 : i1
      %sub3A = arith.constant 1 : i32
      %sub3A_160 = arith.subi %div3A, %sub3A : i32
      %select_n3A = arith.select %and3A, %sub3A_160, %div3A : i32
      %jit3A_161 = arith.constant 4 : i32
      %eq3A = arith.constant 0 : i32
      %eq3A_162 = arith.cmpi eq, %jit3A_161, %eq3A : i32
      %jit3A_163 = arith.constant 1 : i32
      %select_n3A_164 = arith.select %eq3A_162, %jit3A_163, %jit3A_161 : i32
      %rem3A_165 = arith.remsi %scan3A_144, %select_n3A_164 : i32
      %ne3A_166 = arith.constant 0 : i32
      %ne3A_167 = arith.cmpi ne, %rem3A_165, %ne3A_166 : i32
      %lt3A = arith.constant 0 : i32
      %lt3A_168 = arith.cmpi slt, %rem3A_165, %lt3A : i32
      %lt3A_169 = arith.constant 0 : i32
      %lt3A_170 = arith.cmpi slt, %select_n3A_164, %lt3A_169 : i32
      %ne3A_171 = arith.xori %lt3A_168, %lt3A_170 : i1
      %and3A_172 = arith.andi %ne3A_171, %ne3A_167 : i1
      %add3A_173 = arith.addi %rem3A_165, %select_n3A_164 : i32
      %select_n3A_174 = arith.select %and3A_172, %add3A_173, %rem3A_165 : i32
      %mul3A_175 = arith.constant 16 : i32
      %mul3A_176 = arith.muli %select_n3A, %mul3A_175 : i32
      %add3A_177 = vector.broadcast %mul3A_176 : i32 to vector<16xi32>
      %add3A_178 = arith.addi %iota3A, %add3A_177 : vector<16xi32>
      %mul3A_179 = arith.constant 0 : i32
      %mul3A_180 = vector.broadcast %mul3A_179 : i32 to vector<16xi32>
      %mul3A_181 = arith.muli %iota3A, %mul3A_180 : vector<16xi32>
      %add3A_182 = arith.constant 64 : i32
      %add3A_183 = arith.addi %add3A_182, %select_n3A_174 : i32
      %add3A_184 = vector.broadcast %add3A_183 : i32 to vector<16xi32>
      %add3A_185 = arith.addi %mul3A_181, %add3A_184 : vector<16xi32>
      %gather3A = arith.constant 0 : i32
      %gather3A_186 = arith.constant 0 : i32
      %gather3A_187 = tpu.memref_slice %arg7[%scan3A_134, %gather3A, %gather3A_186] : memref<2x128x128xf32, #tpu.memory_space<vmem>> -> memref<1x128x128xf32, #tpu.memory_space<vmem>>
      %gather3A_188 = tpu.memref_squeeze %gather3A_187 : memref<1x128x128xf32, #tpu.memory_space<vmem>> -> memref<128x128xf32, #tpu.memory_space<vmem>>
      %gather3A_189 = tpu.vector_load_idx %gather3A_188[%add3A_178, %add3A_185] : memref<128x128xf32, #tpu.memory_space<vmem>>[vector<16xi32>, vector<16xi32>], vector<16xf32>,
      %mul3A_190 = arith.constant 0 : i32
      %mul3A_191 = vector.broadcast %mul3A_190 : i32 to vector<16xi32>
      %mul3A_192 = arith.muli %iota3A, %mul3A_191 : vector<16xi32>
      %add3A_193 = vector.broadcast %select_n3A_174 : i32 to vector<16xi32>
      %add3A_194 = arith.addi %mul3A_192, %add3A_193 : vector<16xi32>
      tpu.vector_store_idx %arg9[%add3A_194, %add3A_178], %gather3A_189 : memref<4x128xf32, #tpu.memory_space<vmem>>[vector<16xi32>, vector<16xi32>], vector<16xf32>,
    }
    %scan3A_139 = arith.constant 32 : i32
    %add3A_140 = arith.constant 384 : i32
    %add3A_141 = arith.addi %mul3A_2, %add3A_140 : i32
    "tpu.region"() ({
      %run_scoped3A = tpu.sem_alloc : memref<!tpu.dma_semaphore, #tpu.memory_space<semaphore_mem>>
      %dma_start3A_144 = arith.constant 0 : i32
      %dma_start3A_145 = tpu.memref_slice %arg4[%dma_start3A_144, %add3A_141] : memref<64x16384xf32, #tpu.memory_space<hbm>> -> memref<64x128xf32, #tpu.memory_space<hbm>>
      %dma_start3A_146 = arith.constant 0 : i32
      %dma_start3A_147 = tpu.memref_slice %arg4[%dma_start3A_146, %add3A_141] : memref<64x16384xf32, #tpu.memory_space<hbm>> -> memref<64x128xf32, #tpu.memory_space<hbm>>
      tpu.enqueue_dma source(%arg8 : memref<64x128xf32, #tpu.memory_space<vmem>>) target(%dma_start3A_147 : memref<64x128xf32, #tpu.memory_space<hbm>>) target_semaphore(%run_scoped3A : memref<!tpu.dma_semaphore, #tpu.memory_space<semaphore_mem>>)
      %dma_wait3A_148 = arith.constant 0 : i32
      %dma_wait3A_149 = tpu.memref_slice %arg4[%dma_wait3A_148, %add3A_141] : memref<64x16384xf32, #tpu.memory_space<hbm>> -> memref<64x128xf32, #tpu.memory_space<hbm>>
      %dma_wait3A_150 = arith.constant 0 : i32
      %dma_wait3A_151 = tpu.memref_slice %arg4[%dma_wait3A_150, %add3A_141] : memref<64x16384xf32, #tpu.memory_space<hbm>> -> memref<64x128xf32, #tpu.memory_space<hbm>>
      tpu.wait_dma2 semaphore(%run_scoped3A : memref<!tpu.dma_semaphore, #tpu.memory_space<semaphore_mem>>) src(%arg8 : memref<64x128xf32, #tpu.memory_space<vmem>>) dst(%dma_wait3A_151 : memref<64x128xf32, #tpu.memory_space<hbm>>)
      tpu.yield
    }) : () -> ()
    %add3A_142 = arith.constant 384 : i32
    %add3A_143 = arith.addi %mul3A_2, %add3A_142 : i32
    "tpu.region"() ({
      %run_scoped3A = tpu.sem_alloc : memref<!tpu.dma_semaphore, #tpu.memory_space<semaphore_mem>>
      %dma_start3A_144 = arith.constant 0 : i32
      %dma_start3A_145 = tpu.memref_slice %arg5[%dma_start3A_144, %add3A_143] : memref<4x16384xf32, #tpu.memory_space<hbm>> -> memref<4x128xf32, #tpu.memory_space<hbm>>
      %dma_start3A_146 = arith.constant 0 : i32
      %dma_start3A_147 = tpu.memref_slice %arg5[%dma_start3A_146, %add3A_143] : memref<4x16384xf32, #tpu.memory_space<hbm>> -> memref<4x128xf32, #tpu.memory_space<hbm>>
      tpu.enqueue_dma source(%arg9 : memref<4x128xf32, #tpu.memory_space<vmem>>) target(%dma_start3A_147 : memref<4x128xf32, #tpu.memory_space<hbm>>) target_semaphore(%run_scoped3A : memref<!tpu.dma_semaphore, #tpu.memory_space<semaphore_mem>>)
      %dma_wait3A_148 = arith.constant 0 : i32
      %dma_wait3A_149 = tpu.memref_slice %arg5[%dma_wait3A_148, %add3A_143] : memref<4x16384xf32, #tpu.memory_space<hbm>> -> memref<4x128xf32, #tpu.memory_space<hbm>>
      %dma_wait3A_150 = arith.constant 0 : i32
      %dma_wait3A_151 = tpu.memref_slice %arg5[%dma_wait3A_150, %add3A_143] : memref<4x16384xf32, #tpu.memory_space<hbm>> -> memref<4x128xf32, #tpu.memory_space<hbm>>
      tpu.wait_dma2 semaphore(%run_scoped3A : memref<!tpu.dma_semaphore, #tpu.memory_space<semaphore_mem>>) src(%arg9 : memref<4x128xf32, #tpu.memory_space<vmem>>) dst(%dma_wait3A_151 : memref<4x128xf32, #tpu.memory_space<hbm>>)
      tpu.yield
    }) : () -> ()
    return
  }
}

</mosaic_0001>

<sc_bundles>
// kernel: _fire_word.4.cloned.1.call-start
scs
__scs_entry_jumppad:
0x0: {  	(pc) =	sbr.rel $0x88, $3  }
0x1: {  	(tag) =	ssettag $0x0;
	lr =	simm.s32 $0x1  }
0x2: {  	[smem:$0x3F9D] =	sst lr;
	_ =	strace $0xD0000000  }
0x3: {  	_ = 	snop  }
0x4: {  	_ = 	snop  }
0x5: {  	_ = 	snop  }
0x6: {  	_ = 	snop  }
0x7: {  	_ = 	snop  }
__scs_overlays_trampoline_lowered:
0x8: {  	[smem:$0x3FAC] =	sst s0  }
0x9: {  	[smem:$0x3FAD] =	sst s1  }
0xa: {  	[smem:$0x3FAE] =	sst s2  }
0xb: {  	[smem:$0x3FAF] =	sst s3  }
0xc: {  	[smem:$0x3FB0] =	sst s4  }
0xd: {  	[smem:$0x3FB1] =	sst s5  }
0xe: {  	[smem:$0x3FB2] =	sst s6  }
0xf: {  	[smem:$0x3FB3] =	sst s7  }
0x10: {  	[smem:$0x3FB4] =	sst s8  }
0x11: {  	[smem:$0x3FB5] =	sst s9;
	s0 =	simm.s32 @!p0 $0x0  }
0x12: {  	s1 =	sld [smem:$0x3F9B];
	s0 =	simm.s32 @p0 $0x1  }
0x13: {  	[smem:$0x3FB6] =	sst s0;
	s0 =	simm.s32 @!p1 $0x0  }
0x14: {  	s2 =	sld [smem:$0x3F9A];
	s0 =	simm.s32 @p1 $0x1  }
0x15: {  	[smem:$0x3FB7] =	sst s0;
	s0 =	simm.s32 @!p2 $0x0  }
0x16: {  	s3 =	sld [smem:$0x3FDB];
	s0 =	simm.s32 @p2 $0x1  }
0x17: {  	s4 =	simm.s32 $0x1BF5;
	[smem:$0x3FB9] =	sst s0  }
0x18: {  	s0 =	sld [smem:$0x3F9C];
	_ =	swait.ge [sflag:s4], $0x0  }
0x19: {  	s7 =	sld [smem:$0x3F9D]  }
0x1a: {  	s8 =	sadd.s32 $0xFFFFE003, lr  }
0x1b: {  	s9 =	sadd.s32 $0xFFFFFEF7, lr;
	s5 =	simm.s32 $0xFFFFFFFF;
	p2 =	slt.u32 s8, $0xFFFFF086  }
0x1c: {  	p1 =	slt.u32 s9, $0xF7A;
	s5 =	simm.s32 @!p2 $0x0  }
0x1d: {  	s5 =	simm.s32 @p1 $0x1;
	p0 =	seq.s32 s7, s2  }
0x1e: {  	s7 =	smul.u32 @!p0 $0xF7A, s2;
	p2 =	seq.s32 @!p0 s5, $0x0  }
0x1f: {  	s9 =	smul.u32 $0xF7A, s1;
	s8 =	simm.s32 @!p0 $0x1BF5;
	p2 =	por !p2, p0  }
0x20: {  	[sflag:s8] =	ssyncset.s32 @!p0 $0xFFFFF086;
	s6 =	sadd.s32 @!p0 s3, s7;
	s7 =	simm.s32 @!p0 $0x108  }
0x21: {  	s3 =	sadd.s32 s3, s9;
	s6 =	sadd.s32 @!p0 $0x88, s6;
	s7 =	simm.s32 @p2 $0x1082  }
0x22: {  	[simem:s7], [sflag:s8] =	dma.local @!p0 [hbm:s6], $0xF7A  }
0x23: {  	s9 =	sor.u32 $0xD0000000, s2;
	s6 =	simm.s32 $0x108;
	_ =	swait.ge @!p0 [sflag:s8], $0x0  }
0x24: {  	s3 =	sadd.s32 $0x88, s3;
	s6 =	simm.s32 @!p1 $0x1082;
	[sflag:s4] =	ssyncset.s32 $0xFFFFF086  }
0x25: {  	[simem:s6], [sflag:s4] =	dma.local [hbm:s3], $0xF7A  }
0x26: {  	[smem:$0x3F9D] =	sst s1;
	(tag) =	ssettag s2;
	_ =	strace s9  }
0x27: {  	s1 =	sld [smem:$0x3FAD]  }
0x28: {  	s2 =	sld [smem:$0x3FAE]  }
0x29: {  	s4 =	sld [smem:$0x3FB0]  }
0x2a: {  	p0 =	seq.s32 s5, $0x0;
	s5 =	sld [smem:$0x3FB1]  }
0x2b: {  	s6 =	sld [smem:$0x3FB2]  }
0x2c: {  	s7 =	sld [smem:$0x3FB3]  }
0x2d: {  	s3 =	simm.s32 $0x108;
	s8 =	sld [smem:$0x3FB4]  }
0x2e: {  	s3 =	simm.s32 @!p0 $0x1082;
	s9 =	sld [smem:$0x3FB5]  }
0x2f: {  	lr =	sadd.s32 s0, s3;
	s0 =	sld [smem:$0x3FAC]  }
0x30: {  	s3 =	sld [smem:$0x3FAF]  }
0x31: {  	[smem:$0x3FB8] =	sst s10  }
0x32: {  	s10 =	sld [smem:$0x3FB6];
	_ =	sdelay $0x3  }
0x33: {  	p0 =	seq.s32 s10, $0x1;
	s10 =	sld [smem:$0x3FB8];
	_ =	sdelay $0x3  }
0x34: {  	[smem:$0x3FB8] =	sst s10  }
0x35: {  	s10 =	sld [smem:$0x3FB7];
	_ =	sdelay $0x3  }
0x36: {  	p1 =	seq.s32 s10, $0x1;
	s10 =	sld [smem:$0x3FB8];
	_ =	sdelay $0x3  }
0x37: {  	[smem:$0x3FB8] =	sst s10  }
0x38: {  	s10 =	sld [smem:$0x3FB9]  }
0x39: {  	_ = 	snop;
	(pc) =	sbr.ind lr, $3  }
0x3a: {  	_ = 	snop  }
0x3b: {  	_ = 	snop  }
0x3c: {  	p2 =	seq.s32 s10, $0x1;
	s10 =	sld [smem:$0x3FB8]  }
0x3d: {  	_ =	shalt  }
0x3e: {  	_ =	shalt  }
0x3f: {  	_ =	shalt  }
0x40: {  	_ =	shalt  }
0x41: {  	_ =	shalt  }
0x42: {  	_ =	shalt  }
0x43: {  	_ =	shalt  }
0x44: {  	_ =	shalt  }
0x45: {  	_ =	shalt  }
0x46: {  	_ =	shalt  }
0x47: {  	_ =	shalt  }
0x48: {  	_ =	shalt  }
0x49: {  	_ =	shalt  }
0x4a: {  	_ =	shalt  }
0x4b: {  	_ =	shalt  }
0x4c: {  	_ =	shalt  }
0x4d: {  	_ =	shalt  }
0x4e: {  	_ =	shalt  }
0x4f: {  	_ =	shalt  }
0x50: {  	_ =	shalt  }
0x51: {  	_ =	shalt  }
0x52: {  	_ =	shalt  }
0x53: {  	_ =	shalt  }
0x54: {  	_ =	shalt  }
0x55: {  	_ =	shalt  }
0x56: {  	_ =	shalt  }
0x57: {  	_ =	shalt  }
0x58: {  	_ =	shalt  }
0x59: {  	_ =	shalt  }
0x5a: {  	_ =	shalt  }
0x5b: {  	_ =	shalt  }
0x5c: {  	_ =	shalt  }
0x5d: {  	_ =	shalt  }
0x5e: {  	_ =	shalt  }
0x5f: {  	_ =	shalt  }
0x60: {  	_ =	shalt  }
0x61: {  	_ =	shalt  }
0x62: {  	_ =	shalt  }
0x63: {  	_ =	shalt  }
0x64: {  	_ =	shalt  }
0x65: {  	_ =	shalt  }
0x66: {  	_ =	shalt  }
0x67: {  	_ =	shalt  }
0x68: {  	_ =	shalt  }
0x69: {  	_ =	shalt  }
0x6a: {  	_ =	shalt  }
0x6b: {  	_ =	shalt  }
0x6c: {  	_ =	shalt  }
0x6d: {  	_ =	shalt  }
0x6e: {  	_ =	shalt  }
0x6f: {  	_ =	shalt  }
0x70: {  	_ =	shalt  }
0x71: {  	_ =	shalt  }
0x72: {  	_ =	shalt  }
0x73: {  	_ =	shalt  }
0x74: {  	_ =	shalt  }
0x75: {  	_ =	shalt  }
0x76: {  	_ =	shalt  }
0x77: {  	_ =	shalt  }
0x78: {  	_ =	shalt  }
0x79: {  	_ =	shalt  }
0x7a: {  	_ =	shalt  }
0x7b: {  	_ =	shalt  }
0x7c: {  	_ =	shalt  }
0x7d: {  	_ =	shalt  }
0x7e: {  	_ =	shalt  }
0x7f: {  	_ =	shalt  }
0x80: {  	_ =	shalt  }
0x81: {  	_ =	shalt  }
0x82: {  	_ =	shalt  }
0x83: {  	_ =	shalt  }
0x84: {  	_ =	shalt  }
0x85: {  	_ =	shalt  }
0x86: {  	_ =	shalt  }
0x87: {  	_ =	shalt  }
.Lfunc_end0:
.L_simem_size_0:
called_computation.1_lowered:
.L_overlay_start_0:
0x88: {  	s2 =	sld [smem:$0x3FD9]  }
0x89: {  	s3 =	sld [smem:$0x3FFE];
	_ =	sdelay $0x1  }
0x8a: {  	s1 =	srdreg.scid  }
0x8b: {  	s0 =	sand.u32 $0x1, s1  }
0x8c: {  	s17 =	sshll.u32 s0, $0xA;
	s2 =	sadd.s32 s3, s2  }
0x8d: {  	s2 =	sadd.s32 s2, s17  }
0x8e: {  	[smem:$0x3FC4] =	sst s2  }
0x8f: {  	_ = 	snop  }
0x90: {  	s2 =	sld [smem:$0x3FC9];
	(tm) =	ssettm $0x1  }
0x91: {  	s18 =	sld [smem:$0x3FFB];
	_ =	sdelay $0x3  }
0x92: {  	_ =	strace s18  }
0x93: {  	s3 =	sld [smem:$0x3FFC];
	_ =	sdelay $0x3  }
0x94: {  	_ =	strace s3  }
0x95: {  	s3 =	sld [smem:$0x3FFD];
	_ =	sdelay $0x3  }
0x96: {  	_ =	strace s3  }
0x97: {  	_ =	strace $0x8FFFFFFF  }
0x98: {  	s19 =	sld [smem:$0x3FDB];
	_ =	sdelay $0x1  }
0x99: {  	s4 =	simm.s32 $_scs_section_size  }
0x9a: {  	s5 =	simm.s32 $_size__tile_overlayer_lowered;
	s6 =	simm.s32 $_tile_overlayer_lowered  }
0x9b: {  	s22 =	simm.s32 $0x1BFF;
	s21 =	sshll.u32 s6, $0x1;
	s3 =	sadd.s32 s4, s19  }
0x9c: {  	s7 =	simm.s32 $0x0;
	s20 =	sshll.u32 s5, $0x1;
	s5 =	sadd.s32 s21, s3  }
0x9d: {  	[timem:s7], [sflag:s22] =	dma.local [hbm:s5], s20  }
0x9e: {  	_ =	swait.ge [sflag:s22], s20  }
0x9f: {  	s4 =	ssub.s32 $0x0, s20;
	[sflag:s22] =	ssyncset.done $0x0  }
0xa0: {  	[sflag:s22] =	ssyncadd.s32 s4;
	_ =	sdelay $0x1  }
0xa1: {  	s23 =	simm.s32 $0x1B8B  }
0xa2: {  	_ =	swait.ge [sflag:s23], $0x1  }
0xa3: {  	[sflag:s23] =	ssyncset.done $0x0  }
0xa4: {  	s25 =	simm.s32 $0x1B8E;
	s24 =	sld [smem:$0x3FFE];
	[sflag:s23] =	ssyncadd.s32 $0xFFFFFFFF  }
0xa5: {  	s26 =	simm.s32 $execute0_lowered;
	[smem:$0x3FD2] =	sst s25  }
0xa6: {  	s5 =	sshll.u32 s26, $0x1;
	_ =	strace $0x80000049;
	[dreg:$0x1] =	wrdreg $0xFFFFFFFF  }
0xa7: {  	s28 =	simm.s32 $_size_execute0_lowered;
	s3 =	sadd.s32 s3, s5;
	[dreg:$0x0] =	wrdreg $0x0  }
0xa8: {  	s5 =	sshll.u32 s28, $0x1;
	[dreg:$0x2] =	wrdreg s3  }
0xa9: {  	[dreg:$0x3] =	wrdreg s5  }
0xaa: {  	[dreg:$0x4] =	wrdreg $0xC0  }
0xab: {  	_ =	task [dreg:s7], $0x5FFFF  }
0xac: {  	[dreg:$0x1] =	wrdreg $0xFFFFFFFF  }
0xad: {  	[dreg:$0x0] =	wrdreg $0x60  }
0xae: {  	[dreg:$0x2] =	wrdreg s2  }
0xaf: {  	[dreg:$0x3] =	wrdreg s24  }
0xb0: {  	[dreg:$0x4] =	wrdreg $0x9  }
0xb1: {  	_ =	task.clear_ibuf [dreg:s7], $0x5FFFF;
	_ =	strace $0x90000049  }
0xb2: {  	s29 =	simm.s32 $0x9;
	_ =	strace $0x8000004B  }
0xb3: {  	_ =	swait.ge [sflag:s29], $0x1  }
0xb4: {  	[sflag:s29] =	ssyncadd.s32 $0xFFFFFFFF  }
0xb5: {  	_ =	strace $0x9000004B  }
0xb6: {  	_ =	sfence  }
0xb7: {  	s30 =	sld [smem:$0x0];
	_ =	sdelay $0x2  }
0xb8: {  	s31 =	sshll.u32 s1, $0xD;
	s1 =	sshrl.u32 s1, $0x2  }
0xb9: {  	s3 =	sand.u32 $0x4000, s31;
	s1 =	sadd.s32 s1, s30  }
0xba: {  	s0 =	sor.u32 s3, s0;
	s1 =	sshll.u32 s1, $0x11  }
0xbb: {  	s0 =	sor.u32 s1, s0  }
0xbc: {  	s0 =	sadd.s32 $0x8F2B, s0  }
0xbd: {  	[sflag:s0] =	ssyncadd.remote.s32 $0x1  }
0xbe: {  	_ =	sfence.sel $0xFFFF  }
0xbf: {  	[dreg:$0x0] =	wrdreg $0xFFFFFFFF;
	(pc) =	sbr.abs _section_cstart, $3  }
0xc0: {  	[dreg:$0x1] =	wrdreg $0xFFFFFFFF  }
0xc1: {  	_ =	task.clear_ibuf [dreg:s7], $0x2FFFF;
	_ =	strace $0x9FFFFFFF  }
0xc2: {  	(tm) =	ssettm $0x7FFFFFFF  }
0xc3: {  	_ =	shalt  }
tec
execute0_lowered:
.L_overlay_start_1:
0x0: {  	(tag) =	ssettag $0x1  }
0x1: {  	s0 =	srdreg.scid;
	s1 =	rddreg [dreg:$0x0]  }
0x2: {  	s2 =	stileid.u32;
	s3 =	rddreg [dreg:$0x1];
	s14 =	simm.s32 $0x4200  }
0x3: {  	s8 =	simm.s32 $0xA00;
	s9 =	simm.s32 $0x1200;
	s10 =	simm.s32 $0x1A00  }
0x4: {  	s11 =	simm.s32 $0x2200;
	s12 =	simm.s32 $0x2A00;
	s13 =	simm.s32 $0x3200  }
0x5: {  	s15 =	simm.s32 $0x3A00;
	s17 =	simm.s32 $0x5200;
	s6 =	simm.s32 $0x8200  }
0x6: {  	s28 =	simm.s32 $0x9200;
	s29 =	simm.s32 $0x9A00;
	s0 =	sand.u32 $0x1, s0  }
0x7: {  	s30 =	simm.s32 $0xA200;
	s4 =	sshll.u32 s2, $0xA;
	s5 =	sshll.u32 s0, $0x9  }
0x8: {  	s31 =	simm.s32 $0xAA00;
	s7 =	simm.s32 $0xBA00;
	s4 =	sor.u32 s5, s4  }
0x9: {  	s2 =	simm.s32 $0x0;
	s5 =	sshll.u32 s4, $0x5;
	s4 =	sshrl.u32 s4, $0x3  }
0xa: {  	[smem:$0x7FF] =	sst s2;
	s5 =	sadd.s32 s5, s3;
	s1 =	sadd.s32 s1, s4  }
0xb: {  	_ =	strace $0x8000004A;
	[dreg:$0x3] =	wrdreg s1;
	s18 =	sadd.s32 $0x30E800, s5  }
0xc: {  	s0 =	ssub.s32 $0x2, s0;
	s19 =	sadd.s32 $0x30F000, s5;
	[dreg:$0x4] =	wrdreg s18  }
0xd: {  	s25 =	sshrl.u32 s0, $0x1;
	s20 =	sadd.s32 $0x30F800, s5;
	[dreg:$0x5] =	wrdreg s19  }
0xe: {  	s0 =	ssub.s32 s0, s25;
	s21 =	sadd.s32 $0x310000, s5;
	[dreg:$0x6] =	wrdreg s20  }
0xf: {  	s3 =	sadd.s32 $0x1400, s3;
	s22 =	sadd.s32 $0x310800, s5;
	[dreg:$0x7] =	wrdreg s21  }
0x10: {  	s4 =	smax.u32 s0, $0x1;
	s23 =	sadd.s32 $0x311000, s5;
	[dreg:$0x8] =	wrdreg s22  }
0x11: {  	s0 =	simm.s32 $0x4;
	s24 =	sadd.s32 $0x311800, s5;
	[dreg:$0x9] =	wrdreg s23  }
0x12: {  	s26 =	sadd.s32 $0x312000, s5;
	s1 =	simm.s32 $0x2;
	[dreg:$0xa] =	wrdreg s24  }
0x13: {  	v2 =	vlaneseq.u32;
	[dreg:$0xb] =	wrdreg s26;
	s23 =	simm.s32 $0x200;
	s22 =	simm.s32 $0x1  }
0x14: {  	vm0 =	vmmov $0xffff;
	v1 =	vshrl.u32 v2, $0x3;
	s24 =	simm.s32 $0x3;
	s18 =	simm.s32 $0x5A00;
	s19 =	simm.s32 $0x6200  }
0x15: {  	v0 =	vand.u32 $0x7, v2;
	v2 =	vor.u32 $0x8, v2;
	v1 =	vmul.u32 $0x8, v1;
	s20 =	simm.s32 $0x6A00;
	s21 =	simm.s32 $0x7200;
	s26 =	simm.s32 $0x8A00  }
.LBB2_1:
0x16: {  	s25 =	rddreg [dreg:$0x3];
	s5 =	simm.s32 $0x5  }
0x17: {  	[tilespmem:s2], [sflag:$0x5] =	stream.linear.gather [hbm4b:s25+s2], $0x200, $0x38;
	[tilespmem:$0xC200] =	vst v63  }
0x18: {  	_ =	swait.ge [sflag:s5], $0x200  }
0x19: {  	[sflag:s5] =	ssyncset.done $0x0  }
0x1a: {  	[sflag:s5] =	ssyncadd.s32 $0xFFFFFE00  }
0x1b: {  	v3 =	vld [tilespmem:$0x0];
	_ =	sdelay $0x4  }
0x1c: {  	v4 =	vshll.u32 v3, $0x1  }
0x1d: {  	v3 =	vand.u32 $0x7, v3;
	v4 =	vand.u32 $0xFFFFFFF0, v4  }
0x1e: {  	v3 =	vor.u32 v3, v4  }
0x1f: {  	v4 =	vperm.xlane v3, v0;
	_ =	sdelay $0x1  }
0x20: {  	v3 =	vperm.xlane v3, v2;
	v4 =	vadd.s32 v1, v4;
	_ =	sdelay $0x1  }
0x21: {  	v3 =	vadd.s32 v1, v3;
	_ =	sdelay $0x2  }
0x22: {  	[tilespmem:s23], [sflag:$0x1] =	stream.indirect_vreg.gather [hbm4b:s3+s2], $0x80, v4, vm0, $0xb8;
	[tilespmem:$0xC200] =	vst v63  }
0x23: {  	_ = 	snop  }
0x24: {  	[tilespmem:s8], [sflag:$0x1] =	stream.indirect_vreg.gather [hbm4b:s3+s2], $0x80, v3, vm0, $0xb8;
	[tilespmem:$0xC200] =	vst v63  }
0x25: {  	v3 =	vld [tilespmem:$0x10];
	_ =	sdelay $0x4  }
0x26: {  	v33 =	vshll.u32 v3, $0x1  }
0x27: {  	v3 =	vand.u32 $0x7, v3;
	v4 =	vand.u32 $0xFFFFFFF0, v33  }
0x28: {  	v3 =	vor.u32 v3, v4  }
0x29: {  	v4 =	vperm.xlane v3, v0;
	_ =	sdelay $0x1  }
0x2a: {  	v3 =	vperm.xlane v3, v2;
	v4 =	vadd.s32 v1, v4;
	_ =	sdelay $0x1  }
0x2b: {  	v3 =	vadd.s32 v1, v3;
	_ =	sdelay $0x2  }
0x2c: {  	[tilespmem:s9], [sflag:$0x1] =	stream.indirect_vreg.gather [hbm4b:s3+s2], $0x80, v4, vm0, $0xb8;
	[tilespmem:$0xC200] =	vst v63  }
0x2d: {  	_ = 	snop  }
0x2e: {  	[tilespmem:s10], [sflag:$0x1] =	stream.indirect_vreg.gather [hbm4b:s3+s2], $0x80, v3, vm0, $0xb8;
	[tilespmem:$0xC200] =	vst v63  }
0x2f: {  	v3 =	vld [tilespmem:$0x20];
	_ =	sdelay $0x4  }
0x30: {  	v34 =	vshll.u32 v3, $0x1  }
0x31: {  	v3 =	vand.u32 $0x7, v3;
	v4 =	vand.u32 $0xFFFFFFF0, v34  }
0x32: {  	v3 =	vor.u32 v3, v4  }
0x33: {  	v4 =	vperm.xlane v3, v0;
	_ =	sdelay $0x1  }
0x34: {  	v3 =	vperm.xlane v3, v2;
	v4 =	vadd.s32 v1, v4;
	_ =	sdelay $0x1  }
0x35: {  	v3 =	vadd.s32 v1, v3;
	_ =	sdelay $0x2  }
0x36: {  	[tilespmem:s11], [sflag:$0x1] =	stream.indirect_vreg.gather [hbm4b:s3+s2], $0x80, v4, vm0, $0xb8;
	[tilespmem:$0xC200] =	vst v63  }
0x37: {  	_ = 	snop  }
0x38: {  	[tilespmem:s12], [sflag:$0x1] =	stream.indirect_vreg.gather [hbm4b:s3+s2], $0x80, v3, vm0, $0xb8;
	[tilespmem:$0xC200] =	vst v63  }
0x39: {  	v3 =	vld [tilespmem:$0x30];
	_ =	sdelay $0x4  }
0x3a: {  	v35 =	vshll.u32 v3, $0x1  }
0x3b: {  	v3 =	vand.u32 $0x7, v3;
	v4 =	vand.u32 $0xFFFFFFF0, v35  }
0x3c: {  	v3 =	vor.u32 v3, v4  }
0x3d: {  	v4 =	vperm.xlane v3, v0;
	_ =	sdelay $0x1  }
0x3e: {  	v3 =	vperm.xlane v3, v2;
	v4 =	vadd.s32 v1, v4;
	_ =	sdelay $0x1  }
0x3f: {  	v3 =	vadd.s32 v1, v3;
	_ =	sdelay $0x2  }
0x40: {  	[tilespmem:s13], [sflag:$0x1] =	stream.indirect_vreg.gather [hbm4b:s3+s2], $0x80, v4, vm0, $0xb8;
	[tilespmem:$0xC200] =	vst v63  }
0x41: {  	_ = 	snop  }
0x42: {  	[tilespmem:s15], [sflag:$0x1] =	stream.indirect_vreg.gather [hbm4b:s3+s2], $0x80, v3, vm0, $0xb8;
	[tilespmem:$0xC200] =	vst v63  }
0x43: {  	v3 =	vld [tilespmem:$0x40];
	_ =	sdelay $0x4  }
0x44: {  	v36 =	vshll.u32 v3, $0x1  }
0x45: {  	v3 =	vand.u32 $0x7, v3;
	v4 =	vand.u32 $0xFFFFFFF0, v36  }
0x46: {  	v3 =	vor.u32 v3, v4  }
0x47: {  	v4 =	vperm.xlane v3, v0;
	_ =	sdelay $0x1  }
0x48: {  	v3 =	vperm.xlane v3, v2;
	v4 =	vadd.s32 v1, v4;
	_ =	sdelay $0x1  }
0x49: {  	v3 =	vadd.s32 v1, v3;
	_ =	sdelay $0x2  }
0x4a: {  	[tilespmem:s14], [sflag:$0x2] =	stream.indirect_vreg.gather [hbm4b:s3+s2], $0x80, v4, vm0, $0xb8;
	[tilespmem:$0xC200] =	vst v63  }
0x4b: {  	s16 =	simm.s32 $0x4A00  }
0x4c: {  	[tilespmem:s16], [sflag:$0x2] =	stream.indirect_vreg.gather [hbm4b:s3+s2], $0x80, v3, vm0, $0xb8;
	[tilespmem:$0xC200] =	vst v63  }
0x4d: {  	v3 =	vld [tilespmem:$0x50];
	_ =	sdelay $0x4  }
0x4e: {  	v37 =	vshll.u32 v3, $0x1  }
0x4f: {  	v3 =	vand.u32 $0x7, v3;
	v4 =	vand.u32 $0xFFFFFFF0, v37  }
0x50: {  	v3 =	vor.u32 v3, v4  }
0x51: {  	v4 =	vperm.xlane v3, v0;
	_ =	sdelay $0x1  }
0x52: {  	v3 =	vperm.xlane v3, v2;
	v4 =	vadd.s32 v1, v4;
	_ =	sdelay $0x1  }
0x53: {  	v3 =	vadd.s32 v1, v3;
	_ =	sdelay $0x2  }
0x54: {  	[tilespmem:s17], [sflag:$0x2] =	stream.indirect_vreg.gather [hbm4b:s3+s2], $0x80, v4, vm0, $0xb8;
	[tilespmem:$0xC200] =	vst v63  }
0x55: {  	_ = 	snop  }
0x56: {  	[tilespmem:s18], [sflag:$0x2] =	stream.indirect_vreg.gather [hbm4b:s3+s2], $0x80, v3, vm0, $0xb8;
	[tilespmem:$0xC200] =	vst v63  }
0x57: {  	v3 =	vld [tilespmem:$0x60];
	_ =	sdelay $0x4  }
0x58: {  	v38 =	vshll.u32 v3, $0x1  }
0x59: {  	v3 =	vand.u32 $0x7, v3;
	v4 =	vand.u32 $0xFFFFFFF0, v38  }
0x5a: {  	v3 =	vor.u32 v3, v4  }
0x5b: {  	v4 =	vperm.xlane v3, v0;
	_ =	sdelay $0x1  }
0x5c: {  	v3 =	vperm.xlane v3, v2;
	v4 =	vadd.s32 v1, v4;
	_ =	sdelay $0x1  }
0x5d: {  	v3 =	vadd.s32 v1, v3;
	_ =	sdelay $0x2  }
0x5e: {  	[tilespmem:s19], [sflag:$0x2] =	stream.indirect_vreg.gather [hbm4b:s3+s2], $0x80, v4, vm0, $0xb8;
	[tilespmem:$0xC200] =	vst v63  }
0x5f: {  	_ = 	snop  }
0x60: {  	[tilespmem:s20], [sflag:$0x2] =	stream.indirect_vreg.gather [hbm4b:s3+s2], $0x80, v3, vm0, $0xb8;
	[tilespmem:$0xC200] =	vst v63  }
0x61: {  	v3 =	vld [tilespmem:$0x70];
	_ =	sdelay $0x4  }
0x62: {  	v39 =	vshll.u32 v3, $0x1  }
0x63: {  	v3 =	vand.u32 $0x7, v3;
	v4 =	vand.u32 $0xFFFFFFF0, v39  }
0x64: {  	v3 =	vor.u32 v3, v4  }
0x65: {  	v4 =	vperm.xlane v3, v0;
	_ =	sdelay $0x1  }
0x66: {  	v3 =	vperm.xlane v3, v2;
	v4 =	vadd.s32 v1, v4;
	_ =	sdelay $0x1  }
0x67: {  	v3 =	vadd.s32 v1, v3;
	_ =	sdelay $0x2  }
0x68: {  	[tilespmem:s21], [sflag:$0x2] =	stream.indirect_vreg.gather [hbm4b:s3+s2], $0x80, v4, vm0, $0xb8;
	[tilespmem:$0xC200] =	vst v63  }
0x69: {  	s25 =	simm.s32 $0x7A00  }
0x6a: {  	[tilespmem:s25], [sflag:$0x2] =	stream.indirect_vreg.gather [hbm4b:s3+s2], $0x80, v3, vm0, $0xb8;
	[tilespmem:$0xC200] =	vst v63  }
0x6b: {  	_ =	swait.ge [sflag:s22], $0x4000  }
0x6c: {  	[sflag:s22] =	ssyncset.done $0x0  }
0x6d: {  	[sflag:s22] =	ssyncadd.s32 $0xFFFFC000  }
0x6e: {  	v3 =	vld [tilespmem:$0x80];
	_ =	sdelay $0x4  }
0x6f: {  	v40 =	vshll.u32 v3, $0x1  }
0x70: {  	v3 =	vand.u32 $0x7, v3;
	v4 =	vand.u32 $0xFFFFFFF0, v40  }
0x71: {  	v3 =	vor.u32 v3, v4  }
0x72: {  	v4 =	vperm.xlane v3, v0;
	_ =	sdelay $0x1  }
0x73: {  	v3 =	vperm.xlane v3, v2;
	v4 =	vadd.s32 v1, v4;
	_ =	sdelay $0x1  }
0x74: {  	v3 =	vadd.s32 v1, v3;
	_ =	sdelay $0x2  }
0x75: {  	[tilespmem:s6], [sflag:$0x3] =	stream.indirect_vreg.gather [hbm4b:s3+s2], $0x80, v4, vm0, $0xb8;
	[tilespmem:$0xC200] =	vst v63  }
0x76: {  	_ = 	snop  }
0x77: {  	[tilespmem:s26], [sflag:$0x3] =	stream.indirect_vreg.gather [hbm4b:s3+s2], $0x80, v3, vm0, $0xb8;
	[tilespmem:$0xC200] =	vst v63  }
0x78: {  	v3 =	vld [tilespmem:$0x90];
	_ =	sdelay $0x4  }
0x79: {  	v41 =	vshll.u32 v3, $0x1  }
0x7a: {  	v3 =	vand.u32 $0x7, v3;
	v4 =	vand.u32 $0xFFFFFFF0, v41  }
0x7b: {  	v3 =	vor.u32 v3, v4  }
0x7c: {  	v4 =	vperm.xlane v3, v0;
	_ =	sdelay $0x1  }
0x7d: {  	v3 =	vperm.xlane v3, v2;
	v4 =	vadd.s32 v1, v4;
	_ =	sdelay $0x1  }
0x7e: {  	v3 =	vadd.s32 v1, v3;
	_ =	sdelay $0x2  }
0x7f: {  	[tilespmem:s28], [sflag:$0x3] =	stream.indirect_vreg.gather [hbm4b:s3+s2], $0x80, v4, vm0, $0xb8;
	[tilespmem:$0xC200] =	vst v63  }
0x80: {  	_ = 	snop  }
0x81: {  	[tilespmem:s29], [sflag:$0x3] =	stream.indirect_vreg.gather [hbm4b:s3+s2], $0x80, v3, vm0, $0xb8;
	[tilespmem:$0xC200] =	vst v63  }
0x82: {  	v3 =	vld [tilespmem:$0xA0];
	_ =	sdelay $0x4  }
0x83: {  	v42 =	vshll.u32 v3, $0x1  }
0x84: {  	v3 =	vand.u32 $0x7, v3;
	v4 =	vand.u32 $0xFFFFFFF0, v42  }
0x85: {  	v3 =	vor.u32 v3, v4  }
0x86: {  	v4 =	vperm.xlane v3, v0;
	_ =	sdelay $0x1  }
0x87: {  	v3 =	vperm.xlane v3, v2;
	v4 =	vadd.s32 v1, v4;
	_ =	sdelay $0x1  }
0x88: {  	v3 =	vadd.s32 v1, v3;
	_ =	sdelay $0x2  }
0x89: {  	[tilespmem:s30], [sflag:$0x3] =	stream.indirect_vreg.gather [hbm4b:s3+s2], $0x80, v4, vm0, $0xb8;
	[tilespmem:$0xC200] =	vst v63  }
0x8a: {  	_ = 	snop  }
0x8b: {  	[tilespmem:s31], [sflag:$0x3] =	stream.indirect_vreg.gather [hbm4b:s3+s2], $0x80, v3, vm0, $0xb8;
	[tilespmem:$0xC200] =	vst v63  }
0x8c: {  	v3 =	vld [tilespmem:$0xB0];
	_ =	sdelay $0x4  }
0x8d: {  	v43 =	vshll.u32 v3, $0x1  }
0x8e: {  	v3 =	vand.u32 $0x7, v3;
	v4 =	vand.u32 $0xFFFFFFF0, v43  }
0x8f: {  	v3 =	vor.u32 v3, v4  }
0x90: {  	v4 =	vperm.xlane v3, v0;
	_ =	sdelay $0x1  }
0x91: {  	v3 =	vperm.xlane v3, v2;
	v4 =	vadd.s32 v1, v4;
	_ =	sdelay $0x1  }
0x92: {  	v3 =	vadd.s32 v1, v3;
	_ =	sdelay $0x1  }
0x93: {  	s5 =	simm.s32 $0xB200  }
0x94: {  	[tilespmem:s5], [sflag:$0x3] =	stream.indirect_vreg.gather [hbm4b:s3+s2], $0x80, v4, vm0, $0xb8;
	[tilespmem:$0xC200] =	vst v63  }
0x95: {  	_ = 	snop  }
0x96: {  	[tilespmem:s7], [sflag:$0x3] =	stream.indirect_vreg.gather [hbm4b:s3+s2], $0x80, v3, vm0, $0xb8;
	[tilespmem:$0xC200] =	vst v63  }
0x97: {  	s25 =	rddreg [dreg:$0x4]  }
0x98: {  	[hbm4b:s25+s2] =	stream.linear.scatter [tilespmem:s23], [sflag:$0x4], $0x4000, $0x38;
	[tilespmem:$0xC200] =	vst v63  }
0x99: {  	_ =	swait.ge [sflag:s1], $0x4000  }
0x9a: {  	[sflag:s1] =	ssyncset.done $0x0  }
0x9b: {  	[sflag:s1] =	ssyncadd.s32 $0xFFFFC000  }
0x9c: {  	_ =	swait.ge [sflag:s0], $0x4000  }
0x9d: {  	[sflag:s0] =	ssyncset.done $0x0  }
0x9e: {  	[sflag:s0] =	ssyncadd.s32 $0xFFFFC000  }
0x9f: {  	v3 =	vld [tilespmem:$0xC0];
	_ =	sdelay $0x4  }
0xa0: {  	v44 =	vshll.u32 v3, $0x1  }
0xa1: {  	v3 =	vand.u32 $0x7, v3;
	v4 =	vand.u32 $0xFFFFFFF0, v44  }
0xa2: {  	v3 =	vor.u32 v3, v4  }
0xa3: {  	v4 =	vperm.xlane v3, v0;
	_ =	sdelay $0x1  }
0xa4: {  	v3 =	vperm.xlane v3, v2;
	v4 =	vadd.s32 v1, v4;
	_ =	sdelay $0x1  }
0xa5: {  	v3 =	vadd.s32 v1, v3;
	_ =	sdelay $0x2  }
0xa6: {  	[tilespmem:s23], [sflag:$0x1] =	stream.indirect_vreg.gather [hbm4b:s3+s2], $0x80, v4, vm0, $0xb8;
	[tilespmem:$0xC200] =	vst v63  }
0xa7: {  	_ = 	snop  }
0xa8: {  	[tilespmem:s8], [sflag:$0x1] =	stream.indirect_vreg.gather [hbm4b:s3+s2], $0x80, v3, vm0, $0xb8;
	[tilespmem:$0xC200] =	vst v63  }
0xa9: {  	v3 =	vld [tilespmem:$0xD0];
	_ =	sdelay $0x4  }
0xaa: {  	v45 =	vshll.u32 v3, $0x1  }
0xab: {  	v3 =	vand.u32 $0x7, v3;
	v4 =	vand.u32 $0xFFFFFFF0, v45  }
0xac: {  	v3 =	vor.u32 v3, v4  }
0xad: {  	v4 =	vperm.xlane v3, v0;
	_ =	sdelay $0x1  }
0xae: {  	v3 =	vperm.xlane v3, v2;
	v4 =	vadd.s32 v1, v4;
	_ =	sdelay $0x1  }
0xaf: {  	v3 =	vadd.s32 v1, v3;
	_ =	sdelay $0x2  }
0xb0: {  	[tilespmem:s9], [sflag:$0x1] =	stream.indirect_vreg.gather [hbm4b:s3+s2], $0x80, v4, vm0, $0xb8;
	[tilespmem:$0xC200] =	vst v63  }
0xb1: {  	_ = 	snop  }
0xb2: {  	[tilespmem:s10], [sflag:$0x1] =	stream.indirect_vreg.gather [hbm4b:s3+s2], $0x80, v3, vm0, $0xb8;
	[tilespmem:$0xC200] =	vst v63  }
0xb3: {  	v3 =	vld [tilespmem:$0xE0];
	_ =	sdelay $0x4  }
0xb4: {  	v46 =	vshll.u32 v3, $0x1  }
0xb5: {  	v3 =	vand.u32 $0x7, v3;
	v4 =	vand.u32 $0xFFFFFFF0, v46  }
0xb6: {  	v3 =	vor.u32 v3, v4  }
0xb7: {  	v4 =	vperm.xlane v3, v0;
	_ =	sdelay $0x1  }
0xb8: {  	v3 =	vperm.xlane v3, v2;
	v4 =	vadd.s32 v1, v4;
	_ =	sdelay $0x1  }
0xb9: {  	v3 =	vadd.s32 v1, v3;
	_ =	sdelay $0x2  }
0xba: {  	[tilespmem:s11], [sflag:$0x1] =	stream.indirect_vreg.gather [hbm4b:s3+s2], $0x80, v4, vm0, $0xb8;
	[tilespmem:$0xC200] =	vst v63  }
0xbb: {  	_ = 	snop  }
0xbc: {  	[tilespmem:s12], [sflag:$0x1] =	stream.indirect_vreg.gather [hbm4b:s3+s2], $0x80, v3, vm0, $0xb8;
	[tilespmem:$0xC200] =	vst v63  }
0xbd: {  	v3 =	vld [tilespmem:$0xF0];
	_ =	sdelay $0x4  }
0xbe: {  	v47 =	vshll.u32 v3, $0x1  }
0xbf: {  	v3 =	vand.u32 $0x7, v3;
	v4 =	vand.u32 $0xFFFFFFF0, v47  }
0xc0: {  	v3 =	vor.u32 v3, v4  }
0xc1: {  	v4 =	vperm.xlane v3, v0;
	_ =	sdelay $0x1  }
0xc2: {  	v3 =	vperm.xlane v3, v2;
	v4 =	vadd.s32 v1, v4;
	_ =	sdelay $0x1  }
0xc3: {  	v3 =	vadd.s32 v1, v3;
	_ =	sdelay $0x2  }
0xc4: {  	[tilespmem:s13], [sflag:$0x1] =	stream.indirect_vreg.gather [hbm4b:s3+s2], $0x80, v4, vm0, $0xb8;
	[tilespmem:$0xC200] =	vst v63  }
0xc5: {  	_ = 	snop  }
0xc6: {  	[tilespmem:s15], [sflag:$0x1] =	stream.indirect_vreg.gather [hbm4b:s3+s2], $0x80, v3, vm0, $0xb8;
	[tilespmem:$0xC200] =	vst v63  }
0xc7: {  	s25 =	rddreg [dreg:$0x5]  }
0xc8: {  	[hbm4b:s25+s2] =	stream.linear.scatter [tilespmem:s14], [sflag:$0x4], $0x4000, $0x38;
	[tilespmem:$0xC200] =	vst v63  }
0xc9: {  	_ =	swait.ge [sflag:s24], $0x4000  }
0xca: {  	[sflag:s24] =	ssyncset.done $0x0  }
0xcb: {  	[sflag:s24] =	ssyncadd.s32 $0xFFFFC000  }
0xcc: {  	_ =	swait.ge [sflag:s0], $0x4000  }
0xcd: {  	[sflag:s0] =	ssyncset.done $0x0  }
0xce: {  	[sflag:s0] =	ssyncadd.s32 $0xFFFFC000  }
0xcf: {  	v3 =	vld [tilespmem:$0x100];
	_ =	sdelay $0x4  }
0xd0: {  	v48 =	vshll.u32 v3, $0x1  }
0xd1: {  	v3 =	vand.u32 $0x7, v3;
	v4 =	vand.u32 $0xFFFFFFF0, v48  }
0xd2: {  	v3 =	vor.u32 v3, v4  }
0xd3: {  	v4 =	vperm.xlane v3, v0;
	_ =	sdelay $0x1  }
0xd4: {  	v3 =	vperm.xlane v3, v2;
	v4 =	vadd.s32 v1, v4;
	_ =	sdelay $0x1  }
0xd5: {  	v3 =	vadd.s32 v1, v3;
	_ =	sdelay $0x2  }
0xd6: {  	[tilespmem:s14], [sflag:$0x2] =	stream.indirect_vreg.gather [hbm4b:s3+s2], $0x80, v4, vm0, $0xb8;
	[tilespmem:$0xC200] =	vst v63  }
0xd7: {  	s16 =	simm.s32 $0x4A00  }
0xd8: {  	[tilespmem:s16], [sflag:$0x2] =	stream.indirect_vreg.gather [hbm4b:s3+s2], $0x80, v3, vm0, $0xb8;
	[tilespmem:$0xC200] =	vst v63  }
0xd9: {  	v3 =	vld [tilespmem:$0x110];
	_ =	sdelay $0x4  }
0xda: {  	v49 =	vshll.u32 v3, $0x1  }
0xdb: {  	v3 =	vand.u32 $0x7, v3;
	v4 =	vand.u32 $0xFFFFFFF0, v49  }
0xdc: {  	v3 =	vor.u32 v3, v4  }
0xdd: {  	v4 =	vperm.xlane v3, v0;
	_ =	sdelay $0x1  }
0xde: {  	v3 =	vperm.xlane v3, v2;
	v4 =	vadd.s32 v1, v4;
	_ =	sdelay $0x1  }
0xdf: {  	v3 =	vadd.s32 v1, v3;
	_ =	sdelay $0x2  }
0xe0: {  	[tilespmem:s17], [sflag:$0x2] =	stream.indirect_vreg.gather [hbm4b:s3+s2], $0x80, v4, vm0, $0xb8;
	[tilespmem:$0xC200] =	vst v63  }
0xe1: {  	_ = 	snop  }
0xe2: {  	[tilespmem:s18], [sflag:$0x2] =	stream.indirect_vreg.gather [hbm4b:s3+s2], $0x80, v3, vm0, $0xb8;
	[tilespmem:$0xC200] =	vst v63  }
0xe3: {  	v3 =	vld [tilespmem:$0x120];
	_ =	sdelay $0x4  }
0xe4: {  	v50 =	vshll.u32 v3, $0x1  }
0xe5: {  	v3 =	vand.u32 $0x7, v3;
	v4 =	vand.u32 $0xFFFFFFF0, v50  }
0xe6: {  	v3 =	vor.u32 v3, v4  }
0xe7: {  	v4 =	vperm.xlane v3, v0;
	_ =	sdelay $0x1  }
0xe8: {  	v3 =	vperm.xlane v3, v2;
	v4 =	vadd.s32 v1, v4;
	_ =	sdelay $0x1  }
0xe9: {  	v3 =	vadd.s32 v1, v3;
	_ =	sdelay $0x2  }
0xea: {  	[tilespmem:s19], [sflag:$0x2] =	stream.indirect_vreg.gather [hbm4b:s3+s2], $0x80, v4, vm0, $0xb8;
	[tilespmem:$0xC200] =	vst v63  }
0xeb: {  	_ = 	snop  }
0xec: {  	[tilespmem:s20], [sflag:$0x2] =	stream.indirect_vreg.gather [hbm4b:s3+s2], $0x80, v3, vm0, $0xb8;
	[tilespmem:$0xC200] =	vst v63  }
0xed: {  	v3 =	vld [tilespmem:$0x130];
	_ =	sdelay $0x4  }
0xee: {  	v51 =	vshll.u32 v3, $0x1  }
0xef: {  	v3 =	vand.u32 $0x7, v3;
	v4 =	vand.u32 $0xFFFFFFF0, v51  }
0xf0: {  	v3 =	vor.u32 v3, v4  }
0xf1: {  	v4 =	vperm.xlane v3, v0;
	_ =	sdelay $0x1  }
0xf2: {  	v3 =	vperm.xlane v3, v2;
	v4 =	vadd.s32 v1, v4;
	_ =	sdelay $0x1  }
0xf3: {  	v3 =	vadd.s32 v1, v3;
	_ =	sdelay $0x2  }
0xf4: {  	[tilespmem:s21], [sflag:$0x2] =	stream.indirect_vreg.gather [hbm4b:s3+s2], $0x80, v4, vm0, $0xb8;
	[tilespmem:$0xC200] =	vst v63  }
0xf5: {  	s16 =	simm.s32 $0x7A00  }
0xf6: {  	[tilespmem:s16], [sflag:$0x2] =	stream.indirect_vreg.gather [hbm4b:s3+s2], $0x80, v3, vm0, $0xb8;
	[tilespmem:$0xC200] =	vst v63  }
0xf7: {  	s25 =	rddreg [dreg:$0x6]  }
0xf8: {  	[hbm4b:s25+s2] =	stream.linear.scatter [tilespmem:s6], [sflag:$0x4], $0x4000, $0x38;
	[tilespmem:$0xC200] =	vst v63  }
0xf9: {  	_ =	swait.ge [sflag:s22], $0x4000  }
0xfa: {  	[sflag:s22] =	ssyncset.done $0x0  }
0xfb: {  	[sflag:s22] =	ssyncadd.s32 $0xFFFFC000  }
0xfc: {  	_ =	swait.ge [sflag:s0], $0x4000  }
0xfd: {  	[sflag:s0] =	ssyncset.done $0x0  }
0xfe: {  	[sflag:s0] =	ssyncadd.s32 $0xFFFFC000  }
0xff: {  	v3 =	vld [tilespmem:$0x140];
	_ =	sdelay $0x4  }
0x100: {  	v52 =	vshll.u32 v3, $0x1  }
0x101: {  	v3 =	vand.u32 $0x7, v3;
	v4 =	vand.u32 $0xFFFFFFF0, v52  }
0x102: {  	v3 =	vor.u32 v3, v4  }
0x103: {  	v4 =	vperm.xlane v3, v0;
	_ =	sdelay $0x1  }
0x104: {  	v3 =	vperm.xlane v3, v2;
	v4 =	vadd.s32 v1, v4;
	_ =	sdelay $0x1  }
0x105: {  	v3 =	vadd.s32 v1, v3;
	_ =	sdelay $0x2  }
0x106: {  	[tilespmem:s6], [sflag:$0x3] =	stream.indirect_vreg.gather [hbm4b:s3+s2], $0x80, v4, vm0, $0xb8;
	[tilespmem:$0xC200] =	vst v63  }
0x107: {  	_ = 	snop  }
0x108: {  	[tilespmem:s26], [sflag:$0x3] =	stream.indirect_vreg.gather [hbm4b:s3+s2], $0x80, v3, vm0, $0xb8;
	[tilespmem:$0xC200] =	vst v63  }
0x109: {  	v3 =	vld [tilespmem:$0x150];
	_ =	sdelay $0x4  }
0x10a: {  	v53 =	vshll.u32 v3, $0x1  }
0x10b: {  	v3 =	vand.u32 $0x7, v3;
	v4 =	vand.u32 $0xFFFFFFF0, v53  }
0x10c: {  	v3 =	vor.u32 v3, v4  }
0x10d: {  	v4 =	vperm.xlane v3, v0;
	_ =	sdelay $0x1  }
0x10e: {  	v3 =	vperm.xlane v3, v2;
	v4 =	vadd.s32 v1, v4;
	_ =	sdelay $0x1  }
0x10f: {  	v3 =	vadd.s32 v1, v3;
	_ =	sdelay $0x2  }
0x110: {  	[tilespmem:s28], [sflag:$0x3] =	stream.indirect_vreg.gather [hbm4b:s3+s2], $0x80, v4, vm0, $0xb8;
	[tilespmem:$0xC200] =	vst v63  }
0x111: {  	_ = 	snop  }
0x112: {  	[tilespmem:s29], [sflag:$0x3] =	stream.indirect_vreg.gather [hbm4b:s3+s2], $0x80, v3, vm0, $0xb8;
	[tilespmem:$0xC200] =	vst v63  }
0x113: {  	v3 =	vld [tilespmem:$0x160];
	_ =	sdelay $0x4  }
0x114: {  	v54 =	vshll.u32 v3, $0x1  }
0x115: {  	v3 =	vand.u32 $0x7, v3;
	v4 =	vand.u32 $0xFFFFFFF0, v54  }
0x116: {  	v3 =	vor.u32 v3, v4  }
0x117: {  	v4 =	vperm.xlane v3, v0;
	_ =	sdelay $0x1  }
0x118: {  	v3 =	vperm.xlane v3, v2;
	v4 =	vadd.s32 v1, v4;
	_ =	sdelay $0x1  }
0x119: {  	v3 =	vadd.s32 v1, v3;
	_ =	sdelay $0x2  }
0x11a: {  	[tilespmem:s30], [sflag:$0x3] =	stream.indirect_vreg.gather [hbm4b:s3+s2], $0x80, v4, vm0, $0xb8;
	[tilespmem:$0xC200] =	vst v63  }
0x11b: {  	_ = 	snop  }
0x11c: {  	[tilespmem:s31], [sflag:$0x3] =	stream.indirect_vreg.gather [hbm4b:s3+s2], $0x80, v3, vm0, $0xb8;
	[tilespmem:$0xC200] =	vst v63  }
0x11d: {  	v3 =	vld [tilespmem:$0x170];
	_ =	sdelay $0x4  }
0x11e: {  	v55 =	vshll.u32 v3, $0x1  }
0x11f: {  	v3 =	vand.u32 $0x7, v3;
	v4 =	vand.u32 $0xFFFFFFF0, v55  }
0x120: {  	v3 =	vor.u32 v3, v4  }
0x121: {  	v4 =	vperm.xlane v3, v0;
	_ =	sdelay $0x1  }
0x122: {  	v3 =	vperm.xlane v3, v2;
	v4 =	vadd.s32 v1, v4;
	_ =	sdelay $0x1  }
0x123: {  	v3 =	vadd.s32 v1, v3;
	_ =	sdelay $0x2  }
0x124: {  	[tilespmem:s5], [sflag:$0x3] =	stream.indirect_vreg.gather [hbm4b:s3+s2], $0x80, v4, vm0, $0xb8;
	[tilespmem:$0xC200] =	vst v63  }
0x125: {  	_ = 	snop  }
0x126: {  	[tilespmem:s7], [sflag:$0x3] =	stream.indirect_vreg.gather [hbm4b:s3+s2], $0x80, v3, vm0, $0xb8;
	[tilespmem:$0xC200] =	vst v63  }
0x127: {  	s5 =	rddreg [dreg:$0x7]  }
0x128: {  	[hbm4b:s5+s2] =	stream.linear.scatter [tilespmem:s23], [sflag:$0x4], $0x4000, $0x38;
	[tilespmem:$0xC200] =	vst v63  }
0x129: {  	_ =	swait.ge [sflag:s1], $0x4000  }
0x12a: {  	[sflag:s1] =	ssyncset.done $0x0  }
0x12b: {  	[sflag:s1] =	ssyncadd.s32 $0xFFFFC000  }
0x12c: {  	_ =	swait.ge [sflag:s0], $0x4000  }
0x12d: {  	[sflag:s0] =	ssyncset.done $0x0  }
0x12e: {  	[sflag:s0] =	ssyncadd.s32 $0xFFFFC000  }
0x12f: {  	v3 =	vld [tilespmem:$0x180];
	_ =	sdelay $0x4  }
0x130: {  	v56 =	vshll.u32 v3, $0x1  }
0x131: {  	v3 =	vand.u32 $0x7, v3;
	v4 =	vand.u32 $0xFFFFFFF0, v56  }
0x132: {  	v3 =	vor.u32 v3, v4  }
0x133: {  	v4 =	vperm.xlane v3, v0;
	_ =	sdelay $0x1  }
0x134: {  	v3 =	vperm.xlane v3, v2;
	v4 =	vadd.s32 v1, v4;
	_ =	sdelay $0x1  }
0x135: {  	v3 =	vadd.s32 v1, v3;
	_ =	sdelay $0x2  }
0x136: {  	[tilespmem:s23], [sflag:$0x1] =	stream.indirect_vreg.gather [hbm4b:s3+s2], $0x80, v4, vm0, $0xb8;
	[tilespmem:$0xC200] =	vst v63  }
0x137: {  	_ = 	snop  }
0x138: {  	[tilespmem:s8], [sflag:$0x1] =	stream.indirect_vreg.gather [hbm4b:s3+s2], $0x80, v3, vm0, $0xb8;
	[tilespmem:$0xC200] =	vst v63  }
0x139: {  	v3 =	vld [tilespmem:$0x190];
	_ =	sdelay $0x4  }
0x13a: {  	v57 =	vshll.u32 v3, $0x1  }
0x13b: {  	v3 =	vand.u32 $0x7, v3;
	v4 =	vand.u32 $0xFFFFFFF0, v57  }
0x13c: {  	v3 =	vor.u32 v3, v4  }
0x13d: {  	v4 =	vperm.xlane v3, v0;
	_ =	sdelay $0x1  }
0x13e: {  	v3 =	vperm.xlane v3, v2;
	v4 =	vadd.s32 v1, v4;
	_ =	sdelay $0x1  }
0x13f: {  	v3 =	vadd.s32 v1, v3;
	_ =	sdelay $0x2  }
0x140: {  	[tilespmem:s9], [sflag:$0x1] =	stream.indirect_vreg.gather [hbm4b:s3+s2], $0x80, v4, vm0, $0xb8;
	[tilespmem:$0xC200] =	vst v63  }
0x141: {  	_ = 	snop  }
0x142: {  	[tilespmem:s10], [sflag:$0x1] =	stream.indirect_vreg.gather [hbm4b:s3+s2], $0x80, v3, vm0, $0xb8;
	[tilespmem:$0xC200] =	vst v63  }
0x143: {  	v3 =	vld [tilespmem:$0x1A0];
	_ =	sdelay $0x4  }
0x144: {  	v58 =	vshll.u32 v3, $0x1  }
0x145: {  	v3 =	vand.u32 $0x7, v3;
	v4 =	vand.u32 $0xFFFFFFF0, v58  }
0x146: {  	v3 =	vor.u32 v3, v4  }
0x147: {  	v4 =	vperm.xlane v3, v0;
	_ =	sdelay $0x1  }
0x148: {  	v3 =	vperm.xlane v3, v2;
	v4 =	vadd.s32 v1, v4;
	_ =	sdelay $0x1  }
0x149: {  	v3 =	vadd.s32 v1, v3;
	_ =	sdelay $0x2  }
0x14a: {  	[tilespmem:s11], [sflag:$0x1] =	stream.indirect_vreg.gather [hbm4b:s3+s2], $0x80, v4, vm0, $0xb8;
	[tilespmem:$0xC200] =	vst v63  }
0x14b: {  	_ = 	snop  }
0x14c: {  	[tilespmem:s12], [sflag:$0x1] =	stream.indirect_vreg.gather [hbm4b:s3+s2], $0x80, v3, vm0, $0xb8;
	[tilespmem:$0xC200] =	vst v63  }
0x14d: {  	v3 =	vld [tilespmem:$0x1B0];
	_ =	sdelay $0x4  }
0x14e: {  	v59 =	vshll.u32 v3, $0x1  }
0x14f: {  	v3 =	vand.u32 $0x7, v3;
	v4 =	vand.u32 $0xFFFFFFF0, v59  }
0x150: {  	v3 =	vor.u32 v3, v4  }
0x151: {  	v4 =	vperm.xlane v3, v0;
	_ =	sdelay $0x1  }
0x152: {  	v3 =	vperm.xlane v3, v2;
	v4 =	vadd.s32 v1, v4;
	_ =	sdelay $0x1  }
0x153: {  	v3 =	vadd.s32 v1, v3;
	_ =	sdelay $0x2  }
0x154: {  	[tilespmem:s13], [sflag:$0x1] =	stream.indirect_vreg.gather [hbm4b:s3+s2], $0x80, v4, vm0, $0xb8;
	[tilespmem:$0xC200] =	vst v63  }
0x155: {  	_ = 	snop  }
0x156: {  	[tilespmem:s15], [sflag:$0x1] =	stream.indirect_vreg.gather [hbm4b:s3+s2], $0x80, v3, vm0, $0xb8;
	[tilespmem:$0xC200] =	vst v63  }
0x157: {  	s5 =	rddreg [dreg:$0x8]  }
0x158: {  	[hbm4b:s5+s2] =	stream.linear.scatter [tilespmem:s14], [sflag:$0x4], $0x4000, $0x38;
	[tilespmem:$0xC200] =	vst v63  }
0x159: {  	_ =	swait.ge [sflag:s24], $0x4000  }
0x15a: {  	[sflag:s24] =	ssyncset.done $0x0  }
0x15b: {  	[sflag:s24] =	ssyncadd.s32 $0xFFFFC000  }
0x15c: {  	_ =	swait.ge [sflag:s0], $0x4000  }
0x15d: {  	[sflag:s0] =	ssyncset.done $0x0  }
0x15e: {  	[sflag:s0] =	ssyncadd.s32 $0xFFFFC000  }
0x15f: {  	v3 =	vld [tilespmem:$0x1C0];
	_ =	sdelay $0x4  }
0x160: {  	v60 =	vshll.u32 v3, $0x1  }
0x161: {  	v3 =	vand.u32 $0x7, v3;
	v4 =	vand.u32 $0xFFFFFFF0, v60  }
0x162: {  	v3 =	vor.u32 v3, v4  }
0x163: {  	v4 =	vperm.xlane v3, v0;
	_ =	sdelay $0x1  }
0x164: {  	v3 =	vperm.xlane v3, v2;
	v4 =	vadd.s32 v1, v4;
	_ =	sdelay $0x1  }
0x165: {  	v3 =	vadd.s32 v1, v3;
	_ =	sdelay $0x2  }
0x166: {  	[tilespmem:s14], [sflag:$0x2] =	stream.indirect_vreg.gather [hbm4b:s3+s2], $0x80, v4, vm0, $0xb8;
	[tilespmem:$0xC200] =	vst v63  }
0x167: {  	s25 =	simm.s32 $0x4A00  }
0x168: {  	[tilespmem:s25], [sflag:$0x2] =	stream.indirect_vreg.gather [hbm4b:s3+s2], $0x80, v3, vm0, $0xb8;
	[tilespmem:$0xC200] =	vst v63  }
0x169: {  	v3 =	vld [tilespmem:$0x1D0];
	_ =	sdelay $0x4  }
0x16a: {  	v61 =	vshll.u32 v3, $0x1  }
0x16b: {  	v3 =	vand.u32 $0x7, v3;
	v4 =	vand.u32 $0xFFFFFFF0, v61  }
0x16c: {  	v3 =	vor.u32 v3, v4  }
0x16d: {  	v4 =	vperm.xlane v3, v0;
	_ =	sdelay $0x1  }
0x16e: {  	v3 =	vperm.xlane v3, v2;
	v4 =	vadd.s32 v1, v4;
	_ =	sdelay $0x1  }
0x16f: {  	v3 =	vadd.s32 v1, v3;
	_ =	sdelay $0x2  }
0x170: {  	[tilespmem:s17], [sflag:$0x2] =	stream.indirect_vreg.gather [hbm4b:s3+s2], $0x80, v4, vm0, $0xb8;
	[tilespmem:$0xC200] =	vst v63  }
0x171: {  	_ = 	snop  }
0x172: {  	[tilespmem:s18], [sflag:$0x2] =	stream.indirect_vreg.gather [hbm4b:s3+s2], $0x80, v3, vm0, $0xb8;
	[tilespmem:$0xC200] =	vst v63  }
0x173: {  	v3 =	vld [tilespmem:$0x1E0];
	_ =	sdelay $0x4  }
0x174: {  	v62 =	vshll.u32 v3, $0x1  }
0x175: {  	v3 =	vand.u32 $0x7, v3;
	v4 =	vand.u32 $0xFFFFFFF0, v62  }
0x176: {  	v3 =	vor.u32 v3, v4  }
0x177: {  	v4 =	vperm.xlane v3, v0;
	_ =	sdelay $0x1  }
0x178: {  	v3 =	vperm.xlane v3, v2;
	v4 =	vadd.s32 v1, v4;
	_ =	sdelay $0x1  }
0x179: {  	v3 =	vadd.s32 v1, v3;
	_ =	sdelay $0x2  }
0x17a: {  	[tilespmem:s19], [sflag:$0x2] =	stream.indirect_vreg.gather [hbm4b:s3+s2], $0x80, v4, vm0, $0xb8;
	[tilespmem:$0xC200] =	vst v63  }
0x17b: {  	_ = 	snop  }
0x17c: {  	[tilespmem:s20], [sflag:$0x2] =	stream.indirect_vreg.gather [hbm4b:s3+s2], $0x80, v3, vm0, $0xb8;
	[tilespmem:$0xC200] =	vst v63  }
0x17d: {  	v3 =	vld [tilespmem:$0x1F0];
	_ =	sdelay $0x4  }
0x17e: {  	v63 =	vshll.u32 v3, $0x1  }
0x17f: {  	v3 =	vand.u32 $0x7, v3;
	v4 =	vand.u32 $0xFFFFFFF0, v63  }
0x180: {  	v3 =	vor.u32 v3, v4  }
0x181: {  	v4 =	vperm.xlane v3, v0;
	_ =	sdelay $0x1  }
0x182: {  	v3 =	vperm.xlane v3, v2;
	v4 =	vadd.s32 v1, v4;
	_ =	sdelay $0x1  }
0x183: {  	v3 =	vadd.s32 v1, v3;
	_ =	sdelay $0x2  }
0x184: {  	[tilespmem:s21], [sflag:$0x2] =	stream.indirect_vreg.gather [hbm4b:s3+s2], $0x80, v4, vm0, $0xb8;
	[tilespmem:$0xC200] =	vst v63  }
0x185: {  	s16 =	simm.s32 $0x7A00  }
0x186: {  	[tilespmem:s16], [sflag:$0x2] =	stream.indirect_vreg.gather [hbm4b:s3+s2], $0x80, v3, vm0, $0xb8;
	[tilespmem:$0xC200] =	vst v63  }
0x187: {  	s5 =	rddreg [dreg:$0x9]  }
0x188: {  	[hbm4b:s5+s2] =	stream.linear.scatter [tilespmem:s6], [sflag:$0x4], $0x4000, $0x38;
	[tilespmem:$0xC200] =	vst v63  }
0x189: {  	_ =	swait.ge [sflag:s22], $0x4000  }
0x18a: {  	[sflag:s22] =	ssyncset.done $0x0  }
0x18b: {  	s5 =	rddreg [dreg:$0xa];
	[sflag:s22] =	ssyncadd.s32 $0xFFFFC000  }
0x18c: {  	[hbm4b:s5+s2] =	stream.linear.scatter [tilespmem:s23], [sflag:$0x4], $0x4000, $0x38;
	[tilespmem:$0xC200] =	vst v63  }
0x18d: {  	_ =	swait.ge [sflag:s1], $0x4000  }
0x18e: {  	[sflag:s1] =	ssyncset.done $0x0  }
0x18f: {  	s16 =	rddreg [dreg:$0xb];
	[sflag:s1] =	ssyncadd.s32 $0xFFFFC000  }
0x190: {  	[hbm4b:s16+s2] =	stream.linear.scatter [tilespmem:s14], [sflag:$0x4], $0x4000, $0x38;
	[tilespmem:$0xC200] =	vst v63  }
0x191: {  	_ =	swait.ge [sflag:s0], $0x4000  }
0x192: {  	[sflag:s0] =	ssyncset.done $0x0  }
0x193: {  	[sflag:s0] =	ssyncadd.s32 $0xFFFFC000  }
0x194: {  	p0 =	sne.s32 s4, $0x1;
	_ =	swait.ge [sflag:s0], $0x4000  }
.Ltmp0:
0x195: {  	[sflag:s0] =	ssyncset.done $0x0;
	(pc) =	sbr.rel @p0 .LBB2_1-.Ltmp0, $4  }
0x196: {  	[sflag:s0] =	ssyncadd.s32 $0xFFFFC000  }
0x197: {  	_ =	swait.ge [sflag:s0], $0x4000  }
0x198: {  	[sflag:s0] =	ssyncset.done $0x0  }
0x199: {  	s4 =	sadd.s32 $0xFFFFFFFF, s4;
	[sflag:s0] =	ssyncadd.s32 $0xFFFFC000  }
0x19a: {  	_ =	sfence.sel $0x180000  }
0x19b: {  	[bflag:$0x0] =	sbarrier.arrive $0xFFFF  }
0x19c: {  	_ =	strace $0x9000004A  }
0x19d: {  	s0 =	stileid.u32;
	[bflag:$0x2] =	sbarrier.arrive $0xFFFF  }
0x19e: {  	p0 =	sne.s32 s0, $0x0;
	s0 =	rddreg [dreg:$0x2]  }
0x19f: {  	s0 =	sadd.s32 @!p0 $0x100000, s0  }
0x1a0: {  	[sflag:s0] =	ssyncadd.tile.s32 @!p0 $0x1;
	_ =	shalt  }
.Lfunc_end2:
_tile_overlayer_lowered:
.L_overlay_start_2:
0x1a1: {  	(tag) =	ssettag $0x2  }
0x1a2: {  	s0 =	rddreg [dreg:$0x0];
	s2 =	stileid.u32  }
0x1a3: {  	s1 =	rddreg [dreg:$0x1];
	p0 =	sne.s32 s2, $0x0  }
0x1a4: {  	s3 =	rddreg [dreg:$0x2];
	[bflag:$0x3] =	sbarrier.arrive $0xFFFF;
	s2 =	simm.s32 @!p0 $0x1C05  }
0x1a5: {  	[timem:s3], [sflag:s2] =	dma.local @!p0 [hbm:s0], s1  }
0x1a6: {  	s0 =	simm.s32 @!p0 $0x5  }
0x1a7: {  	_ =	swait.ge @!p0 [sflag:s0], s1  }
0x1a8: {  	s1 =	ssub.s32 @!p0 $0x0, s1;
	[sflag:s0] =	ssyncset.done @!p0 $0x0  }
0x1a9: {  	[sflag:s0] =	ssyncadd.s32 @!p0 s1  }
0x1aa: {  	[bflag:$0x3] =	sbarrier.arrive $0xFFFF  }
0x1ab: {  	_ =	shalt  }

// kernel: _fire_word.7.cloned.1.call-start
scs
__scs_entry_jumppad:
0x0: {  	(pc) =	sbr.rel $0x88, $3  }
0x1: {  	(tag) =	ssettag $0x0;
	lr =	simm.s32 $0x1  }
0x2: {  	[smem:$0x3F9D] =	sst lr;
	_ =	strace $0xD0000000  }
0x3: {  	_ = 	snop  }
0x4: {  	_ = 	snop  }
0x5: {  	_ = 	snop  }
0x6: {  	_ = 	snop  }
0x7: {  	_ = 	snop  }
__scs_overlays_trampoline_lowered:
0x8: {  	[smem:$0x3FAC] =	sst s0  }
0x9: {  	[smem:$0x3FAD] =	sst s1  }
0xa: {  	[smem:$0x3FAE] =	sst s2  }
0xb: {  	[smem:$0x3FAF] =	sst s3  }
0xc: {  	[smem:$0x3FB0] =	sst s4  }
0xd: {  	[smem:$0x3FB1] =	sst s5  }
0xe: {  	[smem:$0x3FB2] =	sst s6  }
0xf: {  	[smem:$0x3FB3] =	sst s7  }
0x10: {  	[smem:$0x3FB4] =	sst s8  }
0x11: {  	[smem:$0x3FB5] =	sst s9;
	s0 =	simm.s32 @!p0 $0x0  }
0x12: {  	s1 =	sld [smem:$0x3F9B];
	s0 =	simm.s32 @p0 $0x1  }
0x13: {  	[smem:$0x3FB6] =	sst s0;
	s0 =	simm.s32 @!p1 $0x0  }
0x14: {  	s2 =	sld [smem:$0x3F9A];
	s0 =	simm.s32 @p1 $0x1  }
0x15: {  	[smem:$0x3FB7] =	sst s0;
	s0 =	simm.s32 @!p2 $0x0  }
0x16: {  	s3 =	sld [smem:$0x3FDB];
	s0 =	simm.s32 @p2 $0x1  }
0x17: {  	s4 =	simm.s32 $0x1BF5;
	[smem:$0x3FB9] =	sst s0  }
0x18: {  	s0 =	sld [smem:$0x3F9C];
	_ =	swait.ge [sflag:s4], $0x0  }
0x19: {  	s7 =	sld [smem:$0x3F9D]  }
0x1a: {  	s8 =	sadd.s32 $0xFFFFE003, lr  }
0x1b: {  	s9 =	sadd.s32 $0xFFFFFEF7, lr;
	s5 =	simm.s32 $0xFFFFFFFF;
	p2 =	slt.u32 s8, $0xFFFFF086  }
0x1c: {  	p1 =	slt.u32 s9, $0xF7A;
	s5 =	simm.s32 @!p2 $0x0  }
0x1d: {  	s5 =	simm.s32 @p1 $0x1;
	p0 =	seq.s32 s7, s2  }
0x1e: {  	s7 =	smul.u32 @!p0 $0xF7A, s2;
	p2 =	seq.s32 @!p0 s5, $0x0  }
0x1f: {  	s9 =	smul.u32 $0xF7A, s1;
	s8 =	simm.s32 @!p0 $0x1BF5;
	p2 =	por !p2, p0  }
0x20: {  	[sflag:s8] =	ssyncset.s32 @!p0 $0xFFFFF086;
	s6 =	sadd.s32 @!p0 s3, s7;
	s7 =	simm.s32 @!p0 $0x108  }
0x21: {  	s3 =	sadd.s32 s3, s9;
	s6 =	sadd.s32 @!p0 $0x88, s6;
	s7 =	simm.s32 @p2 $0x1082  }
0x22: {  	[simem:s7], [sflag:s8] =	dma.local @!p0 [hbm:s6], $0xF7A  }
0x23: {  	s9 =	sor.u32 $0xD0000000, s2;
	s6 =	simm.s32 $0x108;
	_ =	swait.ge @!p0 [sflag:s8], $0x0  }
0x24: {  	s3 =	sadd.s32 $0x88, s3;
	s6 =	simm.s32 @!p1 $0x1082;
	[sflag:s4] =	ssyncset.s32 $0xFFFFF086  }
0x25: {  	[simem:s6], [sflag:s4] =	dma.local [hbm:s3], $0xF7A  }
0x26: {  	[smem:$0x3F9D] =	sst s1;
	(tag) =	ssettag s2;
	_ =	strace s9  }
0x27: {  	s1 =	sld [smem:$0x3FAD]  }
0x28: {  	s2 =	sld [smem:$0x3FAE]  }
0x29: {  	s4 =	sld [smem:$0x3FB0]  }
0x2a: {  	p0 =	seq.s32 s5, $0x0;
	s5 =	sld [smem:$0x3FB1]  }
0x2b: {  	s6 =	sld [smem:$0x3FB2]  }
0x2c: {  	s7 =	sld [smem:$0x3FB3]  }
0x2d: {  	s3 =	simm.s32 $0x108;
	s8 =	sld [smem:$0x3FB4]  }
0x2e: {  	s3 =	simm.s32 @!p0 $0x1082;
	s9 =	sld [smem:$0x3FB5]  }
0x2f: {  	lr =	sadd.s32 s0, s3;
	s0 =	sld [smem:$0x3FAC]  }
0x30: {  	s3 =	sld [smem:$0x3FAF]  }
0x31: {  	[smem:$0x3FB8] =	sst s10  }
0x32: {  	s10 =	sld [smem:$0x3FB6];
	_ =	sdelay $0x3  }
0x33: {  	p0 =	seq.s32 s10, $0x1;
	s10 =	sld [smem:$0x3FB8];
	_ =	sdelay $0x3  }
0x34: {  	[smem:$0x3FB8] =	sst s10  }
0x35: {  	s10 =	sld [smem:$0x3FB7];
	_ =	sdelay $0x3  }
0x36: {  	p1 =	seq.s32 s10, $0x1;
	s10 =	sld [smem:$0x3FB8];
	_ =	sdelay $0x3  }
0x37: {  	[smem:$0x3FB8] =	sst s10  }
0x38: {  	s10 =	sld [smem:$0x3FB9]  }
0x39: {  	_ = 	snop;
	(pc) =	sbr.ind lr, $3  }
0x3a: {  	_ = 	snop  }
0x3b: {  	_ = 	snop  }
0x3c: {  	p2 =	seq.s32 s10, $0x1;
	s10 =	sld [smem:$0x3FB8]  }
0x3d: {  	_ =	shalt  }
0x3e: {  	_ =	shalt  }
0x3f: {  	_ =	shalt  }
0x40: {  	_ =	shalt  }
0x41: {  	_ =	shalt  }
0x42: {  	_ =	shalt  }
0x43: {  	_ =	shalt  }
0x44: {  	_ =	shalt  }
0x45: {  	_ =	shalt  }
0x46: {  	_ =	shalt  }
0x47: {  	_ =	shalt  }
0x48: {  	_ =	shalt  }
0x49: {  	_ =	shalt  }
0x4a: {  	_ =	shalt  }
0x4b: {  	_ =	shalt  }
0x4c: {  	_ =	shalt  }
0x4d: {  	_ =	shalt  }
0x4e: {  	_ =	shalt  }
0x4f: {  	_ =	shalt  }
0x50: {  	_ =	shalt  }
0x51: {  	_ =	shalt  }
0x52: {  	_ =	shalt  }
0x53: {  	_ =	shalt  }
0x54: {  	_ =	shalt  }
0x55: {  	_ =	shalt  }
0x56: {  	_ =	shalt  }
0x57: {  	_ =	shalt  }
0x58: {  	_ =	shalt  }
0x59: {  	_ =	shalt  }
0x5a: {  	_ =	shalt  }
0x5b: {  	_ =	shalt  }
0x5c: {  	_ =	shalt  }
0x5d: {  	_ =	shalt  }
0x5e: {  	_ =	shalt  }
0x5f: {  	_ =	shalt  }
0x60: {  	_ =	shalt  }
0x61: {  	_ =	shalt  }
0x62: {  	_ =	shalt  }
0x63: {  	_ =	shalt  }
0x64: {  	_ =	shalt  }
0x65: {  	_ =	shalt  }
0x66: {  	_ =	shalt  }
0x67: {  	_ =	shalt  }
0x68: {  	_ =	shalt  }
0x69: {  	_ =	shalt  }
0x6a: {  	_ =	shalt  }
0x6b: {  	_ =	shalt  }
0x6c: {  	_ =	shalt  }
0x6d: {  	_ =	shalt  }
0x6e: {  	_ =	shalt  }
0x6f: {  	_ =	shalt  }
0x70: {  	_ =	shalt  }
0x71: {  	_ =	shalt  }
0x72: {  	_ =	shalt  }
0x73: {  	_ =	shalt  }
0x74: {  	_ =	shalt  }
0x75: {  	_ =	shalt  }
0x76: {  	_ =	shalt  }
0x77: {  	_ =	shalt  }
0x78: {  	_ =	shalt  }
0x79: {  	_ =	shalt  }
0x7a: {  	_ =	shalt  }
0x7b: {  	_ =	shalt  }
0x7c: {  	_ =	shalt  }
0x7d: {  	_ =	shalt  }
0x7e: {  	_ =	shalt  }
0x7f: {  	_ =	shalt  }
0x80: {  	_ =	shalt  }
0x81: {  	_ =	shalt  }
0x82: {  	_ =	shalt  }
0x83: {  	_ =	shalt  }
0x84: {  	_ =	shalt  }
0x85: {  	_ =	shalt  }
0x86: {  	_ =	shalt  }
0x87: {  	_ =	shalt  }
.Lfunc_end0:
.L_simem_size_0:
called_computation.2_lowered:
.L_overlay_start_0:
0x88: {  	s2 =	sld [smem:$0x3FD9]  }
0x89: {  	s3 =	sld [smem:$0x3FFE];
	_ =	sdelay $0x1  }
0x8a: {  	s1 =	srdreg.scid  }
0x8b: {  	s0 =	sand.u32 $0x1, s1  }
0x8c: {  	s15 =	sshll.u32 s0, $0xA;
	s2 =	sadd.s32 s3, s2  }
0x8d: {  	s2 =	sadd.s32 s2, s15  }
0x8e: {  	[smem:$0x3FC4] =	sst s2  }
0x8f: {  	_ = 	snop  }
0x90: {  	s16 =	sld [smem:$0x3FD0];
	_ =	sdelay $0x2  }
0x91: {  	s5 =	simm.s32 $0xB;
	s4 =	simm.s32 $0x10;
	s2 =	sld [smem:$0x3FC9]  }
0x92: {  	[smem:s4], [sflag:s5] =	dma.local [hbm:s16], $0x1  }
0x93: {  	_ =	swait.eq [sflag:s5], $0x1  }
0x94: {  	[sflag:s5] =	ssyncset.done $0x0  }
0x95: {  	s17 =	sld [smem:$0x10];
	[sflag:s5] =	ssyncadd.s32 $0xFFFFFFFF  }
0x96: {  	s18 =	sld [smem:$0x12];
	(tm) =	ssettm $0x1  }
0x97: {  	s19 =	sld [smem:$0x3FFB];
	_ =	sdelay $0x3  }
0x98: {  	_ =	strace s19  }
0x99: {  	s3 =	sld [smem:$0x3FFC];
	_ =	sdelay $0x3  }
0x9a: {  	_ =	strace s3  }
0x9b: {  	s3 =	sld [smem:$0x3FFD];
	_ =	sdelay $0x3  }
0x9c: {  	_ =	strace s3  }
0x9d: {  	_ =	strace $0x8FFFFFFF  }
0x9e: {  	s20 =	sld [smem:$0x3FDB];
	_ =	sdelay $0x1  }
0x9f: {  	s6 =	simm.s32 $_scs_section_size  }
0xa0: {  	s7 =	simm.s32 $_size__tile_overlayer_lowered;
	s8 =	simm.s32 $_tile_overlayer_lowered  }
0xa1: {  	s9 =	simm.s32 $0x1BFF;
	s21 =	sshll.u32 s8, $0x1;
	s6 =	sadd.s32 s6, s20  }
0xa2: {  	s22 =	simm.s32 $0x0;
	s7 =	sshll.u32 s7, $0x1;
	s8 =	sadd.s32 s21, s6  }
0xa3: {  	[timem:s22], [sflag:s9] =	dma.local [hbm:s8], s7  }
0xa4: {  	_ =	swait.ge [sflag:s9], s7  }
0xa5: {  	s7 =	ssub.s32 $0x0, s7;
	[sflag:s9] =	ssyncset.done $0x0  }
0xa6: {  	[sflag:s9] =	ssyncadd.s32 s7;
	_ =	sdelay $0x1  }
0xa7: {  	s23 =	simm.s32 $0x1B8B  }
0xa8: {  	_ =	swait.ge [sflag:s23], $0x1  }
0xa9: {  	[sflag:s23] =	ssyncset.done $0x0  }
0xaa: {  	[sflag:s23] =	ssyncadd.s32 $0xFFFFFFFF  }
0xab: {  	s7 =	sld [smem:$0x0]  }
0xac: {  	s8 =	sand.u32 $0xFFFFFFFE, s1  }
0xad: {  	p0 =	sne.s32 s1, s8  }
0xae: {  	s8 =	sshll.u32 @p0 s8, $0xE  }
0xaf: {  	s8 =	sadd.s32 @p0 $0x11B8D, s8;
	s9 =	sshll.u32 @p0 s7, $0x11  }
0xb0: {  	s8 =	sor.u32 @p0 s9, s8  }
0xb1: {  	[sflag:s8] =	ssyncadd.remote.s32 @p0 $0x1;
	_ =	sdelay $0x1  }
0xb2: {  	s8 =	simm.s32 @p0 $0x1B8D  }
0xb3: {  	_ =	swait.eq @p0 [sflag:s8], $0x1  }
0xb4: {  	[sflag:s8] =	ssyncadd.s32 @p0 $0xFFFFFFFF  }
0xb5: {  	s9 =	sshll.u32 @!p0 s1, $0xE  }
0xb6: {  	s9 =	sor.u32 @!p0 $0x4000, s9;
	s8 =	simm.s32 @!p0 $0x1B8D  }
0xb7: {  	s7 =	sshll.u32 @!p0 s7, $0x11;
	s9 =	sadd.s32 @!p0 $0x11B8D, s9;
	_ =	swait.eq @!p0 [sflag:s8], $0x1  }
0xb8: {  	s7 =	sor.u32 @!p0 s7, s9;
	[sflag:s8] =	ssyncadd.s32 @!p0 $0xFFFFFFFF  }
0xb9: {  	s25 =	simm.s32 $0x1B8E;
	s24 =	sld [smem:$0x3FFE];
	[sflag:s7] =	ssyncadd.remote.s32 @!p0 $0x1  }
0xba: {  	s26 =	simm.s32 $execute0_lowered;
	[smem:$0x3FD2] =	sst s25  }
0xbb: {  	s8 =	sshll.u32 s26, $0x1;
	_ =	strace $0x8000004C;
	[dreg:$0x1] =	wrdreg $0xFFFFFFFF  }
0xbc: {  	s28 =	simm.s32 $_size_execute0_lowered;
	s6 =	sadd.s32 s6, s8;
	[dreg:$0x0] =	wrdreg $0x0  }
0xbd: {  	s8 =	sshll.u32 s28, $0x1;
	[dreg:$0x2] =	wrdreg s6  }
0xbe: {  	[dreg:$0x3] =	wrdreg s8  }
0xbf: {  	[dreg:$0x4] =	wrdreg $0xC0  }
0xc0: {  	_ =	task [dreg:s22], $0x5FFFF  }
0xc1: {  	[dreg:$0x1] =	wrdreg $0xFFFFFFFF  }
0xc2: {  	[dreg:$0x0] =	wrdreg $0x60  }
0xc3: {  	[dreg:$0x2] =	wrdreg s2  }
0xc4: {  	[dreg:$0x3] =	wrdreg s24  }
0xc5: {  	[dreg:$0x4] =	wrdreg s17  }
0xc6: {  	[dreg:$0x5] =	wrdreg s18  }
0xc7: {  	[dreg:$0x6] =	wrdreg $0xA  }
0xc8: {  	_ =	task.clear_ibuf [dreg:s22], $0x7FFFF;
	_ =	strace $0x9000004C  }
0xc9: {  	s29 =	simm.s32 $0xA;
	_ =	strace $0x8000004E  }
0xca: {  	_ =	swait.ge [sflag:s29], $0x1  }
0xcb: {  	[sflag:s29] =	ssyncadd.s32 $0xFFFFFFFF  }
0xcc: {  	_ =	strace $0x9000004E  }
0xcd: {  	_ =	sfence  }
0xce: {  	s30 =	sld [smem:$0x0];
	_ =	sdelay $0x2  }
0xcf: {  	s31 =	sshll.u32 s1, $0xD;
	s1 =	sshrl.u32 s1, $0x2  }
0xd0: {  	s4 =	sand.u32 $0x4000, s31;
	s1 =	sadd.s32 s1, s30  }
0xd1: {  	s0 =	sor.u32 s4, s0;
	s1 =	sshll.u32 s1, $0x11  }
0xd2: {  	s0 =	sor.u32 s1, s0  }
0xd3: {  	s0 =	sadd.s32 $0x8F2B, s0  }
0xd4: {  	[sflag:s0] =	ssyncadd.remote.s32 $0x1  }
0xd5: {  	_ =	sfence.sel $0xFFFF  }
0xd6: {  	[dreg:$0x0] =	wrdreg $0xFFFFFFFF;
	(pc) =	sbr.abs _section_cstart, $3  }
0xd7: {  	[dreg:$0x1] =	wrdreg $0xFFFFFFFF  }
0xd8: {  	_ =	task.clear_ibuf [dreg:s22], $0x2FFFF;
	_ =	strace $0x9FFFFFFF  }
0xd9: {  	(tm) =	ssettm $0x7FFFFFFF  }
tec
execute0_lowered:
.L_overlay_start_1:
0x0: {  	(tag) =	ssettag $0x1  }
0x1: {  	s0 =	rddreg [dreg:$0x0]  }
0x2: {  	s1 =	rddreg [dreg:$0x1]  }
0x3: {  	s11 =	rddreg [dreg:$0x2]  }
0x4: {  	s12 =	rddreg [dreg:$0x3];
	s2 =	simm.s32 $0x0;
	s3 =	srdreg.scid  }
0x5: {  	s5 =	stileid.u32;
	s15 =	simm.s32 $0x80;
	s16 =	simm.s32 $0x200  }
0x6: {  	s17 =	simm.s32 $0x4200;
	s18 =	simm.s32 $0x1;
	s19 =	simm.s32 $0x8200  }
0x7: {  	s20 =	simm.s32 $0xA200;
	s21 =	simm.s32 $0x400;
	s22 =	simm.s32 $0x20000  }
0x8: {  	[smem:$0x7FF] =	sst s2;
	s3 =	sand.u32 $0x1, s3;
	s5 =	sshll.u32 s5, $0xA  }
0x9: {  	_ =	strace $0x8000004D;
	s4 =	ssub.s32 $0x2, s3;
	s6 =	sshll.u32 s3, $0x9  }
0xa: {  	s3 =	sadd.s32 $0x69BC00, s1;
	s23 =	sshrl.u32 s4, $0x1;
	s5 =	sor.u32 s6, s5  }
0xb: {  	s1 =	ssub.s32 s4, s23;
	s24 =	sshrl.u32 s5, $0x3;
	s9 =	sshrl.u32 s5, $0x7  }
0xc: {  	s25 =	sshrl.u32 s5, $0x1;
	s5 =	sadd.s32 s11, s5;
	s4 =	sadd.s32 s0, s24  }
0xd: {  	s8 =	sor.u32 $0x1, s9;
	s6 =	sadd.s32 s12, s25;
	s10 =	sor.u32 $0x2, s9  }
0xe: {  	s13 =	sor.u32 $0x3, s9;
	s24 =	simm.s32 $0x2;
	s25 =	simm.s32 $0x180  }
0xf: {  	s26 =	sshll.u32 s8, $0x7;
	s28 =	sshll.u32 s8, $0x6;
	s29 =	sshll.u32 s10, $0x7  }
0x10: {  	s30 =	sshll.u32 s10, $0x6;
	s14 =	sshll.u32 s13, $0x7;
	s31 =	sshll.u32 s13, $0x6  }
0x11: {  	s13 =	smax.u32 s1, $0x1;
	s7 =	sadd.s32 s11, s26;
	s8 =	sadd.s32 s12, s28  }
0x12: {  	s9 =	sadd.s32 s11, s29;
	s10 =	sadd.s32 s12, s30;
	s11 =	sadd.s32 s11, s14  }
0x13: {  	v0 =	vlaneseq.u32;
	s12 =	sadd.s32 s12, s31;
	s14 =	simm.s32 $0x3;
	s26 =	simm.s32 $0x0  }
.LBB2_1:
0x14: {  	[tilespmem:s2], [sflag:$0x3] =	stream.linear.gather [hbm4b:s4+s2], $0x200, $0x38;
	[tilespmem:$0xA400] =	vst v63  }
0x15: {  	s0 =	simm.s32 $0x0;
	_ =	swait.ge [sflag:s14], $0x200  }
0x16: {  	s0 =	sand.u32 $0x70, s0;
	[sflag:s14] =	ssyncset.done $0x0  }
0x17: {  	s31 =	sand.u32 $0x3F, s2;
	v3 =	vor.u32 s0, v0;
	[sflag:s14] =	ssyncadd.s32 $0xFFFFFE00  }
0x18: {  	v1 =	vshll.u32 v3, $0x7;
	[tilespmem:s16], [sflag:$0x1] =	stream.indirect.gather [hbm4b:s3+s15], $0x80, s2, s15, $0xb8;
	[tilespmem:$0xA400] =	vst v63  }
0x19: {  	v2 =	vor.u32 s31, v1  }
0x1a: {  	[tilespmem:s17], [sflag:$0x2] =	stream.indirect.gather [hbm4b:s3+s15], $0x80, s15, s15, $0xb8;
	[tilespmem:$0xA400] =	vst v63  }
0x1b: {  	s1 =	simm.s32 $0x0;
	_ =	swait.ge [sflag:s18], $0x4000  }
0x1c: {  	s1 =	sand.u32 $0x70, s1;
	v4 =	vmov s31;
	[sflag:s18] =	ssyncset.done $0x0  }
0x1d: {  	s23 =	simm.s32 $0x1;
	v4 =	vshll.u32 v4, $0x7;
	v1 =	vor.u32 s1, v0;
	[sflag:s18] =	ssyncadd.s32 $0xFFFFC000  }
0x1e: {  	s0 =	sand.u32 $0x3F, s23;
	v4 =	vor.u32 v4, v3;
	v5 =	vshll.u32 v1, $0x7;
	v2 =	vld.idx.msk [tilespmem:v2+s16+$0x0], $0xffff  }
0x1f: {  	v3 =	vor.u32 s0, v5;
	_ =	sdelay $0x2  }
0x20: {  	s28 =	simm.s32 $0x2;
	s23 =	simm.s32 $0x0;
	s1 =	simm.s32 $0x3  }
.LBB2_2:
0x21: {  	p0 =	sne.s32 s1, $0x1FF;
	s23 =	sand.u32 $0x70, s23;
	v5 =	vmov s0;
	[tilespmem:v4+s19+$0x0] =	vst.idx.msk $0xffff, v2  }
0x22: {  	v6 =	vor.u32 s23, v0;
	v2 =	vld.idx.msk [tilespmem:v3+s16+$0x0], $0xffff;
	v3 =	vshll.u32 v5, $0x7  }
.Ltmp0:
0x23: {  	s0 =	sand.u32 $0x3F, s28;
	s28 =	smov.u32 s1;
	v5 =	vshll.u32 v6, $0x7;
	v4 =	vor.u32 v3, v1;
	v1 =	vmov v6;
	(pc) =	sbr.rel @p0 .LBB2_2-.Ltmp0, $2  }
0x24: {  	v3 =	vor.u32 s0, v5;
	_ =	sdelay $0x2  }
0x25: {  	s1 =	sadd.s32 $0x1, s1;
	s23 =	sshrl.u32 s28, $0x2  }
0x26: {  	_ =	sdelay $0x2  }
0x27: {  	s1 =	sand.u32 $0x70, s23;
	v5 =	vmov s0  }
0x28: {  	[tilespmem:v4+s19+$0x0] =	vst.idx.msk $0xffff, v2;
	v2 =	vor.u32 s1, v0;
	v59 =	vshll.u32 v5, $0x7  }
0x29: {  	v3 =	vld.idx.msk [tilespmem:v3+s16+$0x0], $0xffff;
	s1 =	sand.u32 $0x3F, s28;
	v60 =	vshll.u32 v2, $0x7;
	v1 =	vor.u32 v59, v1  }
0x2a: {  	v61 =	vor.u32 s1, v60;
	_ =	sdelay $0x2  }
0x2b: {  	v62 =	vmov s1  }
0x2c: {  	[tilespmem:v1+s19+$0x0] =	vst.idx.msk $0xffff, v3;
	v1 =	vshll.u32 v62, $0x7  }
0x2d: {  	v3 =	vld.idx.msk [tilespmem:v61+s16+$0x0], $0xffff;
	v2 =	vor.u32 v1, v2  }
0x2e: {  	s23 =	simm.s32 $0x0  }
0x2f: {  	s31 =	sand.u32 $0x70, s23  }
0x30: {  	s28 =	sand.u32 $0x3, s23;
	v1 =	vor.u32 s31, v0  }
0x31: {  	s0 =	sor.u32 $0x40, s28;
	v63 =	vshll.u32 v1, $0x7  }
0x32: {  	[tilespmem:v2+s19+$0x0] =	vst.idx.msk $0xffff, v3;
	v2 =	vor.u32 s0, v63;
	_ =	sdelay $0x2  }
0x33: {  	s29 =	simm.s32 $0x4  }
0x34: {  	s30 =	sand.u32 $0x70, s29;
	s1 =	simm.s32 $0x1;
	s0 =	simm.s32 $0x2  }
.LBB2_4:
0x35: {  	p0 =	sne.s32 s0, $0x1F;
	v3 =	vor.u32 s30, v0;
	v4 =	vld.idx.msk [tilespmem:v2+s16+$0x0], $0xffff;
	s23 =	sshll.u32 s28, $0x7;
	s28 =	sand.u32 $0x3, s1  }
0x36: {  	s1 =	smov.u32 s0;
	s30 =	sor.u32 $0x40, s28;
	v2 =	vshll.u32 v3, $0x7;
	v5 =	vor.u32 s23, v1;
	v1 =	vmov v3  }
.Ltmp1:
0x37: {  	v2 =	vor.u32 s30, v2;
	(pc) =	sbr.rel @p0 .LBB2_4-.Ltmp1, $3  }
0x38: {  	_ =	sdelay $0x1  }
0x39: {  	s29 =	sadd.s32 $0x4, s29  }
0x3a: {  	s0 =	sadd.s32 $0x1, s0;
	s30 =	sand.u32 $0x70, s29;
	[tilespmem:v5+s20+$0x0] =	vst.idx.msk $0xffff, v4  }
0x3b: {  	_ =	sdelay $0x2  }
0x3c: {  	s0 =	sand.u32 $0x3, s1;
	v3 =	vor.u32 s30, v0;
	s1 =	sshll.u32 s28, $0x7  }
0x3d: {  	v2 =	vld.idx.msk [tilespmem:v2+s16+$0x0], $0xffff;
	s23 =	sor.u32 $0x40, s0;
	v4 =	vshll.u32 v3, $0x7;
	v1 =	vor.u32 s1, v1  }
0x3e: {  	v4 =	vor.u32 s23, v4;
	_ =	sdelay $0x3  }
0x3f: {  	s0 =	sshll.u32 s0, $0x7;
	[tilespmem:v1+s20+$0x0] =	vst.idx.msk $0xffff, v2  }
0x40: {  	v2 =	vor.u32 s0, v3;
	v1 =	vld.idx.msk [tilespmem:v4+s16+$0x0], $0xffff;
	_ =	sdelay $0x4  }
0x41: {  	[tilespmem:v2+s20+$0x0] =	vst.idx.msk $0xffff, v1  }
0x42: {  	[hbm4b:s5+s21] =	stream.strided.scatter [tilespmem:s19], [sflag:$0x3], $0x2000, s22, s21, $0x38;
	[tilespmem:$0xA400] =	vst v63  }
0x43: {  	_ =	swait.ge [sflag:s14], $0x2000  }
0x44: {  	s1 =	simm.s32 $0x0;
	[sflag:s14] =	ssyncset.done $0x0  }
0x45: {  	s30 =	simm.s32 $0x0;
	s0 =	sand.u32 $0x70, s1;
	[sflag:s14] =	ssyncadd.s32 $0xFFFFE000  }
0x46: {  	[hbm4b:s6+s30] =	stream.linear.scatter [tilespmem:s20], [sflag:$0x3], $0x200, $0x38;
	[tilespmem:$0xA400] =	vst v63  }
0x47: {  	v3 =	vor.u32 s0, v0;
	_ =	swait.ge [sflag:s14], $0x200  }
0x48: {  	s0 =	sand.u32 $0x3F, s30;
	v1 =	vshll.u32 v3, $0x7;
	[sflag:s14] =	ssyncset.done $0x0  }
0x49: {  	s23 =	simm.s32 $0x100;
	v2 =	vor.u32 s0, v1;
	[sflag:s14] =	ssyncadd.s32 $0xFFFFFE00  }
0x4a: {  	[tilespmem:s16], [sflag:$0x1] =	stream.indirect.gather [hbm4b:s3+s15], $0x80, s23, s15, $0xb8;
	[tilespmem:$0xA400] =	vst v63  }
0x4b: {  	s23 =	simm.s32 $0x0;
	_ =	swait.ge [sflag:s24], $0x4000  }
0x4c: {  	v4 =	vmov s0;
	s1 =	sand.u32 $0x70, s23;
	[sflag:s24] =	ssyncset.done $0x0  }
0x4d: {  	s29 =	simm.s32 $0x1;
	v4 =	vshll.u32 v4, $0x7;
	v1 =	vor.u32 s1, v0;
	[sflag:s24] =	ssyncadd.s32 $0xFFFFC000  }
0x4e: {  	v4 =	vor.u32 v4, v3;
	s0 =	sand.u32 $0x3F, s29;
	v5 =	vshll.u32 v1, $0x7;
	v2 =	vld.idx.msk [tilespmem:v2+s17+$0x0], $0xffff  }
0x4f: {  	v3 =	vor.u32 s0, v5;
	_ =	sdelay $0x1  }
0x50: {  	s28 =	simm.s32 $0x2  }
0x51: {  	s31 =	simm.s32 $0x2;
	s23 =	simm.s32 $0x0;
	s1 =	simm.s32 $0x3  }
.LBB2_6:
0x52: {  	p0 =	sne.s32 s1, $0x1FF;
	s23 =	sand.u32 $0x70, s23;
	v5 =	vmov s0;
	[tilespmem:v4+s19+$0x0] =	vst.idx.msk $0xffff, v2  }
0x53: {  	v6 =	vor.u32 s23, v0;
	v2 =	vld.idx.msk [tilespmem:v3+s17+$0x0], $0xffff;
	v3 =	vshll.u32 v5, $0x7  }
.Ltmp2:
0x54: {  	s0 =	sand.u32 $0x3F, s31;
	s31 =	smov.u32 s1;
	v5 =	vshll.u32 v6, $0x7;
	v4 =	vor.u32 v3, v1;
	v1 =	vmov v6;
	(pc) =	sbr.rel @p0 .LBB2_6-.Ltmp2, $2  }
0x55: {  	v3 =	vor.u32 s0, v5;
	_ =	sdelay $0x2  }
0x56: {  	s1 =	sadd.s32 $0x1, s1;
	s23 =	sshrl.u32 s31, $0x2  }
0x57: {  	_ =	sdelay $0x2  }
0x58: {  	s1 =	sand.u32 $0x70, s23;
	v5 =	vmov s0  }
0x59: {  	[tilespmem:v4+s19+$0x0] =	vst.idx.msk $0xffff, v2;
	v2 =	vor.u32 s1, v0;
	v59 =	vshll.u32 v5, $0x7  }
0x5a: {  	s23 =	sand.u32 $0x3F, s31;
	v3 =	vld.idx.msk [tilespmem:v3+s17+$0x0], $0xffff;
	v60 =	vshll.u32 v2, $0x7;
	v1 =	vor.u32 v59, v1  }
0x5b: {  	v61 =	vor.u32 s23, v60;
	_ =	sdelay $0x2  }
0x5c: {  	v62 =	vmov s23  }
0x5d: {  	[tilespmem:v1+s19+$0x0] =	vst.idx.msk $0xffff, v3;
	v1 =	vshll.u32 v62, $0x7  }
0x5e: {  	v3 =	vld.idx.msk [tilespmem:v61+s17+$0x0], $0xffff;
	v2 =	vor.u32 v1, v2;
	_ =	sdelay $0x1  }
0x5f: {  	s1 =	sand.u32 $0x70, s30  }
0x60: {  	s30 =	sand.u32 $0x3, s30;
	v1 =	vor.u32 s1, v0  }
0x61: {  	s23 =	sor.u32 $0x40, s30;
	v63 =	vshll.u32 v1, $0x7  }
0x62: {  	[tilespmem:v2+s19+$0x0] =	vst.idx.msk $0xffff, v3;
	v2 =	vor.u32 s23, v63;
	_ =	sdelay $0x2  }
0x63: {  	s31 =	simm.s32 $0x4  }
0x64: {  	s0 =	sand.u32 $0x70, s31  }
.LBB2_8:
0x65: {  	p0 =	sne.s32 s28, $0x1F;
	v3 =	vor.u32 s0, v0;
	v4 =	vld.idx.msk [tilespmem:v2+s17+$0x0], $0xffff;
	s0 =	sshll.u32 s30, $0x7;
	s30 =	sand.u32 $0x3, s29  }
0x66: {  	s29 =	smov.u32 s28;
	s1 =	sor.u32 $0x40, s30;
	v2 =	vshll.u32 v3, $0x7;
	v5 =	vor.u32 s0, v1;
	v1 =	vmov v3  }
.Ltmp3:
0x67: {  	v2 =	vor.u32 s1, v2;
	(pc) =	sbr.rel @p0 .LBB2_8-.Ltmp3, $3  }
0x68: {  	_ =	sdelay $0x1  }
0x69: {  	s31 =	sadd.s32 $0x4, s31  }
0x6a: {  	s28 =	sadd.s32 $0x1, s28;
	s0 =	sand.u32 $0x70, s31;
	[tilespmem:v5+s20+$0x0] =	vst.idx.msk $0xffff, v4  }
0x6b: {  	_ =	sdelay $0x2  }
0x6c: {  	s1 =	sand.u32 $0x3, s29;
	v3 =	vor.u32 s0, v0;
	s0 =	sshll.u32 s30, $0x7  }
0x6d: {  	v2 =	vld.idx.msk [tilespmem:v2+s17+$0x0], $0xffff;
	s23 =	sor.u32 $0x40, s1;
	v4 =	vshll.u32 v3, $0x7;
	v1 =	vor.u32 s0, v1  }
0x6e: {  	v4 =	vor.u32 s23, v4;
	_ =	sdelay $0x3  }
0x6f: {  	s23 =	sshll.u32 s1, $0x7;
	[tilespmem:v1+s20+$0x0] =	vst.idx.msk $0xffff, v2  }
0x70: {  	v2 =	vor.u32 s23, v3;
	v1 =	vld.idx.msk [tilespmem:v4+s17+$0x0], $0xffff;
	_ =	sdelay $0x4  }
0x71: {  	[tilespmem:v2+s20+$0x0] =	vst.idx.msk $0xffff, v1  }
0x72: {  	[hbm4b:s7+s21] =	stream.strided.scatter [tilespmem:s19], [sflag:$0x3], $0x2000, s22, s21, $0x38;
	[tilespmem:$0xA400] =	vst v63  }
0x73: {  	_ =	swait.ge [sflag:s14], $0x2000  }
0x74: {  	s1 =	simm.s32 $0x0;
	[sflag:s14] =	ssyncset.done $0x0  }
0x75: {  	s30 =	simm.s32 $0x0;
	s0 =	sand.u32 $0x70, s1;
	[sflag:s14] =	ssyncadd.s32 $0xFFFFE000  }
0x76: {  	[hbm4b:s8+s30] =	stream.linear.scatter [tilespmem:s20], [sflag:$0x3], $0x200, $0x38;
	[tilespmem:$0xA400] =	vst v63  }
0x77: {  	v3 =	vor.u32 s0, v0;
	_ =	swait.ge [sflag:s14], $0x200  }
0x78: {  	s0 =	sand.u32 $0x3F, s30;
	v1 =	vshll.u32 v3, $0x7;
	[sflag:s14] =	ssyncset.done $0x0  }
0x79: {  	v2 =	vor.u32 s0, v1;
	[sflag:s14] =	ssyncadd.s32 $0xFFFFFE00  }
0x7a: {  	[tilespmem:s17], [sflag:$0x2] =	stream.indirect.gather [hbm4b:s3+s15], $0x80, s25, s15, $0xb8;
	[tilespmem:$0xA400] =	vst v63  }
0x7b: {  	s23 =	simm.s32 $0x0;
	_ =	swait.ge [sflag:s18], $0x4000  }
0x7c: {  	s1 =	sand.u32 $0x70, s23;
	v4 =	vmov s0;
	[sflag:s18] =	ssyncset.done $0x0  }
0x7d: {  	s29 =	simm.s32 $0x1;
	v4 =	vshll.u32 v4, $0x7;
	v1 =	vor.u32 s1, v0;
	[sflag:s18] =	ssyncadd.s32 $0xFFFFC000  }
0x7e: {  	v4 =	vor.u32 v4, v3;
	s0 =	sand.u32 $0x3F, s29;
	v5 =	vshll.u32 v1, $0x7;
	v2 =	vld.idx.msk [tilespmem:v2+s16+$0x0], $0xffff  }
0x7f: {  	v3 =	vor.u32 s0, v5;
	_ =	sdelay $0x1  }
0x80: {  	s28 =	simm.s32 $0x2  }
0x81: {  	s31 =	simm.s32 $0x2;
	s23 =	simm.s32 $0x0;
	s1 =	simm.s32 $0x3  }
.LBB2_10:
0x82: {  	p0 =	sne.s32 s1, $0x1FF;
	s23 =	sand.u32 $0x70, s23;
	v5 =	vmov s0;
	[tilespmem:v4+s19+$0x0] =	vst.idx.msk $0xffff, v2  }
0x83: {  	v6 =	vor.u32 s23, v0;
	v2 =	vld.idx.msk [tilespmem:v3+s16+$0x0], $0xffff;
	v3 =	vshll.u32 v5, $0x7  }
.Ltmp4:
0x84: {  	s0 =	sand.u32 $0x3F, s31;
	s31 =	smov.u32 s1;
	v5 =	vshll.u32 v6, $0x7;
	v4 =	vor.u32 v3, v1;
	v1 =	vmov v6;
	(pc) =	sbr.rel @p0 .LBB2_10-.Ltmp4, $2  }
0x85: {  	v3 =	vor.u32 s0, v5;
	_ =	sdelay $0x2  }
0x86: {  	s1 =	sadd.s32 $0x1, s1;
	s23 =	sshrl.u32 s31, $0x2  }
0x87: {  	_ =	sdelay $0x2  }
0x88: {  	s1 =	sand.u32 $0x70, s23;
	v5 =	vmov s0  }
0x89: {  	[tilespmem:v4+s19+$0x0] =	vst.idx.msk $0xffff, v2;
	v2 =	vor.u32 s1, v0;
	v59 =	vshll.u32 v5, $0x7  }
0x8a: {  	s23 =	sand.u32 $0x3F, s31;
	v3 =	vld.idx.msk [tilespmem:v3+s16+$0x0], $0xffff;
	v60 =	vshll.u32 v2, $0x7;
	v1 =	vor.u32 v59, v1  }
0x8b: {  	v61 =	vor.u32 s23, v60;
	_ =	sdelay $0x2  }
0x8c: {  	v62 =	vmov s23  }
0x8d: {  	[tilespmem:v1+s19+$0x0] =	vst.idx.msk $0xffff, v3;
	v1 =	vshll.u32 v62, $0x7  }
0x8e: {  	v3 =	vld.idx.msk [tilespmem:v61+s16+$0x0], $0xffff;
	v2 =	vor.u32 v1, v2;
	_ =	sdelay $0x1  }
0x8f: {  	s1 =	sand.u32 $0x70, s30  }
0x90: {  	s30 =	sand.u32 $0x3, s30;
	v1 =	vor.u32 s1, v0  }
0x91: {  	s23 =	sor.u32 $0x40, s30;
	v63 =	vshll.u32 v1, $0x7  }
0x92: {  	[tilespmem:v2+s19+$0x0] =	vst.idx.msk $0xffff, v3;
	v2 =	vor.u32 s23, v63;
	_ =	sdelay $0x2  }
0x93: {  	s31 =	simm.s32 $0x4  }
0x94: {  	s0 =	sand.u32 $0x70, s31  }
.LBB2_12:
0x95: {  	p0 =	sne.s32 s28, $0x1F;
	v3 =	vor.u32 s0, v0;
	v4 =	vld.idx.msk [tilespmem:v2+s16+$0x0], $0xffff;
	s0 =	sshll.u32 s30, $0x7;
	s30 =	sand.u32 $0x3, s29  }
0x96: {  	s29 =	smov.u32 s28;
	s1 =	sor.u32 $0x40, s30;
	v2 =	vshll.u32 v3, $0x7;
	v5 =	vor.u32 s0, v1;
	v1 =	vmov v3  }
.Ltmp5:
0x97: {  	v2 =	vor.u32 s1, v2;
	(pc) =	sbr.rel @p0 .LBB2_12-.Ltmp5, $3  }
0x98: {  	_ =	sdelay $0x1  }
0x99: {  	s31 =	sadd.s32 $0x4, s31  }
0x9a: {  	s28 =	sadd.s32 $0x1, s28;
	s0 =	sand.u32 $0x70, s31;
	[tilespmem:v5+s20+$0x0] =	vst.idx.msk $0xffff, v4  }
0x9b: {  	_ =	sdelay $0x2  }
0x9c: {  	s1 =	sand.u32 $0x3, s29;
	v3 =	vor.u32 s0, v0;
	s0 =	sshll.u32 s30, $0x7  }
0x9d: {  	v2 =	vld.idx.msk [tilespmem:v2+s16+$0x0], $0xffff;
	s23 =	sor.u32 $0x40, s1;
	v4 =	vshll.u32 v3, $0x7;
	v1 =	vor.u32 s0, v1  }
0x9e: {  	v4 =	vor.u32 s23, v4;
	_ =	sdelay $0x3  }
0x9f: {  	s23 =	sshll.u32 s1, $0x7;
	[tilespmem:v1+s20+$0x0] =	vst.idx.msk $0xffff, v2  }
0xa0: {  	v2 =	vor.u32 s23, v3;
	v1 =	vld.idx.msk [tilespmem:v4+s16+$0x0], $0xffff;
	_ =	sdelay $0x4  }
0xa1: {  	[tilespmem:v2+s20+$0x0] =	vst.idx.msk $0xffff, v1  }
0xa2: {  	[hbm4b:s9+s21] =	stream.strided.scatter [tilespmem:s19], [sflag:$0x3], $0x2000, s22, s21, $0x38;
	[tilespmem:$0xA400] =	vst v63  }
0xa3: {  	_ =	swait.ge [sflag:s14], $0x2000  }
0xa4: {  	s1 =	simm.s32 $0x0;
	[sflag:s14] =	ssyncset.done $0x0  }
0xa5: {  	s30 =	simm.s32 $0x0;
	s0 =	sand.u32 $0x70, s1;
	[sflag:s14] =	ssyncadd.s32 $0xFFFFE000  }
0xa6: {  	v3 =	vor.u32 s0, v0;
	[hbm4b:s10+s30] =	stream.linear.scatter [tilespmem:s20], [sflag:$0x3], $0x200, $0x38;
	[tilespmem:$0xA400] =	vst v63  }
0xa7: {  	s0 =	sand.u32 $0x3F, s30;
	v1 =	vshll.u32 v3, $0x7;
	_ =	swait.ge [sflag:s14], $0x200  }
0xa8: {  	v2 =	vor.u32 s0, v1;
	[sflag:s14] =	ssyncset.done $0x0  }
0xa9: {  	[sflag:s14] =	ssyncadd.s32 $0xFFFFFE00  }
0xaa: {  	s23 =	simm.s32 $0x0;
	_ =	swait.ge [sflag:s24], $0x4000  }
0xab: {  	s1 =	sand.u32 $0x70, s23;
	v4 =	vmov s0;
	[sflag:s24] =	ssyncset.done $0x0  }
0xac: {  	s29 =	simm.s32 $0x1;
	v4 =	vshll.u32 v4, $0x7;
	v1 =	vor.u32 s1, v0;
	[sflag:s24] =	ssyncadd.s32 $0xFFFFC000  }
0xad: {  	v4 =	vor.u32 v4, v3;
	s0 =	sand.u32 $0x3F, s29;
	v5 =	vshll.u32 v1, $0x7;
	v2 =	vld.idx.msk [tilespmem:v2+s17+$0x0], $0xffff  }
0xae: {  	v3 =	vor.u32 s0, v5;
	_ =	sdelay $0x1  }
0xaf: {  	s28 =	simm.s32 $0x2  }
0xb0: {  	s31 =	simm.s32 $0x2;
	s23 =	simm.s32 $0x0;
	s1 =	simm.s32 $0x3  }
.LBB2_14:
0xb1: {  	p0 =	sne.s32 s1, $0x1FF;
	s23 =	sand.u32 $0x70, s23;
	v5 =	vmov s0;
	[tilespmem:v4+s19+$0x0] =	vst.idx.msk $0xffff, v2  }
0xb2: {  	v6 =	vor.u32 s23, v0;
	v2 =	vld.idx.msk [tilespmem:v3+s17+$0x0], $0xffff;
	v3 =	vshll.u32 v5, $0x7  }
.Ltmp6:
0xb3: {  	s0 =	sand.u32 $0x3F, s31;
	s31 =	smov.u32 s1;
	v5 =	vshll.u32 v6, $0x7;
	v4 =	vor.u32 v3, v1;
	v1 =	vmov v6;
	(pc) =	sbr.rel @p0 .LBB2_14-.Ltmp6, $2  }
0xb4: {  	v3 =	vor.u32 s0, v5;
	_ =	sdelay $0x2  }
0xb5: {  	s1 =	sadd.s32 $0x1, s1;
	s23 =	sshrl.u32 s31, $0x2  }
0xb6: {  	_ =	sdelay $0x2  }
0xb7: {  	s1 =	sand.u32 $0x70, s23;
	v5 =	vmov s0  }
0xb8: {  	[tilespmem:v4+s19+$0x0] =	vst.idx.msk $0xffff, v2;
	v2 =	vor.u32 s1, v0;
	v59 =	vshll.u32 v5, $0x7  }
0xb9: {  	s23 =	sand.u32 $0x3F, s31;
	v3 =	vld.idx.msk [tilespmem:v3+s17+$0x0], $0xffff;
	v60 =	vshll.u32 v2, $0x7;
	v1 =	vor.u32 v59, v1  }
0xba: {  	v61 =	vor.u32 s23, v60;
	_ =	sdelay $0x2  }
0xbb: {  	v62 =	vmov s23  }
0xbc: {  	[tilespmem:v1+s19+$0x0] =	vst.idx.msk $0xffff, v3;
	v1 =	vshll.u32 v62, $0x7  }
0xbd: {  	v3 =	vld.idx.msk [tilespmem:v61+s17+$0x0], $0xffff;
	v2 =	vor.u32 v1, v2;
	_ =	sdelay $0x1  }
0xbe: {  	s1 =	sand.u32 $0x70, s30  }
0xbf: {  	s30 =	sand.u32 $0x3, s30;
	v1 =	vor.u32 s1, v0  }
0xc0: {  	s23 =	sor.u32 $0x40, s30;
	v63 =	vshll.u32 v1, $0x7  }
0xc1: {  	[tilespmem:v2+s19+$0x0] =	vst.idx.msk $0xffff, v3;
	v2 =	vor.u32 s23, v63;
	_ =	sdelay $0x2  }
0xc2: {  	s31 =	simm.s32 $0x4  }
0xc3: {  	s0 =	sand.u32 $0x70, s31  }
.LBB2_16:
0xc4: {  	p0 =	sne.s32 s28, $0x1F;
	v3 =	vor.u32 s0, v0;
	v4 =	vld.idx.msk [tilespmem:v2+s17+$0x0], $0xffff;
	s0 =	sshll.u32 s30, $0x7;
	s30 =	sand.u32 $0x3, s29  }
0xc5: {  	s29 =	smov.u32 s28;
	s1 =	sor.u32 $0x40, s30;
	v2 =	vshll.u32 v3, $0x7;
	v5 =	vor.u32 s0, v1;
	v1 =	vmov v3  }
.Ltmp7:
0xc6: {  	v2 =	vor.u32 s1, v2;
	(pc) =	sbr.rel @p0 .LBB2_16-.Ltmp7, $3  }
0xc7: {  	_ =	sdelay $0x1  }
0xc8: {  	s31 =	sadd.s32 $0x4, s31  }
0xc9: {  	s28 =	sadd.s32 $0x1, s28;
	s0 =	sand.u32 $0x70, s31;
	[tilespmem:v5+s20+$0x0] =	vst.idx.msk $0xffff, v4  }
0xca: {  	_ =	sdelay $0x2  }
0xcb: {  	s1 =	sand.u32 $0x3, s29;
	v3 =	vor.u32 s0, v0;
	s30 =	sshll.u32 s30, $0x7  }
0xcc: {  	v2 =	vld.idx.msk [tilespmem:v2+s17+$0x0], $0xffff;
	s23 =	sor.u32 $0x40, s1;
	v4 =	vshll.u32 v3, $0x7;
	v1 =	vor.u32 s30, v1  }
0xcd: {  	v4 =	vor.u32 s23, v4;
	_ =	sdelay $0x3  }
0xce: {  	s31 =	sshll.u32 s1, $0x7;
	[tilespmem:v1+s20+$0x0] =	vst.idx.msk $0xffff, v2  }
0xcf: {  	v2 =	vor.u32 s31, v3;
	v1 =	vld.idx.msk [tilespmem:v4+s17+$0x0], $0xffff;
	_ =	sdelay $0x4  }
0xd0: {  	[tilespmem:v2+s20+$0x0] =	vst.idx.msk $0xffff, v1  }
0xd1: {  	[hbm4b:s11+s21] =	stream.strided.scatter [tilespmem:s19], [sflag:$0x3], $0x2000, s22, s21, $0x38;
	[tilespmem:$0xA400] =	vst v63  }
0xd2: {  	s26 =	sadd.s32 $0x1, s26;
	_ =	swait.ge [sflag:s14], $0x2000  }
0xd3: {  	p0 =	sne.s32 s26, s13;
	[sflag:s14] =	ssyncset.done $0x0  }
.Ltmp8:
0xd4: {  	[sflag:s14] =	ssyncadd.s32 $0xFFFFE000;
	(pc) =	sbr.rel @p0 .LBB2_1-.Ltmp8, $4  }
0xd5: {  	[hbm4b:s12+s2] =	stream.linear.scatter [tilespmem:s20], [sflag:$0x3], $0x200, $0x38;
	[tilespmem:$0xA400] =	vst v63  }
0xd6: {  	_ =	swait.ge [sflag:s14], $0x200  }
0xd7: {  	[sflag:s14] =	ssyncset.done $0x0  }
0xd8: {  	[sflag:s14] =	ssyncadd.s32 $0xFFFFFE00  }
0xd9: {  	_ =	sfence.sel $0x180000  }
0xda: {  	[bflag:$0x0] =	sbarrier.arrive $0xFFFF  }
0xdb: {  	_ =	strace $0x9000004D  }
0xdc: {  	s0 =	stileid.u32;
	[bflag:$0x2] =	sbarrier.arrive $0xFFFF  }
0xdd: {  	p0 =	sne.s32 s0, $0x0;
	s0 =	rddreg [dreg:$0x4]  }
0xde: {  	s0 =	sadd.s32 @!p0 $0x100000, s0  }
0xdf: {  	[sflag:s0] =	ssyncadd.tile.s32 @!p0 $0x1;
	_ =	shalt  }
.Lfunc_end2:
_tile_overlayer_lowered:
.L_overlay_start_2:
0xe0: {  	(tag) =	ssettag $0x2  }
0xe1: {  	s0 =	rddreg [dreg:$0x0];
	s2 =	stileid.u32  }
0xe2: {  	s1 =	rddreg [dreg:$0x1];
	p0 =	sne.s32 s2, $0x0  }
0xe3: {  	s3 =	rddreg [dreg:$0x2];
	[bflag:$0x3] =	sbarrier.arrive $0xFFFF;
	s2 =	simm.s32 @!p0 $0x1C03  }
0xe4: {  	[timem:s3], [sflag:s2] =	dma.local @!p0 [hbm:s0], s1  }
0xe5: {  	s0 =	simm.s32 @!p0 $0x3  }
0xe6: {  	_ =	swait.ge @!p0 [sflag:s0], s1  }
0xe7: {  	s1 =	ssub.s32 @!p0 $0x0, s1;
	[sflag:s0] =	ssyncset.done @!p0 $0x0  }
0xe8: {  	[sflag:s0] =	ssyncadd.s32 @!p0 s1  }
0xe9: {  	[bflag:$0x3] =	sbarrier.arrive $0xFFFF  }
0xea: {  	_ =	shalt  }

// kernel: sparse-core-data-format-call.cloned.1.call-start
scs
called_computation_lowered:
.L_overlay_start_0:
0x0: {  	s2 =	sld [smem:$0x3FD9]  }
0x1: {  	s3 =	sld [smem:$0x3FFE];
	_ =	sdelay $0x1  }
0x2: {  	s1 =	srdreg.scid  }
0x3: {  	s0 =	sand.u32 $0x1, s1  }
0x4: {  	s18 =	sshll.u32 s0, $0xA;
	s2 =	sadd.s32 s3, s2  }
0x5: {  	s2 =	sadd.s32 s2, s18  }
0x6: {  	[smem:$0x3FC4] =	sst s2  }
0x7: {  	_ = 	snop  }
0x8: {  	s2 =	sld [smem:$0x3FC7];
	(tm) =	ssettm $0x1  }
0x9: {  	s19 =	sld [smem:$0x3FFB];
	_ =	sdelay $0x3  }
0xa: {  	_ =	strace s19  }
0xb: {  	s3 =	sld [smem:$0x3FFC];
	_ =	sdelay $0x3  }
0xc: {  	_ =	strace s3  }
0xd: {  	s3 =	sld [smem:$0x3FFD];
	_ =	sdelay $0x3  }
0xe: {  	_ =	strace s3  }
0xf: {  	_ =	strace $0x8FFFFFFF  }
0x10: {  	s20 =	sld [smem:$0x3FDB];
	_ =	sdelay $0x1  }
0x11: {  	s4 =	simm.s32 $_scs_section_size  }
0x12: {  	s5 =	simm.s32 $_size__tile_overlayer_lowered;
	s6 =	simm.s32 $_tile_overlayer_lowered  }
0x13: {  	s23 =	simm.s32 $0x1BFF;
	s22 =	sshll.u32 s6, $0x1;
	s3 =	sadd.s32 s4, s20  }
0x14: {  	s7 =	simm.s32 $0x0;
	s21 =	sshll.u32 s5, $0x1;
	s5 =	sadd.s32 s22, s3  }
0x15: {  	[timem:s7], [sflag:s23] =	dma.local [hbm:s5], s21  }
0x16: {  	_ =	swait.ge [sflag:s23], s21  }
0x17: {  	s4 =	ssub.s32 $0x0, s21;
	[sflag:s23] =	ssyncset.done $0x0  }
0x18: {  	[sflag:s23] =	ssyncadd.s32 s4;
	_ =	sdelay $0x1  }
0x19: {  	s24 =	simm.s32 $0x1B8B  }
0x1a: {  	_ =	swait.ge [sflag:s24], $0x1  }
0x1b: {  	[sflag:s24] =	ssyncset.done $0x0  }
0x1c: {  	s26 =	simm.s32 $0x1B8E;
	s25 =	sld [smem:$0x3FFE];
	[sflag:s24] =	ssyncadd.s32 $0xFFFFFFFF  }
0x1d: {  	s27 =	simm.s32 $execute0_lowered;
	[smem:$0x3FD2] =	sst s26  }
0x1e: {  	s5 =	sshll.u32 s27, $0x1;
	_ =	strace $0x80000046;
	[dreg:$0x1] =	wrdreg $0xFFFFFFFF  }
0x1f: {  	s28 =	simm.s32 $_size_execute0_lowered;
	s3 =	sadd.s32 s3, s5;
	[dreg:$0x0] =	wrdreg $0x0  }
0x20: {  	s5 =	sshll.u32 s28, $0x1;
	[dreg:$0x2] =	wrdreg s3  }
0x21: {  	[dreg:$0x3] =	wrdreg s5  }
0x22: {  	[dreg:$0x4] =	wrdreg $0xC0  }
0x23: {  	_ =	task [dreg:s7], $0x5FFFF  }
0x24: {  	[dreg:$0x1] =	wrdreg $0xFFFFFFFF  }
0x25: {  	[dreg:$0x0] =	wrdreg $0x60  }
0x26: {  	[dreg:$0x2] =	wrdreg s2  }
0x27: {  	[dreg:$0x3] =	wrdreg s25  }
0x28: {  	[dreg:$0x4] =	wrdreg $0x9  }
0x29: {  	_ =	task.clear_ibuf [dreg:s7], $0x5FFFF;
	_ =	strace $0x90000046  }
0x2a: {  	s29 =	simm.s32 $0x9;
	_ =	strace $0x80000048  }
0x2b: {  	_ =	swait.ge [sflag:s29], $0x1  }
0x2c: {  	[sflag:s29] =	ssyncadd.s32 $0xFFFFFFFF  }
0x2d: {  	_ =	strace $0x90000048  }
0x2e: {  	_ =	sfence  }
0x2f: {  	s30 =	sld [smem:$0x0];
	_ =	sdelay $0x2  }
0x30: {  	s31 =	sshll.u32 s1, $0xD;
	s1 =	sshrl.u32 s1, $0x2  }
0x31: {  	s3 =	sand.u32 $0x4000, s31;
	s1 =	sadd.s32 s1, s30  }
0x32: {  	s0 =	sor.u32 s3, s0;
	s1 =	sshll.u32 s1, $0x11  }
0x33: {  	s0 =	sor.u32 s1, s0  }
0x34: {  	s0 =	sadd.s32 $0x8F2B, s0  }
0x35: {  	[sflag:s0] =	ssyncadd.remote.s32 $0x1  }
0x36: {  	_ =	sfence.sel $0xFFFF  }
0x37: {  	[dreg:$0x0] =	wrdreg $0xFFFFFFFF;
	(pc) =	sbr.abs _section_cstart, $3  }
0x38: {  	[dreg:$0x1] =	wrdreg $0xFFFFFFFF  }
0x39: {  	_ =	task.clear_ibuf [dreg:s7], $0x2FFFF;
	_ =	strace $0x9FFFFFFF  }
0x3a: {  	(tm) =	ssettm $0x7FFFFFFF  }
0x3b: {  	_ =	shalt  }
tec
execute0_lowered:
.L_overlay_start_1:
0x0: {  	(tag) =	ssettag $0x1  }
0x1: {  	s0 =	stileid.u32  }
0x2: {  	s1 =	srdreg.scid;
	s7 =	rddreg [dreg:$0x1];
	s31 =	simm.s32 $0x2  }
0x3: {  	s16 =	simm.s32 $0x0;
	p0 =	por $0x0, $0x0;
	s9 =	simm.s32 $0x800  }
0x4: {  	s15 =	simm.s32 $0x0;
	s10 =	simm.s32 $0x0;
	s11 =	simm.s32 $0x0  }
0x5: {  	s2 =	sshll.u32 s0, $0x7;
	s3 =	sshll.u32 s0, $0x6;
	s4 =	sshll.u32 s1, $0xA  }
0x6: {  	s14 =	simm.s32 $0x0;
	s1 =	sand.u32 $0x80, s2;
	s29 =	sor.u32 s3, s4  }
0x7: {  	s3 =	rddreg [dreg:$0x0];
	s4 =	sand.u32 $0x780, s29;
	s30 =	ssub.s32 $0x100, s1  }
0x8: {  	s5 =	sshrl.u32 s30, $0x7;
	s6 =	ssub.s32 $0x18680, s4;
	s8 =	sshrl.u32 s30, $0x8  }
.Ltmp0:
0x9: {  	s5 =	sand.u32 $0x1, s5;
	s6 =	sshrl.u32 s6, $0xB;
	(pc) =	sbr.rel .LBB1_1-.Ltmp0, $4  }
0xa: {  	s2 =	rddreg [dreg:$0x2];
	s8 =	sadd.s32 s8, s5;
	s6 =	sadd.s32 $0x1, s6  }
0xb: {  	_ =	strace $0x80000047;
	s5 =	simm.s32 $0x1;
	s6 =	smul.u32 s8, s6  }
0xc: {  	s7 =	sadd.s32 $0x1400, s7;
	s13 =	smov.u32 s1;
	[sflag:s5] =	ssyncpa.u1 $0x0  }
0xd: {  	s12 =	smov.u32 s4;
	[sflag:s31] =	ssyncpa.u1 $0x0;
	s8 =	sadd.s32 $0x1, s6  }
.LBB1_4:
0xe: {  	s21 =	sshra.s32 s21, $0x2;
	s22 =	sshll.u32 s10, $0x8  }
0xf: {  	s23 =	sshll.u32 s11, $0x3;
	s24 =	sshll.u32 s10, $0x7;
	s27 =	sand.u32 $0x78, s11  }
0x10: {  	p1 =	sgt.s32 s10, $0x18620;
	s22 =	sand.u32 $0xFFFFF800, s22;
	s23 =	sand.u32 $0xFFFFFC00, s23  }
0x11: {  	s20 =	sadd.s32 s21, s20;
	s26 =	sand.u32 $0x300, s24;
	s28 =	sand.u32 $0x80, s24  }
0x12: {  	v5 =	vld [tilespmem:s18+$0xFFFFFFD0];
	[tilespmem:s19+$0x2040 ss:$0x81] =	vst.msk $0xffff, v4;
	s25 =	sadd.s32 s23, s22;
	s22 =	sor.u32 s27, s28;
	s23 =	smov.u32 s10  }
0x13: {  	v58 =	vld [tilespmem:s18+$0xFFFFFFE0];
	[tilespmem:s19+$0x2850 ss:$0x81] =	vst.msk $0xffff, v3;
	s21 =	sor.u32 s26, s25;
	s23 =	simm.s32 @!p1 $0x18620;
	s25 =	sshra.s32 s10, $0x1F  }
0x14: {  	v59 =	vld [tilespmem:s18+$0xFFFFFFF0];
	[tilespmem:s19+$0x3060 ss:$0x81] =	vst.msk $0xffff, v2;
	p1 =	sgt.s32 s11, $0x80;
	s26 =	sshra.s32 s11, $0x1F;
	s21 =	sshrl.u32 s21, $0x8  }
0x15: {  	v60 =	vld [tilespmem:s18+$0x0];
	[tilespmem:s19+$0x0 ss:$0x81] =	vst.msk $0xffff, v1;
	s30 =	sand.u32 s25, s10;
	s25 =	smov.u32 s11;
	s31 =	sand.u32 s26, s11  }
0x16: {  	v61 =	vld [tilespmem:s18+$0x10];
	[tilespmem:s20+$0x3870 ss:$0x81] =	vst.msk $0xffff, v0;
	s29 =	smulhi.u32 $0x14F8B59, s21;
	s19 =	ssub.s32 s23, s30;
	s25 =	simm.s32 @!p1 $0x80  }
0x17: {  	v62 =	vld [tilespmem:s18+$0x20];
	[tilespmem:s20+$0x810 ss:$0x81] =	vst.msk $0xffff, v5;
	s23 =	ssub.s32 s25, s31;
	s26 =	sadd.s32 $0xFFFE79E0, s19;
	s19 =	ssub.s32 $0x186A0, s19  }
0x18: {  	v63 =	vld [tilespmem:s18+$0xFFFFFFC0];
	[tilespmem:s20+$0x1020 ss:$0x81] =	vst.msk $0xffff, v58;
	s24 =	sshrl.u32 s29, $0x9;
	p1 =	sgt.s32 s26, $0x7F;
	s28 =	sadd.s32 $0xFFFFFF80, s23  }
0x19: {  	[tilespmem:s20+$0x1830 ss:$0x81] =	vst.msk $0xffff, v59;
	s23 =	ssub.s32 $0x100, s23;
	s27 =	smul.u32 $0x186A0, s24;
	p2 =	sgt.s32 s28, $0x7F  }
0x1a: {  	[tilespmem:s20+$0x2040 ss:$0x81] =	vst.msk $0xffff, v60;
	s30 =	sand.u32 $0x7, s11;
	s19 =	simm.s32 @p1 $0x0;
	s23 =	simm.s32 @p2 $0x0  }
0x1b: {  	[tilespmem:s20+$0x2850 ss:$0x81] =	vst.msk $0xffff, v61;
	s29 =	sshrl.u32 s22, $0x3;
	s18 =	ssub.s32 s21, s27;
	s19 =	smul.u32 s23, s19  }
0x1c: {  	[tilespmem:s20+$0x3060 ss:$0x81] =	vst.msk $0xffff, v62;
	s22 =	sshll.u32 s30, $0x12;
	s21 =	sadd.s32 s7, s29;
	s18 =	sshll.u32 s18, $0x5  }
0x1d: {  	[tilespmem:s20+$0x0 ss:$0x81] =	vst.msk $0xffff, v63;
	s31 =	sor.u32 $0x400, s22;
	s19 =	sand.u32 $0x3FFFFFFF, s19;
	s18 =	sadd.s32 s18, s21  }
0x1e: {  	[hbm4b:s18+s31] =	stream.strided.scatter [tilespmem:s17], [sflag:$0x2], s19, s9, s31, $0x20;
	[tilespmem:$0x10100] =	vst v63  }
.LBB1_5:
0x1f: {  	p1 =	slt.u32 s14, $0x2  }
0x20: {  	s18 =	smov.u32 s16;
	p2 =	sgt.s32 @!p1 s16, $0x18620;
	s17 =	sshra.s32 @!p1 s16, $0x1F  }
0x21: {  	p3 =	sgt.s32 @!p1 s15, $0x80;
	s19 =	sshra.s32 @!p1 s15, $0x1F;
	p2 =	por !p2, p1  }
0x22: {  	s16 =	sand.u32 @!p1 s17, s16;
	p3 =	por !p3, p1;
	s17 =	smov.u32 s15  }
0x23: {  	s15 =	sand.u32 @!p1 s19, s15;
	s18 =	simm.s32 @p2 $0x18620;
	s17 =	simm.s32 @p3 $0x80  }
0x24: {  	s16 =	ssub.s32 @!p1 s18, s16;
	s15 =	ssub.s32 @!p1 s17, s15  }
0x25: {  	s19 =	smov.u32 s13;
	s17 =	sadd.s32 @!p1 $0xFFFE79E0, s16;
	s18 =	sadd.s32 @!p1 $0xFFFFFF80, s15  }
0x26: {  	s16 =	ssub.s32 @!p1 $0x186A0, s16;
	p2 =	sgt.s32 @!p1 s17, $0x7F;
	p3 =	sgt.s32 @!p1 s18, $0x7F  }
0x27: {  	s15 =	ssub.s32 @!p1 $0x100, s15;
	p2 =	por !p2, p1;
	p3 =	por !p3, p1  }
0x28: {  	s17 =	sadd.s32 $0x800, s12;
	s16 =	simm.s32 @!p2 $0x0;
	s15 =	simm.s32 @!p3 $0x0  }
0x29: {  	p2 =	sgt.s32 s17, $0x1869F;
	s15 =	smul.u32 @!p1 s15, s16;
	s16 =	sadd.s32 $0x100, s13  }
0x2a: {  	s19 =	smov.u32 @p2 s16  }
0x2b: {  	s17 =	smov.u32 @p2 s4;
	p2 =	sgt.s32 s19, $0xFF  }
0x2c: {  	s19 =	smov.u32 @p2 s1;
	p2 =	sne.s32 s14, s8  }
.Ltmp1:
0x2d: {  	p0 =	por !p0, !p0;
	s18 =	simm.s32 @!p1 $0x2;
	(pc) =	sbr.rel @!p2 .LBB1_6-.Ltmp1, $4  }
0x2e: {  	s16 =	smov.u32 s10;
	s10 =	smov.u32 s12;
	s15 =	sand.u32 @!p1 $0x3FFFFFFF, s15  }
0x2f: {  	s12 =	smov.u32 s17;
	_ =	swait.ge @!p1 [sflag:s18], s15;
	s20 =	ssub.s32 @!p1 $0x0, s15  }
0x30: {  	s15 =	smov.u32 s11;
	s14 =	sadd.s32 $0x1, s14;
	[sflag:s18] =	ssyncset.done @!p1 $0x0  }
0x31: {  	s11 =	smov.u32 s13;
	s13 =	smov.u32 s19;
	[sflag:s18] =	ssyncadd.s32 @!p1 s20  }
.LBB1_1:
0x32: {  	p1 =	sge.u32 s14, s6  }
0x33: {  	s17 =	sshrl.u32 @!p1 s13, $0x3  }
0x34: {  	s18 =	sshll.u32 @!p1 s12, $0x3;
	s17 =	smul.u32 @!p1 $0xC3800, s17  }
0x35: {  	s19 =	sshll.u32 @!p1 s13, $0x7;
	s18 =	sand.u32 @!p1 $0xFFFFFC00, s18  }
0x36: {  	s17 =	sadd.s32 @!p1 s17, s18;
	s18 =	sand.u32 @!p1 $0x380, s19  }
0x37: {  	s19 =	sand.u32 @!p1 $0x7F, s12;
	s17 =	sor.u32 @!p1 s18, s17  }
0x38: {  	s18 =	sor.u32 @!p1 s19, s17  }
0x39: {  	s19 =	smulhi.u32 @!p1 $0xA79C7B17, s18;
	_ =	sdelay $0x1  }
0x3a: {  	s17 =	smulhi.u32 @!p1 $0xA79C7B17, s17;
	s19 =	sshrl.u32 @!p1 s19, $0x10  }
0x3b: {  	s19 =	smul.u32 @!p1 $0x18700, s19  }
0x3c: {  	s31 =	sadd.s32 $0xFFFFFFFF, s14;
	s20 =	sxor.u32 @!p1 $0xFFFFFFFF, s14;
	s17 =	sshrl.u32 @!p1 s17, $0x10  }
0x3d: {  	s20 =	sshll.u32 @!p1 s20, $0xE;
	s17 =	sand.u32 @!p1 $0xFF, s17;
	s18 =	ssub.s32 @!p1 s18, s19  }
0x3e: {  	s17 =	smul.u32 @!p1 $0x30E0, s17;
	s19 =	sshrl.u32 @!p1 s18, $0x3;
	s18 =	sand.u32 @!p1 $0x7, s18  }
0x3f: {  	s20 =	sand.u32 @!p1 $0x4000, s20;
	s19 =	sadd.s32 @!p1 s3, s19;
	s18 =	sshll.u32 @!p1 s18, $0x12  }
0x40: {  	s17 =	sadd.s32 @!p1 s17, s19;
	s18 =	sor.u32 @!p1 $0x400, s18;
	s19 =	simm.s32 @!p1 $0xC3800  }
0x41: {  	[tilespmem:s20], [sflag:$0x1] =	stream.strided.gather @!p1 [hbm4b:s17+s18], $0x4000, s19, s18, $0x38;
	[tilespmem:$0x10100] =	vst v63  }
0x42: {  	p1 =	sge.u32 s31, s6  }
.Ltmp2:
0x43: {  	_ = 	snop;
	(pc) =	sbr.rel @p1 .LBB1_5-.Ltmp2, $1  }
0x44: {  	_ =	sdelay $0x3  }
0x45: {  	s17 =	simm.s32 $0x1  }
0x46: {  	_ =	swait.ge [sflag:s5], $0x4000;
	s17 =	simm.s32 @!p0 $0x0  }
0x47: {  	[sflag:s5] =	ssyncset.done $0x0;
	s18 =	sshll.u32 s17, $0xE  }
0x48: {  	[sflag:s5] =	ssyncadd.s32 $0xFFFFC000;
	s18 =	sor.u32 $0x40, s18  }
0x49: {  	s17 =	smul.u32 $0x10200, s17;
	v0 =	vld [tilespmem:s18+$0x30]  }
0x4a: {  	v1 =	vld [tilespmem:s18+$0xFFFFFFD0]  }
0x4b: {  	s17 =	sshrl.u32 s17, $0x2;
	v5 =	vld [tilespmem:s18+$0xFFFFFFE0]  }
0x4c: {  	v6 =	vld [tilespmem:s18+$0xFFFFFFF0];
	s20 =	sor.u32 $0x8000, s17  }
0x4d: {  	s31 =	sand.u32 $0x1, s14;
	v4 =	vld [tilespmem:s18+$0x0];
	s19 =	sadd.s32 $0x0, s20  }
0x4e: {  	v3 =	vld [tilespmem:s18+$0x10];
	s17 =	smul.u32 $0x10200, s31;
	[tilespmem:s19+$0x3870 ss:$0x81] =	vst.msk $0xffff, v0  }
0x4f: {  	v2 =	vld [tilespmem:s18+$0x20];
	[tilespmem:s19+$0x810 ss:$0x81] =	vst.msk $0xffff, v1  }
0x50: {  	s17 =	sshrl.u32 s17, $0x2;
	v1 =	vld [tilespmem:s18+$0xFFFFFFC0];
	[tilespmem:s19+$0x1020 ss:$0x81] =	vst.msk $0xffff, v5;
	s18 =	sadd.s32 $0x80, s18  }
0x51: {  	s21 =	simm.s32 $0x4;
	s22 =	simm.s32 $0x8;
	s17 =	sor.u32 $0x8000, s17;
	[tilespmem:s19+$0x1830 ss:$0x81] =	vst.msk $0xffff, v6;
	v0 =	vld [tilespmem:s18+$0x30]  }
.LBB1_3:
0x52: {  	p1 =	sne.s32 s22, $0x1FC;
	v5 =	vld [tilespmem:s18+$0xFFFFFFD0];
	[tilespmem:s19+$0x2040 ss:$0x81] =	vst.msk $0xffff, v4  }
0x53: {  	v6 =	vld [tilespmem:s18+$0xFFFFFFE0];
	[tilespmem:s19+$0x2850 ss:$0x81] =	vst.msk $0xffff, v3  }
0x54: {  	s23 =	sshra.s32 s21, $0x2;
	s21 =	smov.u32 s22;
	v7 =	vld [tilespmem:s18+$0xFFFFFFF0];
	[tilespmem:s19+$0x3060 ss:$0x81] =	vst.msk $0xffff, v2  }
.Ltmp3:
0x55: {  	v4 =	vld [tilespmem:s18+$0x0];
	[tilespmem:s19+$0x0 ss:$0x81] =	vst.msk $0xffff, v1;
	s19 =	sadd.s32 s23, s20;
	(pc) =	sbr.rel @p1 .LBB1_3-.Ltmp3, $4  }
0x56: {  	v3 =	vld [tilespmem:s18+$0x10];
	[tilespmem:s19+$0x3870 ss:$0x81] =	vst.msk $0xffff, v0  }
0x57: {  	[tilespmem:s19+$0x810 ss:$0x81] =	vst.msk $0xffff, v5;
	v2 =	vld [tilespmem:s18+$0x20]  }
0x58: {  	v1 =	vld [tilespmem:s18+$0xFFFFFFC0];
	[tilespmem:s19+$0x1020 ss:$0x81] =	vst.msk $0xffff, v6;
	s18 =	sadd.s32 $0x80, s18  }
0x59: {  	s22 =	sadd.s32 $0x4, s22;
	v0 =	vld [tilespmem:s18+$0x30];
	[tilespmem:s19+$0x1830 ss:$0x81] =	vst.msk $0xffff, v7  }
.Ltmp4:
0x5a: {  	_ = 	snop;
	(pc) =	sbr.rel .LBB1_4-.Ltmp4, $1  }
0x5b: {  	_ =	sdelay $0x3  }
.LBB1_6:
0x5c: {  	_ =	sfence.sel $0x180000  }
0x5d: {  	s1 =	simm.s32 $0x1;
	[bflag:$0x0] =	sbarrier.arrive $0xFFFF  }
0x5e: {  	s31 =	simm.s32 $0x2;
	[sflag:s1] =	ssyncpa.u1 $0x1  }
0x5f: {  	[sflag:s31] =	ssyncpa.u1 $0x1  }
0x60: {  	p0 =	sne.s32 s0, $0x0;
	_ =	strace $0x90000047  }
0x61: {  	s0 =	sadd.s32 @!p0 $0x100000, s2;
	[bflag:$0x2] =	sbarrier.arrive $0xFFFF  }
0x62: {  	[sflag:s0] =	ssyncadd.tile.s32 @!p0 $0x1;
	_ =	shalt  }
.Lfunc_end1:
_tile_overlayer_lowered:
.L_overlay_start_2:
0x63: {  	(tag) =	ssettag $0x2  }
0x64: {  	s0 =	rddreg [dreg:$0x0];
	s2 =	stileid.u32  }
0x65: {  	s1 =	rddreg [dreg:$0x1];
	p0 =	sne.s32 s2, $0x0  }
0x66: {  	s3 =	rddreg [dreg:$0x2];
	[bflag:$0x3] =	sbarrier.arrive $0xFFFF;
	s2 =	simm.s32 @!p0 $0x1C01  }
0x67: {  	[timem:s3], [sflag:s2] =	dma.local @!p0 [hbm:s0], s1  }
0x68: {  	s0 =	simm.s32 @!p0 $0x1  }
0x69: {  	_ =	swait.ge @!p0 [sflag:s0], s1  }
0x6a: {  	s1 =	ssub.s32 @!p0 $0x0, s1;
	[sflag:s0] =	ssyncset.done @!p0 $0x0  }
0x6b: {  	[sflag:s0] =	ssyncadd.s32 @!p0 s1  }
0x6c: {  	[bflag:$0x3] =	sbarrier.arrive $0xFFFF  }
0x6d: {  	_ =	shalt  }

</sc_bundles>
